<compile_context>
chip_gen: v7x
topology: tpu7x:2x2x1
jax: 0.10.2.dev20260603
libtpu: 0.0.44.dev20260713+nightly
codegen_flags: <defaults>
</compile_context>

<pallas_src>
import dataclasses

import jax
import jax.numpy as jnp
from jax.experimental import pallas as pl
from jax.experimental.pallas import tpu as pltpu
from jax.experimental.pallas import tpu_sc as plsc

N = 10000
E = 160000
D = 256
HALF = 128
NSUB = 16
EPW = E // NSUB
CHUNK = 200
NCHUNK = EPW // CHUNK
NPAD = 10240
ROWS_PER_SUB = NPAD // NSUB
ZROWS = 32
EPWH = EPW // 2


def _sc_body(au, bu, ai, bi, ii_f, ii_c, ii_b, df, dc, dcb,
             o_fa, o_fb, o_ca, o_cb_, o_ba, o_bb, o_cf, o_cc0, o_cc1, o_cb2,
             acc, rows, idxb, didx, zbuf):
    cid = jax.lax.axis_index("c")
    sid = jax.lax.axis_index("s")

    @pl.loop(0, ZROWS)
    def _(r):
        @pl.loop(0, HALF, step=16)
        def _(c):
            zbuf[r, pl.ds(c, 16)] = jnp.zeros((16,), jnp.float32)

    @pl.loop(0, ROWS_PER_SUB, step=ZROWS)
    def _(r):
        pltpu.sync_copy(zbuf, acc.at[pl.ds(sid * ROWS_PER_SUB + r, ZROWS)])
    plsc.subcore_barrier()

    tasks = (
        (au, ii_f, o_fa, 0, False, False, False),
        (bu, ii_f, o_fb, 1, False, False, False),
        (au, ii_c, o_ca, 1, False, False, False),
        (bu, ii_c, o_cb_, 0, False, False, False),
        (ai, ii_b, o_ba, 0, False, False, False),
        (bi, ii_b, o_bb, 1, False, False, False),
        (None, df, o_cf, 0, False, True, False),
        (None, dc, o_cc0, 0, True, False, True),
        (None, dc, o_cc1, 1, True, True, False),
        (None, dcb, o_cb2, 1, False, False, True),
    )

    for feat, idx, out, core, half, fill1, last in tasks:
        count = feat is None
        pair = count and not half
        epw_t = EPWH if half else EPW
        nchunk_t = epw_t // (2 * CHUNK) if (count and pair) else epw_t // CHUNK
        off = core * NSUB * EPWH if half else 0

        @pl.when(cid == core)
        def _():
            if count:
                if fill1:
                    @pl.loop(0, CHUNK)
                    def _(r):
                        @pl.loop(0, HALF, step=16)
                        def _(c):
                            rows[r, pl.ds(c, 16)] = jnp.ones((16,), jnp.float32)

                if pair:
                    @pl.loop(0, nchunk_t)
                    def _(k):
                        base = off + sid * epw_t + k * 2 * CHUNK
                        pltpu.sync_copy(idx.at[pl.ds(base, 2 * CHUNK)], idxb)
                        pltpu.sync_copy(rows, acc.at[idxb.at[pl.ds(0, CHUNK)]],
                                        add=True)
                        pltpu.sync_copy(rows,
                                        acc.at[idxb.at[pl.ds(CHUNK, CHUNK)]],
                                        add=True)
                else:
                    @pl.loop(0, nchunk_t)
                    def _(k):
                        base = off + sid * epw_t + k * CHUNK
                        pltpu.sync_copy(idx.at[pl.ds(base, CHUNK)], didx)
                        pltpu.sync_copy(rows, acc.at[didx], add=True)
            else:
                @pl.loop(0, nchunk_t)
                def _(k):
                    base = (sid * nchunk_t + k) * 2 * CHUNK
                    pltpu.sync_copy(idx.at[pl.ds(base, 2 * CHUNK)], idxb)
                    pltpu.sync_copy(feat.at[idxb.at[pl.ds(0, CHUNK)]], rows)
                    pltpu.sync_copy(rows, acc.at[idxb.at[pl.ds(CHUNK, CHUNK)]],
                                    add=True)
            plsc.subcore_barrier()

            sl = pl.ds(sid * ROWS_PER_SUB, ROWS_PER_SUB)
            pltpu.sync_copy(acc.at[sl], out.at[sl])
            if not last:
                @pl.loop(0, ROWS_PER_SUB, step=ZROWS)
                def _(r):
                    pltpu.sync_copy(zbuf, acc.at[pl.ds(sid * ROWS_PER_SUB + r, ZROWS)])
            plsc.subcore_barrier()


@jax.jit
def _sc_aggregate(au, bu, ai, bi, ii_f, ii_c, ii_b, df, dc, dcb):
    mesh = plsc.VectorSubcoreMesh(core_axis_name="c", subcore_axis_name="s",
                                  num_cores=2, num_subcores=NSUB)
    sum_t = jax.ShapeDtypeStruct((NPAD, HALF), jnp.float32)
    cnt_t = jax.ShapeDtypeStruct((NPAD, HALF), jnp.float32)
    cp = pltpu.CompilerParams()
    if "needs_layout_passes" in pltpu.CompilerParams.__dataclass_fields__:
        cp = dataclasses.replace(cp, needs_layout_passes=False)
    kern = pl.kernel(
        _sc_body,
        out_type=[sum_t] * 6 + [cnt_t] * 4,
        mesh=mesh,
        compiler_params=cp,
        scratch_types=[
            pltpu.VMEM_SHARED((NPAD, HALF), jnp.float32),
            pltpu.VMEM((CHUNK, HALF), jnp.float32),
            pltpu.VMEM((2 * CHUNK,), jnp.int32),
            pltpu.VMEM((CHUNK,), jnp.int32),
            pltpu.VMEM((ZROWS, HALF), jnp.float32),
        ],
    )
    return kern(au, bu, ai, bi, ii_f, ii_c, ii_b, df, dc, dcb)


def _dot(x, w):
    return jax.lax.dot_general(
        x, w, (((1,), (0,)), ((), ())),
        precision=jax.lax.Precision.HIGHEST,
        preferred_element_type=jnp.float32,
    )


def _mean_linear(sa, sb, cnt, w_ref, b_ref):
    s = jnp.concatenate([sa, sb], axis=1)
    mean = s / jnp.maximum(cnt, 1.0)
    h = _dot(mean, w_ref[...])
    return h + b_ref[...] * (cnt > 0).astype(jnp.float32)


_BLK = 1000
_NB = N // _BLK


def _tc_body(sfa, sfb, cf, sba, sbb, cb, sca, scb_, cc0, cc1,
             wf, bf, wb, bb, wc, bc, out):
    i = pl.program_id(0)

    @pl.when(i < _NB)
    def _():
        hf = _mean_linear(sfa[...], sfb[...], cf[...][:, :1], wf, bf)
        hb = _mean_linear(sba[...], sbb[...], cb[...][:, :1], wb, bb)
        out[...] = hf + hb

    @pl.when(i >= _NB)
    def _():
        cnt = cc0[...][:, :1] + cc1[...][:, :1]
        out[...] = _mean_linear(sca[...], scb_[...], cnt, wc, bc)


def _row_spec():
    return pl.BlockSpec((_BLK, HALF), lambda i: (i % _NB, 0))


def _full_spec(shape):
    return pl.BlockSpec(shape, lambda i: (0, 0))


@jax.jit
def _tc_all(sfa, sfb, cf, sba, sbb, cb, sca, scb_, cc0, cc1,
            wf, bf, wb, bb, wc, bc):
    return pl.pallas_call(
        _tc_body,
        grid=(2 * _NB,),
        in_specs=[_row_spec()] * 10 +
                 [_full_spec((D, D)), _full_spec((1, D))] * 3,
        out_specs=pl.BlockSpec((_BLK, D), lambda i: (i, 0)),
        out_shape=jax.ShapeDtypeStruct((2 * N, D), jnp.float32),
    )(sfa, sfb, cf, sba, sbb, cb, sca, scb_, cc0, cc1,
      wf, bf, wb, bb, wc, bc)


def _ileave(ei):
    return ei.reshape(2, NSUB, NCHUNK, CHUNK).transpose(1, 2, 0, 3).reshape(-1)


def kernel(feat_user, feat_item, ei_follows, ei_clicks, ei_clicked_by,
           W_follows, b_follows, W_clicks, b_clicks, W_clicked_by, b_clicked_by):
    s_fa, s_fb, s_ca, s_cb, s_ba, s_bb, c_f, c_c0, c_c1, c_b = _sc_aggregate(
        feat_user[:, :HALF], feat_user[:, HALF:],
        feat_item[:, :HALF], feat_item[:, HALF:],
        _ileave(ei_follows), _ileave(ei_clicks), _ileave(ei_clicked_by),
        ei_follows[1], ei_clicks[1], ei_clicked_by[1],
    )
    return _tc_all(s_fa, s_fb, c_f, s_ba, s_bb, c_b, s_ca, s_cb, c_c0, c_c1,
                   W_follows, b_follows.reshape(1, D),
                   W_clicked_by, b_clicked_by.reshape(1, D),
                   W_clicks, b_clicks.reshape(1, D))

# --- scband reference (transcript-rebuilt; emitter-appended) ---
"""Pipeline reference for scband-hetero-rgcnlayer-33397665693712 (READ-ONLY COPY).

The authoritative reference and input builder live on the scoring server;
editing this copy changes nothing except your own understanding.
"""

import jax, jax.numpy as jnp
import numpy as np

N_USER = 10000
N_ITEM = 10000
E = 160000
D_IN = 256
D_OUT = 256


def setup_inputs(seed: int = 0) -> dict:
    key = jax.random.key(seed)
    ks = jax.random.split(key, 12)
    scale = 1.0 / np.sqrt(D_IN)
    inp = {
        "feat_user": jax.random.normal(ks[0], (N_USER, D_IN), dtype=jnp.float32),
        "feat_item": jax.random.normal(ks[1], (N_ITEM, D_IN), dtype=jnp.float32),
        "ei_follows": jax.random.randint(ks[2], (2, E), 0, N_USER, dtype=jnp.int32),
        "ei_clicks": jax.random.randint(ks[3], (2, E), 0, N_USER, dtype=jnp.int32),
        "ei_clicked_by": jax.random.randint(ks[4], (2, E), 0, N_USER, dtype=jnp.int32),
        "W_follows": jax.random.normal(ks[5], (D_IN, D_OUT), dtype=jnp.float32) * scale,
        "b_follows": jax.random.normal(ks[6], (D_OUT,), dtype=jnp.float32) * scale,
        "W_clicks": jax.random.normal(ks[7], (D_IN, D_OUT), dtype=jnp.float32) * scale,
        "b_clicks": jax.random.normal(ks[8], (D_OUT,), dtype=jnp.float32) * scale,
        "W_clicked_by": jax.random.normal(ks[9], (D_IN, D_OUT), dtype=jnp.float32) * scale,
        "b_clicked_by": jax.random.normal(ks[10], (D_OUT,), dtype=jnp.float32) * scale,
    }
    # ei_clicks dst indexes item nodes (same count here), ei_clicked_by src indexes item nodes
    return inp


def _mean_agg(Wh, src, dst, num_dst):
    # DGL copy_u -> mean reducer: per-dst mean of gathered src features;
    # dst nodes with zero in-edges get 0 (DGL semantics).
    msg = jnp.take(Wh, src, axis=0)
    s = jax.ops.segment_sum(msg, dst, num_segments=num_dst)
    cnt = jax.ops.segment_sum(jnp.ones((dst.shape[0], 1), Wh.dtype), dst, num_segments=num_dst)
    return s / jnp.maximum(cnt, 1.0)


def reference(feat_user, feat_item, ei_follows, ei_clicks, ei_clicked_by,
              W_follows, b_follows, W_clicks, b_clicks, W_clicked_by, b_clicked_by):
    n_user = feat_user.shape[0]
    n_item = feat_item.shape[0]
    # canonical etypes: (user, follows, user), (user, clicks, item), (item, clicked_by, user)
    Wh_f = feat_user @ W_follows + b_follows
    h_follows = _mean_agg(Wh_f, ei_follows[0], ei_follows[1], n_user)
    Wh_c = feat_user @ W_clicks + b_clicks
    h_clicks = _mean_agg(Wh_c, ei_clicks[0], ei_clicks[1], n_item)
    Wh_cb = feat_item @ W_clicked_by + b_clicked_by
    h_clicked_by = _mean_agg(Wh_cb, ei_clicked_by[0], ei_clicked_by[1], n_user)
    # multi_update_all cross-etype reducer 'sum'
    h_user = h_follows + h_clicked_by
    h_item = h_clicks
    # result dict {user: h_user, item: h_item} concatenated along node axis
    return jnp.concatenate([h_user, h_item], axis=0)

if __name__ == "__main__":
    import jax
    _d = setup_inputs()
    print(jax.jit(kernel)(*tuple(_d.values())))

</pallas_src>

<mosaic_0001>
#map = affine_map<(d0, d1) -> (0, 0)>
#map1 = affine_map<(d0, d1) -> (0)>
module attributes {stable_mosaic.version = 14 : i64} {
  func.func @_sc_body(%arg0: i32, %arg1: i32, %arg2: memref<10000x128xf32, #tpu.memory_space<hbm>>, %arg3: memref<10000x128xf32, #tpu.memory_space<hbm>>, %arg4: memref<10000x128xf32, #tpu.memory_space<hbm>>, %arg5: memref<10000x128xf32, #tpu.memory_space<hbm>>, %arg6: memref<320000xi32, #tpu.memory_space<hbm>>, %arg7: memref<320000xi32, #tpu.memory_space<hbm>>, %arg8: memref<320000xi32, #tpu.memory_space<hbm>>, %arg9: memref<160000xi32, #tpu.memory_space<hbm>>, %arg10: memref<160000xi32, #tpu.memory_space<hbm>>, %arg11: memref<160000xi32, #tpu.memory_space<hbm>>, %arg12: memref<10240x128xf32, #tpu.memory_space<hbm>>, %arg13: memref<10240x128xf32, #tpu.memory_space<hbm>>, %arg14: memref<10240x128xf32, #tpu.memory_space<hbm>>, %arg15: memref<10240x128xf32, #tpu.memory_space<hbm>>, %arg16: memref<10240x128xf32, #tpu.memory_space<hbm>>, %arg17: memref<10240x128xf32, #tpu.memory_space<hbm>>, %arg18: memref<10240x128xf32, #tpu.memory_space<hbm>>, %arg19: memref<10240x128xf32, #tpu.memory_space<hbm>>, %arg20: memref<10240x128xf32, #tpu.memory_space<hbm>>, %arg21: memref<10240x128xf32, #tpu.memory_space<hbm>>, %arg22: memref<10240x128xf32, #tpu.memory_space<vmem_shared>>, %arg23: memref<200x128xf32, #tpu.memory_space<vmem>>, %arg24: memref<400xi32, #tpu.memory_space<vmem>>, %arg25: memref<200xi32, #tpu.memory_space<vmem>>, %arg26: memref<32x128xf32, #tpu.memory_space<vmem>>) attributes {dimension_semantics = [#tpu.dimension_semantics<core_parallel>, #tpu.dimension_semantics<subcore_parallel>], iteration_bounds = array<i64: 2, 16>, scalar_prefetch = 0 : i64, scratch_operands = 5 : i64, tpu.core_type = #tpu.core_type<sc_vector_subcore>, window_params = [{transform_indices = #map}, {transform_indices = #map}, {transform_indices = #map}, {transform_indices = #map}, {transform_indices = #map1}, {transform_indices = #map1}, {transform_indices = #map1}, {transform_indices = #map1}, {transform_indices = #map1}, {transform_indices = #map1}, {transform_indices = #map}, {transform_indices = #map}, {transform_indices = #map}, {transform_indices = #map}, {transform_indices = #map}, {transform_indices = #map}, {transform_indices = #map}, {transform_indices = #map}, {transform_indices = #map}, {transform_indices = #map}]} {
    %scan3A = arith.constant 0 : i32
    %scan3A_0 = arith.constant 32 : i32
    %scan3A_1 = arith.addi %scan3A, %scan3A_0 : i32
    %scan3A_2 = arith.constant 1 : i32
    scf.for %scan3A_56 = %scan3A to %scan3A_1 step %scan3A_2  : i32 {
      %mul3A = arith.constant 1 : i32
      %mul3A_57 = arith.muli %scan3A_56, %mul3A : i32
      %add3A = arith.constant 0 : i32
      %add3A_58 = arith.addi %add3A, %mul3A_57 : i32
      %scan3A_59 = arith.constant 0 : i32
      %scan3A_60 = arith.constant 8 : i32
      %scan3A_61 = arith.addi %scan3A_59, %scan3A_60 : i32
      %scan3A_62 = arith.constant 1 : i32
      scf.for %scan3A_64 = %scan3A_59 to %scan3A_61 step %scan3A_62  : i32 {
        %mul3A_65 = arith.constant 16 : i32
        %mul3A_66 = arith.muli %scan3A_64, %mul3A_65 : i32
        %add3A_67 = arith.constant 0 : i32
        %add3A_68 = arith.addi %add3A_67, %mul3A_66 : i32
        %broadcast_in_dim3A = arith.constant 0.000000e+00 : f32
        %broadcast_in_dim3A_69 = vector.broadcast %broadcast_in_dim3A : f32 to vector<16xf32>
        %swap3A = arith.index_cast %add3A_58 : i32 to index
        %swap3A_70 = arith.index_cast %add3A_68 : i32 to index
        %swap3A_71 = tpu.vector_load %arg26[%swap3A, %swap3A_70] {strides = array<i32>} : memref<32x128xf32, #tpu.memory_space<vmem>>, vector<16xf32>,
        tpu.vector_store %arg26[%swap3A, %swap3A_70], %broadcast_in_dim3A_69 {strides = array<i32>} : memref<32x128xf32, #tpu.memory_space<vmem>>, vector<16xf32>,
      }
      %scan3A_63 = arith.constant 8 : i32
    }
    %scan3A_3 = arith.constant 32 : i32
    %scan3A_4 = arith.constant 0 : i32
    %scan3A_5 = arith.constant 20 : i32
    %scan3A_6 = arith.addi %scan3A_4, %scan3A_5 : i32
    %scan3A_7 = arith.constant 1 : i32
    scf.for %scan3A_56 = %scan3A_4 to %scan3A_6 step %scan3A_7  : i32 {
      %mul3A = arith.constant 32 : i32
      %mul3A_57 = arith.muli %scan3A_56, %mul3A : i32
      %add3A = arith.constant 0 : i32
      %add3A_58 = arith.addi %add3A, %mul3A_57 : i32
      %mul3A_59 = arith.constant 640 : i32
      %mul3A_60 = arith.muli %arg1, %mul3A_59 : i32
      %add3A_61 = arith.addi %mul3A_60, %add3A_58 : i32
      "tpu.region"() ({
        %run_scoped3A = tpu.sem_alloc : memref<!tpu.dma_semaphore, #tpu.memory_space<semaphore_mem>>
        %dma_start3A = arith.constant 0 : i32
        %dma_start3A_62 = tpu.memref_slice %arg22[%add3A_61, %dma_start3A] : memref<10240x128xf32, #tpu.memory_space<vmem_shared>> -> memref<32x128xf32, #tpu.memory_space<vmem_shared>>
        %dma_start3A_63 = arith.constant 0 : i32
        %dma_start3A_64 = tpu.memref_slice %arg22[%add3A_61, %dma_start3A_63] : memref<10240x128xf32, #tpu.memory_space<vmem_shared>> -> memref<32x128xf32, #tpu.memory_space<vmem_shared>>
        tpu.enqueue_dma source(%arg26 : memref<32x128xf32, #tpu.memory_space<vmem>>) target(%dma_start3A_64 : memref<32x128xf32, #tpu.memory_space<vmem_shared>>) target_semaphore(%run_scoped3A : memref<!tpu.dma_semaphore, #tpu.memory_space<semaphore_mem>>)
        %dma_wait3A = arith.constant 0 : i32
        %dma_wait3A_65 = tpu.memref_slice %arg22[%add3A_61, %dma_wait3A] : memref<10240x128xf32, #tpu.memory_space<vmem_shared>> -> memref<32x128xf32, #tpu.memory_space<vmem_shared>>
        %dma_wait3A_66 = arith.constant 0 : i32
        %dma_wait3A_67 = tpu.memref_slice %arg22[%add3A_61, %dma_wait3A_66] : memref<10240x128xf32, #tpu.memory_space<vmem_shared>> -> memref<32x128xf32, #tpu.memory_space<vmem_shared>>
        tpu.wait_dma2 semaphore(%run_scoped3A : memref<!tpu.dma_semaphore, #tpu.memory_space<semaphore_mem>>) src(%arg26 : memref<32x128xf32, #tpu.memory_space<vmem>>) dst(%dma_wait3A_67 : memref<32x128xf32, #tpu.memory_space<vmem_shared>>)
        tpu.yield
      }) : () -> ()
    }
    %scan3A_8 = arith.constant 20 : i32
    %barrier3A = arith.constant 0 : index
    tpu.barrier barrier_id(%barrier3A)
    %eq3A = arith.constant 0 : i32
    %eq3A_9 = arith.cmpi eq, %arg0, %eq3A : i32
    %convert_element_type3A = arith.extui %eq3A_9 : i1 to i32
    %cond3A = arith.constant 0 : i32
    %cond3A_10 = arith.cmpi ne, %convert_element_type3A, %cond3A : i32
    scf.if %cond3A_10 {
      %scan3A_56 = arith.constant 0 : i32
      %scan3A_57 = arith.constant 50 : i32
      %scan3A_58 = arith.addi %scan3A_56, %scan3A_57 : i32
      %scan3A_59 = arith.constant 1 : i32
      scf.for %scan3A_69 = %scan3A_56 to %scan3A_58 step %scan3A_59  : i32 {
        %mul3A_70 = arith.constant 1 : i32
        %mul3A_71 = arith.muli %scan3A_69, %mul3A_70 : i32
        %add3A = arith.constant 0 : i32
        %add3A_72 = arith.addi %add3A, %mul3A_71 : i32
        %mul3A_73 = arith.constant 50 : i32
        %mul3A_74 = arith.muli %arg1, %mul3A_73 : i32
        %add3A_75 = arith.addi %mul3A_74, %add3A_72 : i32
        %mul3A_76 = arith.constant 2 : i32
        %mul3A_77 = arith.muli %add3A_75, %mul3A_76 : i32
        %mul3A_78 = arith.constant 200 : i32
        %mul3A_79 = arith.muli %mul3A_77, %mul3A_78 : i32
        "tpu.region"() ({
          %run_scoped3A = tpu.sem_alloc : memref<!tpu.dma_semaphore, #tpu.memory_space<semaphore_mem>>
          %dma_start3A = tpu.memref_slice %arg6[%mul3A_79] : memref<320000xi32, #tpu.memory_space<hbm>> -> memref<400xi32, #tpu.memory_space<hbm>>
          %dma_start3A_80 = tpu.memref_slice %arg6[%mul3A_79] : memref<320000xi32, #tpu.memory_space<hbm>> -> memref<400xi32, #tpu.memory_space<hbm>>
          tpu.enqueue_dma source(%dma_start3A_80 : memref<400xi32, #tpu.memory_space<hbm>>) target(%arg24 : memref<400xi32, #tpu.memory_space<vmem>>) target_semaphore(%run_scoped3A : memref<!tpu.dma_semaphore, #tpu.memory_space<semaphore_mem>>)
          %dma_wait3A = tpu.memref_slice %arg6[%mul3A_79] : memref<320000xi32, #tpu.memory_space<hbm>> -> memref<400xi32, #tpu.memory_space<hbm>>
          %dma_wait3A_81 = tpu.memref_slice %arg6[%mul3A_79] : memref<320000xi32, #tpu.memory_space<hbm>> -> memref<400xi32, #tpu.memory_space<hbm>>
          tpu.wait_dma2 semaphore(%run_scoped3A : memref<!tpu.dma_semaphore, #tpu.memory_space<semaphore_mem>>) src(%dma_wait3A_81 : memref<400xi32, #tpu.memory_space<hbm>>) dst(%arg24 : memref<400xi32, #tpu.memory_space<vmem>>)
          tpu.yield
        }) : () -> ()
        "tpu.region"() ({
          %run_scoped3A = tpu.sem_alloc : memref<!tpu.dma_semaphore, #tpu.memory_space<semaphore_mem>>
          %dma_start3A = arith.constant 0 : i32
          %dma_start3A_80 = tpu.memref_slice %arg24[%dma_start3A] : memref<400xi32, #tpu.memory_space<vmem>> -> memref<200xi32, #tpu.memory_space<vmem>>
          %dma_start3A_81 = arith.constant 0 : i32
          %dma_start3A_82 = arith.constant 0 : i32
          %dma_start3A_83 = tpu.memref_slice %arg2[%dma_start3A_81, %dma_start3A_82] : memref<10000x128xf32, #tpu.memory_space<hbm>> -> memref<10000x128xf32, #tpu.memory_space<hbm>>
          tpu.enqueue_indirect_dma source(%dma_start3A_83 : memref<10000x128xf32, #tpu.memory_space<hbm>>) target(%arg23 : memref<200x128xf32, #tpu.memory_space<vmem>>) offsets(%dma_start3A_80 : memref<200xi32, #tpu.memory_space<vmem>>) semaphore(%run_scoped3A : memref<!tpu.dma_semaphore, #tpu.memory_space<semaphore_mem>>)
          %dma_wait3A = arith.constant 0 : i32
          %dma_wait3A_84 = tpu.memref_slice %arg24[%dma_wait3A] : memref<400xi32, #tpu.memory_space<vmem>> -> memref<200xi32, #tpu.memory_space<vmem>>
          %dma_wait3A_85 = arith.constant 0 : i32
          %dma_wait3A_86 = arith.constant 0 : i32
          %dma_wait3A_87 = tpu.memref_slice %arg2[%dma_wait3A_85, %dma_wait3A_86] : memref<10000x128xf32, #tpu.memory_space<hbm>> -> memref<10000x128xf32, #tpu.memory_space<hbm>>
          tpu.wait_indirect_dma semaphore(%run_scoped3A : memref<!tpu.dma_semaphore, #tpu.memory_space<semaphore_mem>>) src(%dma_wait3A_87 : memref<10000x128xf32, #tpu.memory_space<hbm>>) dst(%arg23 : memref<200x128xf32, #tpu.memory_space<vmem>>)
          tpu.yield
        }) : () -> ()
        "tpu.region"() ({
          %run_scoped3A = tpu.sem_alloc : memref<!tpu.dma_semaphore, #tpu.memory_space<semaphore_mem>>
          %dma_start3A = arith.constant 200 : i32
          %dma_start3A_80 = tpu.memref_slice %arg24[%dma_start3A] : memref<400xi32, #tpu.memory_space<vmem>> -> memref<200xi32, #tpu.memory_space<vmem>>
          %dma_start3A_81 = arith.constant 0 : i32
          %dma_start3A_82 = arith.constant 0 : i32
          %dma_start3A_83 = tpu.memref_slice %arg22[%dma_start3A_81, %dma_start3A_82] : memref<10240x128xf32, #tpu.memory_space<vmem_shared>> -> memref<10240x128xf32, #tpu.memory_space<vmem_shared>>
          tpu.enqueue_indirect_dma source(%arg23 : memref<200x128xf32, #tpu.memory_space<vmem>>) target(%dma_start3A_83 : memref<10240x128xf32, #tpu.memory_space<vmem_shared>>) offsets(%dma_start3A_80 : memref<200xi32, #tpu.memory_space<vmem>>) semaphore(%run_scoped3A : memref<!tpu.dma_semaphore, #tpu.memory_space<semaphore_mem>>) {add = true}
          %dma_wait3A = arith.constant 200 : i32
          %dma_wait3A_84 = tpu.memref_slice %arg24[%dma_wait3A] : memref<400xi32, #tpu.memory_space<vmem>> -> memref<200xi32, #tpu.memory_space<vmem>>
          %dma_wait3A_85 = arith.constant 0 : i32
          %dma_wait3A_86 = arith.constant 0 : i32
          %dma_wait3A_87 = tpu.memref_slice %arg22[%dma_wait3A_85, %dma_wait3A_86] : memref<10240x128xf32, #tpu.memory_space<vmem_shared>> -> memref<10240x128xf32, #tpu.memory_space<vmem_shared>>
          tpu.wait_indirect_dma semaphore(%run_scoped3A : memref<!tpu.dma_semaphore, #tpu.memory_space<semaphore_mem>>) src(%arg23 : memref<200x128xf32, #tpu.memory_space<vmem>>) dst(%dma_wait3A_87 : memref<10240x128xf32, #tpu.memory_space<vmem_shared>>)
          tpu.yield
        }) : () -> ()
      }
      %scan3A_60 = arith.constant 50 : i32
      %barrier3A_61 = arith.constant 0 : index
      tpu.barrier barrier_id(%barrier3A_61)
      %mul3A = arith.constant 640 : i32
      %mul3A_62 = arith.muli %arg1, %mul3A : i32
      "tpu.region"() ({
        %run_scoped3A = tpu.sem_alloc : memref<!tpu.dma_semaphore, #tpu.memory_space<semaphore_mem>>
        %dma_start3A = arith.constant 0 : i32
        %dma_start3A_69 = tpu.memref_slice %arg12[%mul3A_62, %dma_start3A] : memref<10240x128xf32, #tpu.memory_space<hbm>> -> memref<640x128xf32, #tpu.memory_space<hbm>>
        %dma_start3A_70 = arith.constant 0 : i32
        %dma_start3A_71 = tpu.memref_slice %arg22[%mul3A_62, %dma_start3A_70] : memref<10240x128xf32, #tpu.memory_space<vmem_shared>> -> memref<640x128xf32, #tpu.memory_space<vmem_shared>>
        tpu.enqueue_dma source(%dma_start3A_71 : memref<640x128xf32, #tpu.memory_space<vmem_shared>>) target(%dma_start3A_69 : memref<640x128xf32, #tpu.memory_space<hbm>>) target_semaphore(%run_scoped3A : memref<!tpu.dma_semaphore, #tpu.memory_space<semaphore_mem>>)
        %dma_wait3A = arith.constant 0 : i32
        %dma_wait3A_72 = tpu.memref_slice %arg12[%mul3A_62, %dma_wait3A] : memref<10240x128xf32, #tpu.memory_space<hbm>> -> memref<640x128xf32, #tpu.memory_space<hbm>>
        %dma_wait3A_73 = arith.constant 0 : i32
        %dma_wait3A_74 = tpu.memref_slice %arg22[%mul3A_62, %dma_wait3A_73] : memref<10240x128xf32, #tpu.memory_space<vmem_shared>> -> memref<640x128xf32, #tpu.memory_space<vmem_shared>>
        tpu.wait_dma2 semaphore(%run_scoped3A : memref<!tpu.dma_semaphore, #tpu.memory_space<semaphore_mem>>) src(%dma_wait3A_74 : memref<640x128xf32, #tpu.memory_space<vmem_shared>>) dst(%dma_wait3A_72 : memref<640x128xf32, #tpu.memory_space<hbm>>)
        tpu.yield
      }) : () -> ()
      %scan3A_63 = arith.constant 0 : i32
      %scan3A_64 = arith.constant 20 : i32
      %scan3A_65 = arith.addi %scan3A_63, %scan3A_64 : i32
      %scan3A_66 = arith.constant 1 : i32
      scf.for %scan3A_69 = %scan3A_63 to %scan3A_65 step %scan3A_66  : i32 {
        %mul3A_70 = arith.constant 32 : i32
        %mul3A_71 = arith.muli %scan3A_69, %mul3A_70 : i32
        %add3A = arith.constant 0 : i32
        %add3A_72 = arith.addi %add3A, %mul3A_71 : i32
        %mul3A_73 = arith.constant 640 : i32
        %mul3A_74 = arith.muli %arg1, %mul3A_73 : i32
        %add3A_75 = arith.addi %mul3A_74, %add3A_72 : i32
        "tpu.region"() ({
          %run_scoped3A = tpu.sem_alloc : memref<!tpu.dma_semaphore, #tpu.memory_space<semaphore_mem>>
          %dma_start3A = arith.constant 0 : i32
          %dma_start3A_76 = tpu.memref_slice %arg22[%add3A_75, %dma_start3A] : memref<10240x128xf32, #tpu.memory_space<vmem_shared>> -> memref<32x128xf32, #tpu.memory_space<vmem_shared>>
          %dma_start3A_77 = arith.constant 0 : i32
          %dma_start3A_78 = tpu.memref_slice %arg22[%add3A_75, %dma_start3A_77] : memref<10240x128xf32, #tpu.memory_space<vmem_shared>> -> memref<32x128xf32, #tpu.memory_space<vmem_shared>>
          tpu.enqueue_dma source(%arg26 : memref<32x128xf32, #tpu.memory_space<vmem>>) target(%dma_start3A_78 : memref<32x128xf32, #tpu.memory_space<vmem_shared>>) target_semaphore(%run_scoped3A : memref<!tpu.dma_semaphore, #tpu.memory_space<semaphore_mem>>)
          %dma_wait3A = arith.constant 0 : i32
          %dma_wait3A_79 = tpu.memref_slice %arg22[%add3A_75, %dma_wait3A] : memref<10240x128xf32, #tpu.memory_space<vmem_shared>> -> memref<32x128xf32, #tpu.memory_space<vmem_shared>>
          %dma_wait3A_80 = arith.constant 0 : i32
          %dma_wait3A_81 = tpu.memref_slice %arg22[%add3A_75, %dma_wait3A_80] : memref<10240x128xf32, #tpu.memory_space<vmem_shared>> -> memref<32x128xf32, #tpu.memory_space<vmem_shared>>
          tpu.wait_dma2 semaphore(%run_scoped3A : memref<!tpu.dma_semaphore, #tpu.memory_space<semaphore_mem>>) src(%arg26 : memref<32x128xf32, #tpu.memory_space<vmem>>) dst(%dma_wait3A_81 : memref<32x128xf32, #tpu.memory_space<vmem_shared>>)
          tpu.yield
        }) : () -> ()
      }
      %scan3A_67 = arith.constant 20 : i32
      %barrier3A_68 = arith.constant 0 : index
      tpu.barrier barrier_id(%barrier3A_68)
    } else {
    }
    %eq3A_11 = arith.constant 1 : i32
    %eq3A_12 = arith.cmpi eq, %arg0, %eq3A_11 : i32
    %convert_element_type3A_13 = arith.extui %eq3A_12 : i1 to i32
    %cond3A_14 = arith.constant 0 : i32
    %cond3A_15 = arith.cmpi ne, %convert_element_type3A_13, %cond3A_14 : i32
    scf.if %cond3A_15 {
      %scan3A_56 = arith.constant 0 : i32
      %scan3A_57 = arith.constant 50 : i32
      %scan3A_58 = arith.addi %scan3A_56, %scan3A_57 : i32
      %scan3A_59 = arith.constant 1 : i32
      scf.for %scan3A_69 = %scan3A_56 to %scan3A_58 step %scan3A_59  : i32 {
        %mul3A_70 = arith.constant 1 : i32
        %mul3A_71 = arith.muli %scan3A_69, %mul3A_70 : i32
        %add3A = arith.constant 0 : i32
        %add3A_72 = arith.addi %add3A, %mul3A_71 : i32
        %mul3A_73 = arith.constant 50 : i32
        %mul3A_74 = arith.muli %arg1, %mul3A_73 : i32
        %add3A_75 = arith.addi %mul3A_74, %add3A_72 : i32
        %mul3A_76 = arith.constant 2 : i32
        %mul3A_77 = arith.muli %add3A_75, %mul3A_76 : i32
        %mul3A_78 = arith.constant 200 : i32
        %mul3A_79 = arith.muli %mul3A_77, %mul3A_78 : i32
        "tpu.region"() ({
          %run_scoped3A = tpu.sem_alloc : memref<!tpu.dma_semaphore, #tpu.memory_space<semaphore_mem>>
          %dma_start3A = tpu.memref_slice %arg6[%mul3A_79] : memref<320000xi32, #tpu.memory_space<hbm>> -> memref<400xi32, #tpu.memory_space<hbm>>
          %dma_start3A_80 = tpu.memref_slice %arg6[%mul3A_79] : memref<320000xi32, #tpu.memory_space<hbm>> -> memref<400xi32, #tpu.memory_space<hbm>>
          tpu.enqueue_dma source(%dma_start3A_80 : memref<400xi32, #tpu.memory_space<hbm>>) target(%arg24 : memref<400xi32, #tpu.memory_space<vmem>>) target_semaphore(%run_scoped3A : memref<!tpu.dma_semaphore, #tpu.memory_space<semaphore_mem>>)
          %dma_wait3A = tpu.memref_slice %arg6[%mul3A_79] : memref<320000xi32, #tpu.memory_space<hbm>> -> memref<400xi32, #tpu.memory_space<hbm>>
          %dma_wait3A_81 = tpu.memref_slice %arg6[%mul3A_79] : memref<320000xi32, #tpu.memory_space<hbm>> -> memref<400xi32, #tpu.memory_space<hbm>>
          tpu.wait_dma2 semaphore(%run_scoped3A : memref<!tpu.dma_semaphore, #tpu.memory_space<semaphore_mem>>) src(%dma_wait3A_81 : memref<400xi32, #tpu.memory_space<hbm>>) dst(%arg24 : memref<400xi32, #tpu.memory_space<vmem>>)
          tpu.yield
        }) : () -> ()
        "tpu.region"() ({
          %run_scoped3A = tpu.sem_alloc : memref<!tpu.dma_semaphore, #tpu.memory_space<semaphore_mem>>
          %dma_start3A = arith.constant 0 : i32
          %dma_start3A_80 = tpu.memref_slice %arg24[%dma_start3A] : memref<400xi32, #tpu.memory_space<vmem>> -> memref<200xi32, #tpu.memory_space<vmem>>
          %dma_start3A_81 = arith.constant 0 : i32
          %dma_start3A_82 = arith.constant 0 : i32
          %dma_start3A_83 = tpu.memref_slice %arg3[%dma_start3A_81, %dma_start3A_82] : memref<10000x128xf32, #tpu.memory_space<hbm>> -> memref<10000x128xf32, #tpu.memory_space<hbm>>
          tpu.enqueue_indirect_dma source(%dma_start3A_83 : memref<10000x128xf32, #tpu.memory_space<hbm>>) target(%arg23 : memref<200x128xf32, #tpu.memory_space<vmem>>) offsets(%dma_start3A_80 : memref<200xi32, #tpu.memory_space<vmem>>) semaphore(%run_scoped3A : memref<!tpu.dma_semaphore, #tpu.memory_space<semaphore_mem>>)
          %dma_wait3A = arith.constant 0 : i32
          %dma_wait3A_84 = tpu.memref_slice %arg24[%dma_wait3A] : memref<400xi32, #tpu.memory_space<vmem>> -> memref<200xi32, #tpu.memory_space<vmem>>
          %dma_wait3A_85 = arith.constant 0 : i32
          %dma_wait3A_86 = arith.constant 0 : i32
          %dma_wait3A_87 = tpu.memref_slice %arg3[%dma_wait3A_85, %dma_wait3A_86] : memref<10000x128xf32, #tpu.memory_space<hbm>> -> memref<10000x128xf32, #tpu.memory_space<hbm>>
          tpu.wait_indirect_dma semaphore(%run_scoped3A : memref<!tpu.dma_semaphore, #tpu.memory_space<semaphore_mem>>) src(%dma_wait3A_87 : memref<10000x128xf32, #tpu.memory_space<hbm>>) dst(%arg23 : memref<200x128xf32, #tpu.memory_space<vmem>>)
          tpu.yield
        }) : () -> ()
        "tpu.region"() ({
          %run_scoped3A = tpu.sem_alloc : memref<!tpu.dma_semaphore, #tpu.memory_space<semaphore_mem>>
          %dma_start3A = arith.constant 200 : i32
          %dma_start3A_80 = tpu.memref_slice %arg24[%dma_start3A] : memref<400xi32, #tpu.memory_space<vmem>> -> memref<200xi32, #tpu.memory_space<vmem>>
          %dma_start3A_81 = arith.constant 0 : i32
          %dma_start3A_82 = arith.constant 0 : i32
          %dma_start3A_83 = tpu.memref_slice %arg22[%dma_start3A_81, %dma_start3A_82] : memref<10240x128xf32, #tpu.memory_space<vmem_shared>> -> memref<10240x128xf32, #tpu.memory_space<vmem_shared>>
          tpu.enqueue_indirect_dma source(%arg23 : memref<200x128xf32, #tpu.memory_space<vmem>>) target(%dma_start3A_83 : memref<10240x128xf32, #tpu.memory_space<vmem_shared>>) offsets(%dma_start3A_80 : memref<200xi32, #tpu.memory_space<vmem>>) semaphore(%run_scoped3A : memref<!tpu.dma_semaphore, #tpu.memory_space<semaphore_mem>>) {add = true}
          %dma_wait3A = arith.constant 200 : i32
          %dma_wait3A_84 = tpu.memref_slice %arg24[%dma_wait3A] : memref<400xi32, #tpu.memory_space<vmem>> -> memref<200xi32, #tpu.memory_space<vmem>>
          %dma_wait3A_85 = arith.constant 0 : i32
          %dma_wait3A_86 = arith.constant 0 : i32
          %dma_wait3A_87 = tpu.memref_slice %arg22[%dma_wait3A_85, %dma_wait3A_86] : memref<10240x128xf32, #tpu.memory_space<vmem_shared>> -> memref<10240x128xf32, #tpu.memory_space<vmem_shared>>
          tpu.wait_indirect_dma semaphore(%run_scoped3A : memref<!tpu.dma_semaphore, #tpu.memory_space<semaphore_mem>>) src(%arg23 : memref<200x128xf32, #tpu.memory_space<vmem>>) dst(%dma_wait3A_87 : memref<10240x128xf32, #tpu.memory_space<vmem_shared>>)
          tpu.yield
        }) : () -> ()
      }
      %scan3A_60 = arith.constant 50 : i32
      %barrier3A_61 = arith.constant 0 : index
      tpu.barrier barrier_id(%barrier3A_61)
      %mul3A = arith.constant 640 : i32
      %mul3A_62 = arith.muli %arg1, %mul3A : i32
      "tpu.region"() ({
        %run_scoped3A = tpu.sem_alloc : memref<!tpu.dma_semaphore, #tpu.memory_space<semaphore_mem>>
        %dma_start3A = arith.constant 0 : i32
        %dma_start3A_69 = tpu.memref_slice %arg13[%mul3A_62, %dma_start3A] : memref<10240x128xf32, #tpu.memory_space<hbm>> -> memref<640x128xf32, #tpu.memory_space<hbm>>
        %dma_start3A_70 = arith.constant 0 : i32
        %dma_start3A_71 = tpu.memref_slice %arg22[%mul3A_62, %dma_start3A_70] : memref<10240x128xf32, #tpu.memory_space<vmem_shared>> -> memref<640x128xf32, #tpu.memory_space<vmem_shared>>
        tpu.enqueue_dma source(%dma_start3A_71 : memref<640x128xf32, #tpu.memory_space<vmem_shared>>) target(%dma_start3A_69 : memref<640x128xf32, #tpu.memory_space<hbm>>) target_semaphore(%run_scoped3A : memref<!tpu.dma_semaphore, #tpu.memory_space<semaphore_mem>>)
        %dma_wait3A = arith.constant 0 : i32
        %dma_wait3A_72 = tpu.memref_slice %arg13[%mul3A_62, %dma_wait3A] : memref<10240x128xf32, #tpu.memory_space<hbm>> -> memref<640x128xf32, #tpu.memory_space<hbm>>
        %dma_wait3A_73 = arith.constant 0 : i32
        %dma_wait3A_74 = tpu.memref_slice %arg22[%mul3A_62, %dma_wait3A_73] : memref<10240x128xf32, #tpu.memory_space<vmem_shared>> -> memref<640x128xf32, #tpu.memory_space<vmem_shared>>
        tpu.wait_dma2 semaphore(%run_scoped3A : memref<!tpu.dma_semaphore, #tpu.memory_space<semaphore_mem>>) src(%dma_wait3A_74 : memref<640x128xf32, #tpu.memory_space<vmem_shared>>) dst(%dma_wait3A_72 : memref<640x128xf32, #tpu.memory_space<hbm>>)
        tpu.yield
      }) : () -> ()
      %scan3A_63 = arith.constant 0 : i32
      %scan3A_64 = arith.constant 20 : i32
      %scan3A_65 = arith.addi %scan3A_63, %scan3A_64 : i32
      %scan3A_66 = arith.constant 1 : i32
      scf.for %scan3A_69 = %scan3A_63 to %scan3A_65 step %scan3A_66  : i32 {
        %mul3A_70 = arith.constant 32 : i32
        %mul3A_71 = arith.muli %scan3A_69, %mul3A_70 : i32
        %add3A = arith.constant 0 : i32
        %add3A_72 = arith.addi %add3A, %mul3A_71 : i32
        %mul3A_73 = arith.constant 640 : i32
        %mul3A_74 = arith.muli %arg1, %mul3A_73 : i32
        %add3A_75 = arith.addi %mul3A_74, %add3A_72 : i32
        "tpu.region"() ({
          %run_scoped3A = tpu.sem_alloc : memref<!tpu.dma_semaphore, #tpu.memory_space<semaphore_mem>>
          %dma_start3A = arith.constant 0 : i32
          %dma_start3A_76 = tpu.memref_slice %arg22[%add3A_75, %dma_start3A] : memref<10240x128xf32, #tpu.memory_space<vmem_shared>> -> memref<32x128xf32, #tpu.memory_space<vmem_shared>>
          %dma_start3A_77 = arith.constant 0 : i32
          %dma_start3A_78 = tpu.memref_slice %arg22[%add3A_75, %dma_start3A_77] : memref<10240x128xf32, #tpu.memory_space<vmem_shared>> -> memref<32x128xf32, #tpu.memory_space<vmem_shared>>
          tpu.enqueue_dma source(%arg26 : memref<32x128xf32, #tpu.memory_space<vmem>>) target(%dma_start3A_78 : memref<32x128xf32, #tpu.memory_space<vmem_shared>>) target_semaphore(%run_scoped3A : memref<!tpu.dma_semaphore, #tpu.memory_space<semaphore_mem>>)
          %dma_wait3A = arith.constant 0 : i32
          %dma_wait3A_79 = tpu.memref_slice %arg22[%add3A_75, %dma_wait3A] : memref<10240x128xf32, #tpu.memory_space<vmem_shared>> -> memref<32x128xf32, #tpu.memory_space<vmem_shared>>
          %dma_wait3A_80 = arith.constant 0 : i32
          %dma_wait3A_81 = tpu.memref_slice %arg22[%add3A_75, %dma_wait3A_80] : memref<10240x128xf32, #tpu.memory_space<vmem_shared>> -> memref<32x128xf32, #tpu.memory_space<vmem_shared>>
          tpu.wait_dma2 semaphore(%run_scoped3A : memref<!tpu.dma_semaphore, #tpu.memory_space<semaphore_mem>>) src(%arg26 : memref<32x128xf32, #tpu.memory_space<vmem>>) dst(%dma_wait3A_81 : memref<32x128xf32, #tpu.memory_space<vmem_shared>>)
          tpu.yield
        }) : () -> ()
      }
      %scan3A_67 = arith.constant 20 : i32
      %barrier3A_68 = arith.constant 0 : index
      tpu.barrier barrier_id(%barrier3A_68)
    } else {
    }
    %eq3A_16 = arith.constant 1 : i32
    %eq3A_17 = arith.cmpi eq, %arg0, %eq3A_16 : i32
    %convert_element_type3A_18 = arith.extui %eq3A_17 : i1 to i32
    %cond3A_19 = arith.constant 0 : i32
    %cond3A_20 = arith.cmpi ne, %convert_element_type3A_18, %cond3A_19 : i32
    scf.if %cond3A_20 {
      %scan3A_56 = arith.constant 0 : i32
      %scan3A_57 = arith.constant 50 : i32
      %scan3A_58 = arith.addi %scan3A_56, %scan3A_57 : i32
      %scan3A_59 = arith.constant 1 : i32
      scf.for %scan3A_69 = %scan3A_56 to %scan3A_58 step %scan3A_59  : i32 {
        %mul3A_70 = arith.constant 1 : i32
        %mul3A_71 = arith.muli %scan3A_69, %mul3A_70 : i32
        %add3A = arith.constant 0 : i32
        %add3A_72 = arith.addi %add3A, %mul3A_71 : i32
        %mul3A_73 = arith.constant 50 : i32
        %mul3A_74 = arith.muli %arg1, %mul3A_73 : i32
        %add3A_75 = arith.addi %mul3A_74, %add3A_72 : i32
        %mul3A_76 = arith.constant 2 : i32
        %mul3A_77 = arith.muli %add3A_75, %mul3A_76 : i32
        %mul3A_78 = arith.constant 200 : i32
        %mul3A_79 = arith.muli %mul3A_77, %mul3A_78 : i32
        "tpu.region"() ({
          %run_scoped3A = tpu.sem_alloc : memref<!tpu.dma_semaphore, #tpu.memory_space<semaphore_mem>>
          %dma_start3A = tpu.memref_slice %arg7[%mul3A_79] : memref<320000xi32, #tpu.memory_space<hbm>> -> memref<400xi32, #tpu.memory_space<hbm>>
          %dma_start3A_80 = tpu.memref_slice %arg7[%mul3A_79] : memref<320000xi32, #tpu.memory_space<hbm>> -> memref<400xi32, #tpu.memory_space<hbm>>
          tpu.enqueue_dma source(%dma_start3A_80 : memref<400xi32, #tpu.memory_space<hbm>>) target(%arg24 : memref<400xi32, #tpu.memory_space<vmem>>) target_semaphore(%run_scoped3A : memref<!tpu.dma_semaphore, #tpu.memory_space<semaphore_mem>>)
          %dma_wait3A = tpu.memref_slice %arg7[%mul3A_79] : memref<320000xi32, #tpu.memory_space<hbm>> -> memref<400xi32, #tpu.memory_space<hbm>>
          %dma_wait3A_81 = tpu.memref_slice %arg7[%mul3A_79] : memref<320000xi32, #tpu.memory_space<hbm>> -> memref<400xi32, #tpu.memory_space<hbm>>
          tpu.wait_dma2 semaphore(%run_scoped3A : memref<!tpu.dma_semaphore, #tpu.memory_space<semaphore_mem>>) src(%dma_wait3A_81 : memref<400xi32, #tpu.memory_space<hbm>>) dst(%arg24 : memref<400xi32, #tpu.memory_space<vmem>>)
          tpu.yield
        }) : () -> ()
        "tpu.region"() ({
          %run_scoped3A = tpu.sem_alloc : memref<!tpu.dma_semaphore, #tpu.memory_space<semaphore_mem>>
          %dma_start3A = arith.constant 0 : i32
          %dma_start3A_80 = tpu.memref_slice %arg24[%dma_start3A] : memref<400xi32, #tpu.memory_space<vmem>> -> memref<200xi32, #tpu.memory_space<vmem>>
          %dma_start3A_81 = arith.constant 0 : i32
          %dma_start3A_82 = arith.constant 0 : i32
          %dma_start3A_83 = tpu.memref_slice %arg2[%dma_start3A_81, %dma_start3A_82] : memref<10000x128xf32, #tpu.memory_space<hbm>> -> memref<10000x128xf32, #tpu.memory_space<hbm>>
          tpu.enqueue_indirect_dma source(%dma_start3A_83 : memref<10000x128xf32, #tpu.memory_space<hbm>>) target(%arg23 : memref<200x128xf32, #tpu.memory_space<vmem>>) offsets(%dma_start3A_80 : memref<200xi32, #tpu.memory_space<vmem>>) semaphore(%run_scoped3A : memref<!tpu.dma_semaphore, #tpu.memory_space<semaphore_mem>>)
          %dma_wait3A = arith.constant 0 : i32
          %dma_wait3A_84 = tpu.memref_slice %arg24[%dma_wait3A] : memref<400xi32, #tpu.memory_space<vmem>> -> memref<200xi32, #tpu.memory_space<vmem>>
          %dma_wait3A_85 = arith.constant 0 : i32
          %dma_wait3A_86 = arith.constant 0 : i32
          %dma_wait3A_87 = tpu.memref_slice %arg2[%dma_wait3A_85, %dma_wait3A_86] : memref<10000x128xf32, #tpu.memory_space<hbm>> -> memref<10000x128xf32, #tpu.memory_space<hbm>>
          tpu.wait_indirect_dma semaphore(%run_scoped3A : memref<!tpu.dma_semaphore, #tpu.memory_space<semaphore_mem>>) src(%dma_wait3A_87 : memref<10000x128xf32, #tpu.memory_space<hbm>>) dst(%arg23 : memref<200x128xf32, #tpu.memory_space<vmem>>)
          tpu.yield
        }) : () -> ()
        "tpu.region"() ({
          %run_scoped3A = tpu.sem_alloc : memref<!tpu.dma_semaphore, #tpu.memory_space<semaphore_mem>>
          %dma_start3A = arith.constant 200 : i32
          %dma_start3A_80 = tpu.memref_slice %arg24[%dma_start3A] : memref<400xi32, #tpu.memory_space<vmem>> -> memref<200xi32, #tpu.memory_space<vmem>>
          %dma_start3A_81 = arith.constant 0 : i32
          %dma_start3A_82 = arith.constant 0 : i32
          %dma_start3A_83 = tpu.memref_slice %arg22[%dma_start3A_81, %dma_start3A_82] : memref<10240x128xf32, #tpu.memory_space<vmem_shared>> -> memref<10240x128xf32, #tpu.memory_space<vmem_shared>>
          tpu.enqueue_indirect_dma source(%arg23 : memref<200x128xf32, #tpu.memory_space<vmem>>) target(%dma_start3A_83 : memref<10240x128xf32, #tpu.memory_space<vmem_shared>>) offsets(%dma_start3A_80 : memref<200xi32, #tpu.memory_space<vmem>>) semaphore(%run_scoped3A : memref<!tpu.dma_semaphore, #tpu.memory_space<semaphore_mem>>) {add = true}
          %dma_wait3A = arith.constant 200 : i32
          %dma_wait3A_84 = tpu.memref_slice %arg24[%dma_wait3A] : memref<400xi32, #tpu.memory_space<vmem>> -> memref<200xi32, #tpu.memory_space<vmem>>
          %dma_wait3A_85 = arith.constant 0 : i32
          %dma_wait3A_86 = arith.constant 0 : i32
          %dma_wait3A_87 = tpu.memref_slice %arg22[%dma_wait3A_85, %dma_wait3A_86] : memref<10240x128xf32, #tpu.memory_space<vmem_shared>> -> memref<10240x128xf32, #tpu.memory_space<vmem_shared>>
          tpu.wait_indirect_dma semaphore(%run_scoped3A : memref<!tpu.dma_semaphore, #tpu.memory_space<semaphore_mem>>) src(%arg23 : memref<200x128xf32, #tpu.memory_space<vmem>>) dst(%dma_wait3A_87 : memref<10240x128xf32, #tpu.memory_space<vmem_shared>>)
          tpu.yield
        }) : () -> ()
      }
      %scan3A_60 = arith.constant 50 : i32
      %barrier3A_61 = arith.constant 0 : index
      tpu.barrier barrier_id(%barrier3A_61)
      %mul3A = arith.constant 640 : i32
      %mul3A_62 = arith.muli %arg1, %mul3A : i32
      "tpu.region"() ({
        %run_scoped3A = tpu.sem_alloc : memref<!tpu.dma_semaphore, #tpu.memory_space<semaphore_mem>>
        %dma_start3A = arith.constant 0 : i32
        %dma_start3A_69 = tpu.memref_slice %arg14[%mul3A_62, %dma_start3A] : memref<10240x128xf32, #tpu.memory_space<hbm>> -> memref<640x128xf32, #tpu.memory_space<hbm>>
        %dma_start3A_70 = arith.constant 0 : i32
        %dma_start3A_71 = tpu.memref_slice %arg22[%mul3A_62, %dma_start3A_70] : memref<10240x128xf32, #tpu.memory_space<vmem_shared>> -> memref<640x128xf32, #tpu.memory_space<vmem_shared>>
        tpu.enqueue_dma source(%dma_start3A_71 : memref<640x128xf32, #tpu.memory_space<vmem_shared>>) target(%dma_start3A_69 : memref<640x128xf32, #tpu.memory_space<hbm>>) target_semaphore(%run_scoped3A : memref<!tpu.dma_semaphore, #tpu.memory_space<semaphore_mem>>)
        %dma_wait3A = arith.constant 0 : i32
        %dma_wait3A_72 = tpu.memref_slice %arg14[%mul3A_62, %dma_wait3A] : memref<10240x128xf32, #tpu.memory_space<hbm>> -> memref<640x128xf32, #tpu.memory_space<hbm>>
        %dma_wait3A_73 = arith.constant 0 : i32
        %dma_wait3A_74 = tpu.memref_slice %arg22[%mul3A_62, %dma_wait3A_73] : memref<10240x128xf32, #tpu.memory_space<vmem_shared>> -> memref<640x128xf32, #tpu.memory_space<vmem_shared>>
        tpu.wait_dma2 semaphore(%run_scoped3A : memref<!tpu.dma_semaphore, #tpu.memory_space<semaphore_mem>>) src(%dma_wait3A_74 : memref<640x128xf32, #tpu.memory_space<vmem_shared>>) dst(%dma_wait3A_72 : memref<640x128xf32, #tpu.memory_space<hbm>>)
        tpu.yield
      }) : () -> ()
      %scan3A_63 = arith.constant 0 : i32
      %scan3A_64 = arith.constant 20 : i32
      %scan3A_65 = arith.addi %scan3A_63, %scan3A_64 : i32
      %scan3A_66 = arith.constant 1 : i32
      scf.for %scan3A_69 = %scan3A_63 to %scan3A_65 step %scan3A_66  : i32 {
        %mul3A_70 = arith.constant 32 : i32
        %mul3A_71 = arith.muli %scan3A_69, %mul3A_70 : i32
        %add3A = arith.constant 0 : i32
        %add3A_72 = arith.addi %add3A, %mul3A_71 : i32
        %mul3A_73 = arith.constant 640 : i32
        %mul3A_74 = arith.muli %arg1, %mul3A_73 : i32
        %add3A_75 = arith.addi %mul3A_74, %add3A_72 : i32
        "tpu.region"() ({
          %run_scoped3A = tpu.sem_alloc : memref<!tpu.dma_semaphore, #tpu.memory_space<semaphore_mem>>
          %dma_start3A = arith.constant 0 : i32
          %dma_start3A_76 = tpu.memref_slice %arg22[%add3A_75, %dma_start3A] : memref<10240x128xf32, #tpu.memory_space<vmem_shared>> -> memref<32x128xf32, #tpu.memory_space<vmem_shared>>
          %dma_start3A_77 = arith.constant 0 : i32
          %dma_start3A_78 = tpu.memref_slice %arg22[%add3A_75, %dma_start3A_77] : memref<10240x128xf32, #tpu.memory_space<vmem_shared>> -> memref<32x128xf32, #tpu.memory_space<vmem_shared>>
          tpu.enqueue_dma source(%arg26 : memref<32x128xf32, #tpu.memory_space<vmem>>) target(%dma_start3A_78 : memref<32x128xf32, #tpu.memory_space<vmem_shared>>) target_semaphore(%run_scoped3A : memref<!tpu.dma_semaphore, #tpu.memory_space<semaphore_mem>>)
          %dma_wait3A = arith.constant 0 : i32
          %dma_wait3A_79 = tpu.memref_slice %arg22[%add3A_75, %dma_wait3A] : memref<10240x128xf32, #tpu.memory_space<vmem_shared>> -> memref<32x128xf32, #tpu.memory_space<vmem_shared>>
          %dma_wait3A_80 = arith.constant 0 : i32
          %dma_wait3A_81 = tpu.memref_slice %arg22[%add3A_75, %dma_wait3A_80] : memref<10240x128xf32, #tpu.memory_space<vmem_shared>> -> memref<32x128xf32, #tpu.memory_space<vmem_shared>>
          tpu.wait_dma2 semaphore(%run_scoped3A : memref<!tpu.dma_semaphore, #tpu.memory_space<semaphore_mem>>) src(%arg26 : memref<32x128xf32, #tpu.memory_space<vmem>>) dst(%dma_wait3A_81 : memref<32x128xf32, #tpu.memory_space<vmem_shared>>)
          tpu.yield
        }) : () -> ()
      }
      %scan3A_67 = arith.constant 20 : i32
      %barrier3A_68 = arith.constant 0 : index
      tpu.barrier barrier_id(%barrier3A_68)
    } else {
    }
    %eq3A_21 = arith.constant 0 : i32
    %eq3A_22 = arith.cmpi eq, %arg0, %eq3A_21 : i32
    %convert_element_type3A_23 = arith.extui %eq3A_22 : i1 to i32
    %cond3A_24 = arith.constant 0 : i32
    %cond3A_25 = arith.cmpi ne, %convert_element_type3A_23, %cond3A_24 : i32
    scf.if %cond3A_25 {
      %scan3A_56 = arith.constant 0 : i32
      %scan3A_57 = arith.constant 50 : i32
      %scan3A_58 = arith.addi %scan3A_56, %scan3A_57 : i32
      %scan3A_59 = arith.constant 1 : i32
      scf.for %scan3A_69 = %scan3A_56 to %scan3A_58 step %scan3A_59  : i32 {
        %mul3A_70 = arith.constant 1 : i32
        %mul3A_71 = arith.muli %scan3A_69, %mul3A_70 : i32
        %add3A = arith.constant 0 : i32
        %add3A_72 = arith.addi %add3A, %mul3A_71 : i32
        %mul3A_73 = arith.constant 50 : i32
        %mul3A_74 = arith.muli %arg1, %mul3A_73 : i32
        %add3A_75 = arith.addi %mul3A_74, %add3A_72 : i32
        %mul3A_76 = arith.constant 2 : i32
        %mul3A_77 = arith.muli %add3A_75, %mul3A_76 : i32
        %mul3A_78 = arith.constant 200 : i32
        %mul3A_79 = arith.muli %mul3A_77, %mul3A_78 : i32
        "tpu.region"() ({
          %run_scoped3A = tpu.sem_alloc : memref<!tpu.dma_semaphore, #tpu.memory_space<semaphore_mem>>
          %dma_start3A = tpu.memref_slice %arg7[%mul3A_79] : memref<320000xi32, #tpu.memory_space<hbm>> -> memref<400xi32, #tpu.memory_space<hbm>>
          %dma_start3A_80 = tpu.memref_slice %arg7[%mul3A_79] : memref<320000xi32, #tpu.memory_space<hbm>> -> memref<400xi32, #tpu.memory_space<hbm>>
          tpu.enqueue_dma source(%dma_start3A_80 : memref<400xi32, #tpu.memory_space<hbm>>) target(%arg24 : memref<400xi32, #tpu.memory_space<vmem>>) target_semaphore(%run_scoped3A : memref<!tpu.dma_semaphore, #tpu.memory_space<semaphore_mem>>)
          %dma_wait3A = tpu.memref_slice %arg7[%mul3A_79] : memref<320000xi32, #tpu.memory_space<hbm>> -> memref<400xi32, #tpu.memory_space<hbm>>
          %dma_wait3A_81 = tpu.memref_slice %arg7[%mul3A_79] : memref<320000xi32, #tpu.memory_space<hbm>> -> memref<400xi32, #tpu.memory_space<hbm>>
          tpu.wait_dma2 semaphore(%run_scoped3A : memref<!tpu.dma_semaphore, #tpu.memory_space<semaphore_mem>>) src(%dma_wait3A_81 : memref<400xi32, #tpu.memory_space<hbm>>) dst(%arg24 : memref<400xi32, #tpu.memory_space<vmem>>)
          tpu.yield
        }) : () -> ()
        "tpu.region"() ({
          %run_scoped3A = tpu.sem_alloc : memref<!tpu.dma_semaphore, #tpu.memory_space<semaphore_mem>>
          %dma_start3A = arith.constant 0 : i32
          %dma_start3A_80 = tpu.memref_slice %arg24[%dma_start3A] : memref<400xi32, #tpu.memory_space<vmem>> -> memref<200xi32, #tpu.memory_space<vmem>>
          %dma_start3A_81 = arith.constant 0 : i32
          %dma_start3A_82 = arith.constant 0 : i32
          %dma_start3A_83 = tpu.memref_slice %arg3[%dma_start3A_81, %dma_start3A_82] : memref<10000x128xf32, #tpu.memory_space<hbm>> -> memref<10000x128xf32, #tpu.memory_space<hbm>>
          tpu.enqueue_indirect_dma source(%dma_start3A_83 : memref<10000x128xf32, #tpu.memory_space<hbm>>) target(%arg23 : memref<200x128xf32, #tpu.memory_space<vmem>>) offsets(%dma_start3A_80 : memref<200xi32, #tpu.memory_space<vmem>>) semaphore(%run_scoped3A : memref<!tpu.dma_semaphore, #tpu.memory_space<semaphore_mem>>)
          %dma_wait3A = arith.constant 0 : i32
          %dma_wait3A_84 = tpu.memref_slice %arg24[%dma_wait3A] : memref<400xi32, #tpu.memory_space<vmem>> -> memref<200xi32, #tpu.memory_space<vmem>>
          %dma_wait3A_85 = arith.constant 0 : i32
          %dma_wait3A_86 = arith.constant 0 : i32
          %dma_wait3A_87 = tpu.memref_slice %arg3[%dma_wait3A_85, %dma_wait3A_86] : memref<10000x128xf32, #tpu.memory_space<hbm>> -> memref<10000x128xf32, #tpu.memory_space<hbm>>
          tpu.wait_indirect_dma semaphore(%run_scoped3A : memref<!tpu.dma_semaphore, #tpu.memory_space<semaphore_mem>>) src(%dma_wait3A_87 : memref<10000x128xf32, #tpu.memory_space<hbm>>) dst(%arg23 : memref<200x128xf32, #tpu.memory_space<vmem>>)
          tpu.yield
        }) : () -> ()
        "tpu.region"() ({
          %run_scoped3A = tpu.sem_alloc : memref<!tpu.dma_semaphore, #tpu.memory_space<semaphore_mem>>
          %dma_start3A = arith.constant 200 : i32
          %dma_start3A_80 = tpu.memref_slice %arg24[%dma_start3A] : memref<400xi32, #tpu.memory_space<vmem>> -> memref<200xi32, #tpu.memory_space<vmem>>
          %dma_start3A_81 = arith.constant 0 : i32
          %dma_start3A_82 = arith.constant 0 : i32
          %dma_start3A_83 = tpu.memref_slice %arg22[%dma_start3A_81, %dma_start3A_82] : memref<10240x128xf32, #tpu.memory_space<vmem_shared>> -> memref<10240x128xf32, #tpu.memory_space<vmem_shared>>
          tpu.enqueue_indirect_dma source(%arg23 : memref<200x128xf32, #tpu.memory_space<vmem>>) target(%dma_start3A_83 : memref<10240x128xf32, #tpu.memory_space<vmem_shared>>) offsets(%dma_start3A_80 : memref<200xi32, #tpu.memory_space<vmem>>) semaphore(%run_scoped3A : memref<!tpu.dma_semaphore, #tpu.memory_space<semaphore_mem>>) {add = true}
          %dma_wait3A = arith.constant 200 : i32
          %dma_wait3A_84 = tpu.memref_slice %arg24[%dma_wait3A] : memref<400xi32, #tpu.memory_space<vmem>> -> memref<200xi32, #tpu.memory_space<vmem>>
          %dma_wait3A_85 = arith.constant 0 : i32
          %dma_wait3A_86 = arith.constant 0 : i32
          %dma_wait3A_87 = tpu.memref_slice %arg22[%dma_wait3A_85, %dma_wait3A_86] : memref<10240x128xf32, #tpu.memory_space<vmem_shared>> -> memref<10240x128xf32, #tpu.memory_space<vmem_shared>>
          tpu.wait_indirect_dma semaphore(%run_scoped3A : memref<!tpu.dma_semaphore, #tpu.memory_space<semaphore_mem>>) src(%arg23 : memref<200x128xf32, #tpu.memory_space<vmem>>) dst(%dma_wait3A_87 : memref<10240x128xf32, #tpu.memory_space<vmem_shared>>)
          tpu.yield
        }) : () -> ()
      }
      %scan3A_60 = arith.constant 50 : i32
      %barrier3A_61 = arith.constant 0 : index
      tpu.barrier barrier_id(%barrier3A_61)
      %mul3A = arith.constant 640 : i32
      %mul3A_62 = arith.muli %arg1, %mul3A : i32
      "tpu.region"() ({
        %run_scoped3A = tpu.sem_alloc : memref<!tpu.dma_semaphore, #tpu.memory_space<semaphore_mem>>
        %dma_start3A = arith.constant 0 : i32
        %dma_start3A_69 = tpu.memref_slice %arg15[%mul3A_62, %dma_start3A] : memref<10240x128xf32, #tpu.memory_space<hbm>> -> memref<640x128xf32, #tpu.memory_space<hbm>>
        %dma_start3A_70 = arith.constant 0 : i32
        %dma_start3A_71 = tpu.memref_slice %arg22[%mul3A_62, %dma_start3A_70] : memref<10240x128xf32, #tpu.memory_space<vmem_shared>> -> memref<640x128xf32, #tpu.memory_space<vmem_shared>>
        tpu.enqueue_dma source(%dma_start3A_71 : memref<640x128xf32, #tpu.memory_space<vmem_shared>>) target(%dma_start3A_69 : memref<640x128xf32, #tpu.memory_space<hbm>>) target_semaphore(%run_scoped3A : memref<!tpu.dma_semaphore, #tpu.memory_space<semaphore_mem>>)
        %dma_wait3A = arith.constant 0 : i32
        %dma_wait3A_72 = tpu.memref_slice %arg15[%mul3A_62, %dma_wait3A] : memref<10240x128xf32, #tpu.memory_space<hbm>> -> memref<640x128xf32, #tpu.memory_space<hbm>>
        %dma_wait3A_73 = arith.constant 0 : i32
        %dma_wait3A_74 = tpu.memref_slice %arg22[%mul3A_62, %dma_wait3A_73] : memref<10240x128xf32, #tpu.memory_space<vmem_shared>> -> memref<640x128xf32, #tpu.memory_space<vmem_shared>>
        tpu.wait_dma2 semaphore(%run_scoped3A : memref<!tpu.dma_semaphore, #tpu.memory_space<semaphore_mem>>) src(%dma_wait3A_74 : memref<640x128xf32, #tpu.memory_space<vmem_shared>>) dst(%dma_wait3A_72 : memref<640x128xf32, #tpu.memory_space<hbm>>)
        tpu.yield
      }) : () -> ()
      %scan3A_63 = arith.constant 0 : i32
      %scan3A_64 = arith.constant 20 : i32
      %scan3A_65 = arith.addi %scan3A_63, %scan3A_64 : i32
      %scan3A_66 = arith.constant 1 : i32
      scf.for %scan3A_69 = %scan3A_63 to %scan3A_65 step %scan3A_66  : i32 {
        %mul3A_70 = arith.constant 32 : i32
        %mul3A_71 = arith.muli %scan3A_69, %mul3A_70 : i32
        %add3A = arith.constant 0 : i32
        %add3A_72 = arith.addi %add3A, %mul3A_71 : i32
        %mul3A_73 = arith.constant 640 : i32
        %mul3A_74 = arith.muli %arg1, %mul3A_73 : i32
        %add3A_75 = arith.addi %mul3A_74, %add3A_72 : i32
        "tpu.region"() ({
          %run_scoped3A = tpu.sem_alloc : memref<!tpu.dma_semaphore, #tpu.memory_space<semaphore_mem>>
          %dma_start3A = arith.constant 0 : i32
          %dma_start3A_76 = tpu.memref_slice %arg22[%add3A_75, %dma_start3A] : memref<10240x128xf32, #tpu.memory_space<vmem_shared>> -> memref<32x128xf32, #tpu.memory_space<vmem_shared>>
          %dma_start3A_77 = arith.constant 0 : i32
          %dma_start3A_78 = tpu.memref_slice %arg22[%add3A_75, %dma_start3A_77] : memref<10240x128xf32, #tpu.memory_space<vmem_shared>> -> memref<32x128xf32, #tpu.memory_space<vmem_shared>>
          tpu.enqueue_dma source(%arg26 : memref<32x128xf32, #tpu.memory_space<vmem>>) target(%dma_start3A_78 : memref<32x128xf32, #tpu.memory_space<vmem_shared>>) target_semaphore(%run_scoped3A : memref<!tpu.dma_semaphore, #tpu.memory_space<semaphore_mem>>)
          %dma_wait3A = arith.constant 0 : i32
          %dma_wait3A_79 = tpu.memref_slice %arg22[%add3A_75, %dma_wait3A] : memref<10240x128xf32, #tpu.memory_space<vmem_shared>> -> memref<32x128xf32, #tpu.memory_space<vmem_shared>>
          %dma_wait3A_80 = arith.constant 0 : i32
          %dma_wait3A_81 = tpu.memref_slice %arg22[%add3A_75, %dma_wait3A_80] : memref<10240x128xf32, #tpu.memory_space<vmem_shared>> -> memref<32x128xf32, #tpu.memory_space<vmem_shared>>
          tpu.wait_dma2 semaphore(%run_scoped3A : memref<!tpu.dma_semaphore, #tpu.memory_space<semaphore_mem>>) src(%arg26 : memref<32x128xf32, #tpu.memory_space<vmem>>) dst(%dma_wait3A_81 : memref<32x128xf32, #tpu.memory_space<vmem_shared>>)
          tpu.yield
        }) : () -> ()
      }
      %scan3A_67 = arith.constant 20 : i32
      %barrier3A_68 = arith.constant 0 : index
      tpu.barrier barrier_id(%barrier3A_68)
    } else {
    }
    %eq3A_26 = arith.constant 0 : i32
    %eq3A_27 = arith.cmpi eq, %arg0, %eq3A_26 : i32
    %convert_element_type3A_28 = arith.extui %eq3A_27 : i1 to i32
    %cond3A_29 = arith.constant 0 : i32
    %cond3A_30 = arith.cmpi ne, %convert_element_type3A_28, %cond3A_29 : i32
    scf.if %cond3A_30 {
      %scan3A_56 = arith.constant 0 : i32
      %scan3A_57 = arith.constant 50 : i32
      %scan3A_58 = arith.addi %scan3A_56, %scan3A_57 : i32
      %scan3A_59 = arith.constant 1 : i32
      scf.for %scan3A_69 = %scan3A_56 to %scan3A_58 step %scan3A_59  : i32 {
        %mul3A_70 = arith.constant 1 : i32
        %mul3A_71 = arith.muli %scan3A_69, %mul3A_70 : i32
        %add3A = arith.constant 0 : i32
        %add3A_72 = arith.addi %add3A, %mul3A_71 : i32
        %mul3A_73 = arith.constant 50 : i32
        %mul3A_74 = arith.muli %arg1, %mul3A_73 : i32
        %add3A_75 = arith.addi %mul3A_74, %add3A_72 : i32
        %mul3A_76 = arith.constant 2 : i32
        %mul3A_77 = arith.muli %add3A_75, %mul3A_76 : i32
        %mul3A_78 = arith.constant 200 : i32
        %mul3A_79 = arith.muli %mul3A_77, %mul3A_78 : i32
        "tpu.region"() ({
          %run_scoped3A = tpu.sem_alloc : memref<!tpu.dma_semaphore, #tpu.memory_space<semaphore_mem>>
          %dma_start3A = tpu.memref_slice %arg8[%mul3A_79] : memref<320000xi32, #tpu.memory_space<hbm>> -> memref<400xi32, #tpu.memory_space<hbm>>
          %dma_start3A_80 = tpu.memref_slice %arg8[%mul3A_79] : memref<320000xi32, #tpu.memory_space<hbm>> -> memref<400xi32, #tpu.memory_space<hbm>>
          tpu.enqueue_dma source(%dma_start3A_80 : memref<400xi32, #tpu.memory_space<hbm>>) target(%arg24 : memref<400xi32, #tpu.memory_space<vmem>>) target_semaphore(%run_scoped3A : memref<!tpu.dma_semaphore, #tpu.memory_space<semaphore_mem>>)
          %dma_wait3A = tpu.memref_slice %arg8[%mul3A_79] : memref<320000xi32, #tpu.memory_space<hbm>> -> memref<400xi32, #tpu.memory_space<hbm>>
          %dma_wait3A_81 = tpu.memref_slice %arg8[%mul3A_79] : memref<320000xi32, #tpu.memory_space<hbm>> -> memref<400xi32, #tpu.memory_space<hbm>>
          tpu.wait_dma2 semaphore(%run_scoped3A : memref<!tpu.dma_semaphore, #tpu.memory_space<semaphore_mem>>) src(%dma_wait3A_81 : memref<400xi32, #tpu.memory_space<hbm>>) dst(%arg24 : memref<400xi32, #tpu.memory_space<vmem>>)
          tpu.yield
        }) : () -> ()
        "tpu.region"() ({
          %run_scoped3A = tpu.sem_alloc : memref<!tpu.dma_semaphore, #tpu.memory_space<semaphore_mem>>
          %dma_start3A = arith.constant 0 : i32
          %dma_start3A_80 = tpu.memref_slice %arg24[%dma_start3A] : memref<400xi32, #tpu.memory_space<vmem>> -> memref<200xi32, #tpu.memory_space<vmem>>
          %dma_start3A_81 = arith.constant 0 : i32
          %dma_start3A_82 = arith.constant 0 : i32
          %dma_start3A_83 = tpu.memref_slice %arg4[%dma_start3A_81, %dma_start3A_82] : memref<10000x128xf32, #tpu.memory_space<hbm>> -> memref<10000x128xf32, #tpu.memory_space<hbm>>
          tpu.enqueue_indirect_dma source(%dma_start3A_83 : memref<10000x128xf32, #tpu.memory_space<hbm>>) target(%arg23 : memref<200x128xf32, #tpu.memory_space<vmem>>) offsets(%dma_start3A_80 : memref<200xi32, #tpu.memory_space<vmem>>) semaphore(%run_scoped3A : memref<!tpu.dma_semaphore, #tpu.memory_space<semaphore_mem>>)
          %dma_wait3A = arith.constant 0 : i32
          %dma_wait3A_84 = tpu.memref_slice %arg24[%dma_wait3A] : memref<400xi32, #tpu.memory_space<vmem>> -> memref<200xi32, #tpu.memory_space<vmem>>
          %dma_wait3A_85 = arith.constant 0 : i32
          %dma_wait3A_86 = arith.constant 0 : i32
          %dma_wait3A_87 = tpu.memref_slice %arg4[%dma_wait3A_85, %dma_wait3A_86] : memref<10000x128xf32, #tpu.memory_space<hbm>> -> memref<10000x128xf32, #tpu.memory_space<hbm>>
          tpu.wait_indirect_dma semaphore(%run_scoped3A : memref<!tpu.dma_semaphore, #tpu.memory_space<semaphore_mem>>) src(%dma_wait3A_87 : memref<10000x128xf32, #tpu.memory_space<hbm>>) dst(%arg23 : memref<200x128xf32, #tpu.memory_space<vmem>>)
          tpu.yield
        }) : () -> ()
        "tpu.region"() ({
          %run_scoped3A = tpu.sem_alloc : memref<!tpu.dma_semaphore, #tpu.memory_space<semaphore_mem>>
          %dma_start3A = arith.constant 200 : i32
          %dma_start3A_80 = tpu.memref_slice %arg24[%dma_start3A] : memref<400xi32, #tpu.memory_space<vmem>> -> memref<200xi32, #tpu.memory_space<vmem>>
          %dma_start3A_81 = arith.constant 0 : i32
          %dma_start3A_82 = arith.constant 0 : i32
          %dma_start3A_83 = tpu.memref_slice %arg22[%dma_start3A_81, %dma_start3A_82] : memref<10240x128xf32, #tpu.memory_space<vmem_shared>> -> memref<10240x128xf32, #tpu.memory_space<vmem_shared>>
          tpu.enqueue_indirect_dma source(%arg23 : memref<200x128xf32, #tpu.memory_space<vmem>>) target(%dma_start3A_83 : memref<10240x128xf32, #tpu.memory_space<vmem_shared>>) offsets(%dma_start3A_80 : memref<200xi32, #tpu.memory_space<vmem>>) semaphore(%run_scoped3A : memref<!tpu.dma_semaphore, #tpu.memory_space<semaphore_mem>>) {add = true}
          %dma_wait3A = arith.constant 200 : i32
          %dma_wait3A_84 = tpu.memref_slice %arg24[%dma_wait3A] : memref<400xi32, #tpu.memory_space<vmem>> -> memref<200xi32, #tpu.memory_space<vmem>>
          %dma_wait3A_85 = arith.constant 0 : i32
          %dma_wait3A_86 = arith.constant 0 : i32
          %dma_wait3A_87 = tpu.memref_slice %arg22[%dma_wait3A_85, %dma_wait3A_86] : memref<10240x128xf32, #tpu.memory_space<vmem_shared>> -> memref<10240x128xf32, #tpu.memory_space<vmem_shared>>
          tpu.wait_indirect_dma semaphore(%run_scoped3A : memref<!tpu.dma_semaphore, #tpu.memory_space<semaphore_mem>>) src(%arg23 : memref<200x128xf32, #tpu.memory_space<vmem>>) dst(%dma_wait3A_87 : memref<10240x128xf32, #tpu.memory_space<vmem_shared>>)
          tpu.yield
        }) : () -> ()
      }
      %scan3A_60 = arith.constant 50 : i32
      %barrier3A_61 = arith.constant 0 : index
      tpu.barrier barrier_id(%barrier3A_61)
      %mul3A = arith.constant 640 : i32
      %mul3A_62 = arith.muli %arg1, %mul3A : i32
      "tpu.region"() ({
        %run_scoped3A = tpu.sem_alloc : memref<!tpu.dma_semaphore, #tpu.memory_space<semaphore_mem>>
        %dma_start3A = arith.constant 0 : i32
        %dma_start3A_69 = tpu.memref_slice %arg16[%mul3A_62, %dma_start3A] : memref<10240x128xf32, #tpu.memory_space<hbm>> -> memref<640x128xf32, #tpu.memory_space<hbm>>
        %dma_start3A_70 = arith.constant 0 : i32
        %dma_start3A_71 = tpu.memref_slice %arg22[%mul3A_62, %dma_start3A_70] : memref<10240x128xf32, #tpu.memory_space<vmem_shared>> -> memref<640x128xf32, #tpu.memory_space<vmem_shared>>
        tpu.enqueue_dma source(%dma_start3A_71 : memref<640x128xf32, #tpu.memory_space<vmem_shared>>) target(%dma_start3A_69 : memref<640x128xf32, #tpu.memory_space<hbm>>) target_semaphore(%run_scoped3A : memref<!tpu.dma_semaphore, #tpu.memory_space<semaphore_mem>>)
        %dma_wait3A = arith.constant 0 : i32
        %dma_wait3A_72 = tpu.memref_slice %arg16[%mul3A_62, %dma_wait3A] : memref<10240x128xf32, #tpu.memory_space<hbm>> -> memref<640x128xf32, #tpu.memory_space<hbm>>
        %dma_wait3A_73 = arith.constant 0 : i32
        %dma_wait3A_74 = tpu.memref_slice %arg22[%mul3A_62, %dma_wait3A_73] : memref<10240x128xf32, #tpu.memory_space<vmem_shared>> -> memref<640x128xf32, #tpu.memory_space<vmem_shared>>
        tpu.wait_dma2 semaphore(%run_scoped3A : memref<!tpu.dma_semaphore, #tpu.memory_space<semaphore_mem>>) src(%dma_wait3A_74 : memref<640x128xf32, #tpu.memory_space<vmem_shared>>) dst(%dma_wait3A_72 : memref<640x128xf32, #tpu.memory_space<hbm>>)
        tpu.yield
      }) : () -> ()
      %scan3A_63 = arith.constant 0 : i32
      %scan3A_64 = arith.constant 20 : i32
      %scan3A_65 = arith.addi %scan3A_63, %scan3A_64 : i32
      %scan3A_66 = arith.constant 1 : i32
      scf.for %scan3A_69 = %scan3A_63 to %scan3A_65 step %scan3A_66  : i32 {
        %mul3A_70 = arith.constant 32 : i32
        %mul3A_71 = arith.muli %scan3A_69, %mul3A_70 : i32
        %add3A = arith.constant 0 : i32
        %add3A_72 = arith.addi %add3A, %mul3A_71 : i32
        %mul3A_73 = arith.constant 640 : i32
        %mul3A_74 = arith.muli %arg1, %mul3A_73 : i32
        %add3A_75 = arith.addi %mul3A_74, %add3A_72 : i32
        "tpu.region"() ({
          %run_scoped3A = tpu.sem_alloc : memref<!tpu.dma_semaphore, #tpu.memory_space<semaphore_mem>>
          %dma_start3A = arith.constant 0 : i32
          %dma_start3A_76 = tpu.memref_slice %arg22[%add3A_75, %dma_start3A] : memref<10240x128xf32, #tpu.memory_space<vmem_shared>> -> memref<32x128xf32, #tpu.memory_space<vmem_shared>>
          %dma_start3A_77 = arith.constant 0 : i32
          %dma_start3A_78 = tpu.memref_slice %arg22[%add3A_75, %dma_start3A_77] : memref<10240x128xf32, #tpu.memory_space<vmem_shared>> -> memref<32x128xf32, #tpu.memory_space<vmem_shared>>
          tpu.enqueue_dma source(%arg26 : memref<32x128xf32, #tpu.memory_space<vmem>>) target(%dma_start3A_78 : memref<32x128xf32, #tpu.memory_space<vmem_shared>>) target_semaphore(%run_scoped3A : memref<!tpu.dma_semaphore, #tpu.memory_space<semaphore_mem>>)
          %dma_wait3A = arith.constant 0 : i32
          %dma_wait3A_79 = tpu.memref_slice %arg22[%add3A_75, %dma_wait3A] : memref<10240x128xf32, #tpu.memory_space<vmem_shared>> -> memref<32x128xf32, #tpu.memory_space<vmem_shared>>
          %dma_wait3A_80 = arith.constant 0 : i32
          %dma_wait3A_81 = tpu.memref_slice %arg22[%add3A_75, %dma_wait3A_80] : memref<10240x128xf32, #tpu.memory_space<vmem_shared>> -> memref<32x128xf32, #tpu.memory_space<vmem_shared>>
          tpu.wait_dma2 semaphore(%run_scoped3A : memref<!tpu.dma_semaphore, #tpu.memory_space<semaphore_mem>>) src(%arg26 : memref<32x128xf32, #tpu.memory_space<vmem>>) dst(%dma_wait3A_81 : memref<32x128xf32, #tpu.memory_space<vmem_shared>>)
          tpu.yield
        }) : () -> ()
      }
      %scan3A_67 = arith.constant 20 : i32
      %barrier3A_68 = arith.constant 0 : index
      tpu.barrier barrier_id(%barrier3A_68)
    } else {
    }
    %eq3A_31 = arith.constant 1 : i32
    %eq3A_32 = arith.cmpi eq, %arg0, %eq3A_31 : i32
    %convert_element_type3A_33 = arith.extui %eq3A_32 : i1 to i32
    %cond3A_34 = arith.constant 0 : i32
    %cond3A_35 = arith.cmpi ne, %convert_element_type3A_33, %cond3A_34 : i32
    scf.if %cond3A_35 {
      %scan3A_56 = arith.constant 0 : i32
      %scan3A_57 = arith.constant 50 : i32
      %scan3A_58 = arith.addi %scan3A_56, %scan3A_57 : i32
      %scan3A_59 = arith.constant 1 : i32
      scf.for %scan3A_69 = %scan3A_56 to %scan3A_58 step %scan3A_59  : i32 {
        %mul3A_70 = arith.constant 1 : i32
        %mul3A_71 = arith.muli %scan3A_69, %mul3A_70 : i32
        %add3A = arith.constant 0 : i32
        %add3A_72 = arith.addi %add3A, %mul3A_71 : i32
        %mul3A_73 = arith.constant 50 : i32
        %mul3A_74 = arith.muli %arg1, %mul3A_73 : i32
        %add3A_75 = arith.addi %mul3A_74, %add3A_72 : i32
        %mul3A_76 = arith.constant 2 : i32
        %mul3A_77 = arith.muli %add3A_75, %mul3A_76 : i32
        %mul3A_78 = arith.constant 200 : i32
        %mul3A_79 = arith.muli %mul3A_77, %mul3A_78 : i32
        "tpu.region"() ({
          %run_scoped3A = tpu.sem_alloc : memref<!tpu.dma_semaphore, #tpu.memory_space<semaphore_mem>>
          %dma_start3A = tpu.memref_slice %arg8[%mul3A_79] : memref<320000xi32, #tpu.memory_space<hbm>> -> memref<400xi32, #tpu.memory_space<hbm>>
          %dma_start3A_80 = tpu.memref_slice %arg8[%mul3A_79] : memref<320000xi32, #tpu.memory_space<hbm>> -> memref<400xi32, #tpu.memory_space<hbm>>
          tpu.enqueue_dma source(%dma_start3A_80 : memref<400xi32, #tpu.memory_space<hbm>>) target(%arg24 : memref<400xi32, #tpu.memory_space<vmem>>) target_semaphore(%run_scoped3A : memref<!tpu.dma_semaphore, #tpu.memory_space<semaphore_mem>>)
          %dma_wait3A = tpu.memref_slice %arg8[%mul3A_79] : memref<320000xi32, #tpu.memory_space<hbm>> -> memref<400xi32, #tpu.memory_space<hbm>>
          %dma_wait3A_81 = tpu.memref_slice %arg8[%mul3A_79] : memref<320000xi32, #tpu.memory_space<hbm>> -> memref<400xi32, #tpu.memory_space<hbm>>
          tpu.wait_dma2 semaphore(%run_scoped3A : memref<!tpu.dma_semaphore, #tpu.memory_space<semaphore_mem>>) src(%dma_wait3A_81 : memref<400xi32, #tpu.memory_space<hbm>>) dst(%arg24 : memref<400xi32, #tpu.memory_space<vmem>>)
          tpu.yield
        }) : () -> ()
        "tpu.region"() ({
          %run_scoped3A = tpu.sem_alloc : memref<!tpu.dma_semaphore, #tpu.memory_space<semaphore_mem>>
          %dma_start3A = arith.constant 0 : i32
          %dma_start3A_80 = tpu.memref_slice %arg24[%dma_start3A] : memref<400xi32, #tpu.memory_space<vmem>> -> memref<200xi32, #tpu.memory_space<vmem>>
          %dma_start3A_81 = arith.constant 0 : i32
          %dma_start3A_82 = arith.constant 0 : i32
          %dma_start3A_83 = tpu.memref_slice %arg5[%dma_start3A_81, %dma_start3A_82] : memref<10000x128xf32, #tpu.memory_space<hbm>> -> memref<10000x128xf32, #tpu.memory_space<hbm>>
          tpu.enqueue_indirect_dma source(%dma_start3A_83 : memref<10000x128xf32, #tpu.memory_space<hbm>>) target(%arg23 : memref<200x128xf32, #tpu.memory_space<vmem>>) offsets(%dma_start3A_80 : memref<200xi32, #tpu.memory_space<vmem>>) semaphore(%run_scoped3A : memref<!tpu.dma_semaphore, #tpu.memory_space<semaphore_mem>>)
          %dma_wait3A = arith.constant 0 : i32
          %dma_wait3A_84 = tpu.memref_slice %arg24[%dma_wait3A] : memref<400xi32, #tpu.memory_space<vmem>> -> memref<200xi32, #tpu.memory_space<vmem>>
          %dma_wait3A_85 = arith.constant 0 : i32
          %dma_wait3A_86 = arith.constant 0 : i32
          %dma_wait3A_87 = tpu.memref_slice %arg5[%dma_wait3A_85, %dma_wait3A_86] : memref<10000x128xf32, #tpu.memory_space<hbm>> -> memref<10000x128xf32, #tpu.memory_space<hbm>>
          tpu.wait_indirect_dma semaphore(%run_scoped3A : memref<!tpu.dma_semaphore, #tpu.memory_space<semaphore_mem>>) src(%dma_wait3A_87 : memref<10000x128xf32, #tpu.memory_space<hbm>>) dst(%arg23 : memref<200x128xf32, #tpu.memory_space<vmem>>)
          tpu.yield
        }) : () -> ()
        "tpu.region"() ({
          %run_scoped3A = tpu.sem_alloc : memref<!tpu.dma_semaphore, #tpu.memory_space<semaphore_mem>>
          %dma_start3A = arith.constant 200 : i32
          %dma_start3A_80 = tpu.memref_slice %arg24[%dma_start3A] : memref<400xi32, #tpu.memory_space<vmem>> -> memref<200xi32, #tpu.memory_space<vmem>>
          %dma_start3A_81 = arith.constant 0 : i32
          %dma_start3A_82 = arith.constant 0 : i32
          %dma_start3A_83 = tpu.memref_slice %arg22[%dma_start3A_81, %dma_start3A_82] : memref<10240x128xf32, #tpu.memory_space<vmem_shared>> -> memref<10240x128xf32, #tpu.memory_space<vmem_shared>>
          tpu.enqueue_indirect_dma source(%arg23 : memref<200x128xf32, #tpu.memory_space<vmem>>) target(%dma_start3A_83 : memref<10240x128xf32, #tpu.memory_space<vmem_shared>>) offsets(%dma_start3A_80 : memref<200xi32, #tpu.memory_space<vmem>>) semaphore(%run_scoped3A : memref<!tpu.dma_semaphore, #tpu.memory_space<semaphore_mem>>) {add = true}
          %dma_wait3A = arith.constant 200 : i32
          %dma_wait3A_84 = tpu.memref_slice %arg24[%dma_wait3A] : memref<400xi32, #tpu.memory_space<vmem>> -> memref<200xi32, #tpu.memory_space<vmem>>
          %dma_wait3A_85 = arith.constant 0 : i32
          %dma_wait3A_86 = arith.constant 0 : i32
          %dma_wait3A_87 = tpu.memref_slice %arg22[%dma_wait3A_85, %dma_wait3A_86] : memref<10240x128xf32, #tpu.memory_space<vmem_shared>> -> memref<10240x128xf32, #tpu.memory_space<vmem_shared>>
          tpu.wait_indirect_dma semaphore(%run_scoped3A : memref<!tpu.dma_semaphore, #tpu.memory_space<semaphore_mem>>) src(%arg23 : memref<200x128xf32, #tpu.memory_space<vmem>>) dst(%dma_wait3A_87 : memref<10240x128xf32, #tpu.memory_space<vmem_shared>>)
          tpu.yield
        }) : () -> ()
      }
      %scan3A_60 = arith.constant 50 : i32
      %barrier3A_61 = arith.constant 0 : index
      tpu.barrier barrier_id(%barrier3A_61)
      %mul3A = arith.constant 640 : i32
      %mul3A_62 = arith.muli %arg1, %mul3A : i32
      "tpu.region"() ({
        %run_scoped3A = tpu.sem_alloc : memref<!tpu.dma_semaphore, #tpu.memory_space<semaphore_mem>>
        %dma_start3A = arith.constant 0 : i32
        %dma_start3A_69 = tpu.memref_slice %arg17[%mul3A_62, %dma_start3A] : memref<10240x128xf32, #tpu.memory_space<hbm>> -> memref<640x128xf32, #tpu.memory_space<hbm>>
        %dma_start3A_70 = arith.constant 0 : i32
        %dma_start3A_71 = tpu.memref_slice %arg22[%mul3A_62, %dma_start3A_70] : memref<10240x128xf32, #tpu.memory_space<vmem_shared>> -> memref<640x128xf32, #tpu.memory_space<vmem_shared>>
        tpu.enqueue_dma source(%dma_start3A_71 : memref<640x128xf32, #tpu.memory_space<vmem_shared>>) target(%dma_start3A_69 : memref<640x128xf32, #tpu.memory_space<hbm>>) target_semaphore(%run_scoped3A : memref<!tpu.dma_semaphore, #tpu.memory_space<semaphore_mem>>)
        %dma_wait3A = arith.constant 0 : i32
        %dma_wait3A_72 = tpu.memref_slice %arg17[%mul3A_62, %dma_wait3A] : memref<10240x128xf32, #tpu.memory_space<hbm>> -> memref<640x128xf32, #tpu.memory_space<hbm>>
        %dma_wait3A_73 = arith.constant 0 : i32
        %dma_wait3A_74 = tpu.memref_slice %arg22[%mul3A_62, %dma_wait3A_73] : memref<10240x128xf32, #tpu.memory_space<vmem_shared>> -> memref<640x128xf32, #tpu.memory_space<vmem_shared>>
        tpu.wait_dma2 semaphore(%run_scoped3A : memref<!tpu.dma_semaphore, #tpu.memory_space<semaphore_mem>>) src(%dma_wait3A_74 : memref<640x128xf32, #tpu.memory_space<vmem_shared>>) dst(%dma_wait3A_72 : memref<640x128xf32, #tpu.memory_space<hbm>>)
        tpu.yield
      }) : () -> ()
      %scan3A_63 = arith.constant 0 : i32
      %scan3A_64 = arith.constant 20 : i32
      %scan3A_65 = arith.addi %scan3A_63, %scan3A_64 : i32
      %scan3A_66 = arith.constant 1 : i32
      scf.for %scan3A_69 = %scan3A_63 to %scan3A_65 step %scan3A_66  : i32 {
        %mul3A_70 = arith.constant 32 : i32
        %mul3A_71 = arith.muli %scan3A_69, %mul3A_70 : i32
        %add3A = arith.constant 0 : i32
        %add3A_72 = arith.addi %add3A, %mul3A_71 : i32
        %mul3A_73 = arith.constant 640 : i32
        %mul3A_74 = arith.muli %arg1, %mul3A_73 : i32
        %add3A_75 = arith.addi %mul3A_74, %add3A_72 : i32
        "tpu.region"() ({
          %run_scoped3A = tpu.sem_alloc : memref<!tpu.dma_semaphore, #tpu.memory_space<semaphore_mem>>
          %dma_start3A = arith.constant 0 : i32
          %dma_start3A_76 = tpu.memref_slice %arg22[%add3A_75, %dma_start3A] : memref<10240x128xf32, #tpu.memory_space<vmem_shared>> -> memref<32x128xf32, #tpu.memory_space<vmem_shared>>
          %dma_start3A_77 = arith.constant 0 : i32
          %dma_start3A_78 = tpu.memref_slice %arg22[%add3A_75, %dma_start3A_77] : memref<10240x128xf32, #tpu.memory_space<vmem_shared>> -> memref<32x128xf32, #tpu.memory_space<vmem_shared>>
          tpu.enqueue_dma source(%arg26 : memref<32x128xf32, #tpu.memory_space<vmem>>) target(%dma_start3A_78 : memref<32x128xf32, #tpu.memory_space<vmem_shared>>) target_semaphore(%run_scoped3A : memref<!tpu.dma_semaphore, #tpu.memory_space<semaphore_mem>>)
          %dma_wait3A = arith.constant 0 : i32
          %dma_wait3A_79 = tpu.memref_slice %arg22[%add3A_75, %dma_wait3A] : memref<10240x128xf32, #tpu.memory_space<vmem_shared>> -> memref<32x128xf32, #tpu.memory_space<vmem_shared>>
          %dma_wait3A_80 = arith.constant 0 : i32
          %dma_wait3A_81 = tpu.memref_slice %arg22[%add3A_75, %dma_wait3A_80] : memref<10240x128xf32, #tpu.memory_space<vmem_shared>> -> memref<32x128xf32, #tpu.memory_space<vmem_shared>>
          tpu.wait_dma2 semaphore(%run_scoped3A : memref<!tpu.dma_semaphore, #tpu.memory_space<semaphore_mem>>) src(%arg26 : memref<32x128xf32, #tpu.memory_space<vmem>>) dst(%dma_wait3A_81 : memref<32x128xf32, #tpu.memory_space<vmem_shared>>)
          tpu.yield
        }) : () -> ()
      }
      %scan3A_67 = arith.constant 20 : i32
      %barrier3A_68 = arith.constant 0 : index
      tpu.barrier barrier_id(%barrier3A_68)
    } else {
    }
    %eq3A_36 = arith.constant 0 : i32
    %eq3A_37 = arith.cmpi eq, %arg0, %eq3A_36 : i32
    %convert_element_type3A_38 = arith.extui %eq3A_37 : i1 to i32
    %cond3A_39 = arith.constant 0 : i32
    %cond3A_40 = arith.cmpi ne, %convert_element_type3A_38, %cond3A_39 : i32
    scf.if %cond3A_40 {
      %scan3A_56 = arith.constant 0 : i32
      %scan3A_57 = arith.constant 200 : i32
      %scan3A_58 = arith.addi %scan3A_56, %scan3A_57 : i32
      %scan3A_59 = arith.constant 1 : i32
      scf.for %scan3A_74 = %scan3A_56 to %scan3A_58 step %scan3A_59  : i32 {
        %mul3A_75 = arith.constant 1 : i32
        %mul3A_76 = arith.muli %scan3A_74, %mul3A_75 : i32
        %add3A = arith.constant 0 : i32
        %add3A_77 = arith.addi %add3A, %mul3A_76 : i32
        %scan3A_78 = arith.constant 0 : i32
        %scan3A_79 = arith.constant 8 : i32
        %scan3A_80 = arith.addi %scan3A_78, %scan3A_79 : i32
        %scan3A_81 = arith.constant 1 : i32
        scf.for %scan3A_83 = %scan3A_78 to %scan3A_80 step %scan3A_81  : i32 {
          %mul3A_84 = arith.constant 16 : i32
          %mul3A_85 = arith.muli %scan3A_83, %mul3A_84 : i32
          %add3A_86 = arith.constant 0 : i32
          %add3A_87 = arith.addi %add3A_86, %mul3A_85 : i32
          %broadcast_in_dim3A = arith.constant 1.000000e+00 : f32
          %broadcast_in_dim3A_88 = vector.broadcast %broadcast_in_dim3A : f32 to vector<16xf32>
          %swap3A = arith.index_cast %add3A_77 : i32 to index
          %swap3A_89 = arith.index_cast %add3A_87 : i32 to index
          %swap3A_90 = tpu.vector_load %arg23[%swap3A, %swap3A_89] {strides = array<i32>} : memref<200x128xf32, #tpu.memory_space<vmem>>, vector<16xf32>,
          tpu.vector_store %arg23[%swap3A, %swap3A_89], %broadcast_in_dim3A_88 {strides = array<i32>} : memref<200x128xf32, #tpu.memory_space<vmem>>, vector<16xf32>,
        }
        %scan3A_82 = arith.constant 8 : i32
      }
      %scan3A_60 = arith.constant 200 : i32
      %scan3A_61 = arith.constant 0 : i32
      %scan3A_62 = arith.constant 25 : i32
      %scan3A_63 = arith.addi %scan3A_61, %scan3A_62 : i32
      %scan3A_64 = arith.constant 1 : i32
      scf.for %scan3A_74 = %scan3A_61 to %scan3A_63 step %scan3A_64  : i32 {
        %mul3A_75 = arith.constant 1 : i32
        %mul3A_76 = arith.muli %scan3A_74, %mul3A_75 : i32
        %add3A = arith.constant 0 : i32
        %add3A_77 = arith.addi %add3A, %mul3A_76 : i32
        %mul3A_78 = arith.constant 10000 : i32
        %mul3A_79 = arith.muli %arg1, %mul3A_78 : i32
        %add3A_80 = arith.constant 0 : i32
        %add3A_81 = arith.addi %add3A_80, %mul3A_79 : i32
        %mul3A_82 = arith.constant 2 : i32
        %mul3A_83 = arith.muli %add3A_77, %mul3A_82 : i32
        %mul3A_84 = arith.constant 200 : i32
        %mul3A_85 = arith.muli %mul3A_83, %mul3A_84 : i32
        %add3A_86 = arith.addi %add3A_81, %mul3A_85 : i32
        "tpu.region"() ({
          %run_scoped3A = tpu.sem_alloc : memref<!tpu.dma_semaphore, #tpu.memory_space<semaphore_mem>>
          %dma_start3A = tpu.memref_slice %arg9[%add3A_86] : memref<160000xi32, #tpu.memory_space<hbm>> -> memref<400xi32, #tpu.memory_space<hbm>>
          %dma_start3A_87 = tpu.memref_slice %arg9[%add3A_86] : memref<160000xi32, #tpu.memory_space<hbm>> -> memref<400xi32, #tpu.memory_space<hbm>>
          tpu.enqueue_dma source(%dma_start3A_87 : memref<400xi32, #tpu.memory_space<hbm>>) target(%arg24 : memref<400xi32, #tpu.memory_space<vmem>>) target_semaphore(%run_scoped3A : memref<!tpu.dma_semaphore, #tpu.memory_space<semaphore_mem>>)
          %dma_wait3A = tpu.memref_slice %arg9[%add3A_86] : memref<160000xi32, #tpu.memory_space<hbm>> -> memref<400xi32, #tpu.memory_space<hbm>>
          %dma_wait3A_88 = tpu.memref_slice %arg9[%add3A_86] : memref<160000xi32, #tpu.memory_space<hbm>> -> memref<400xi32, #tpu.memory_space<hbm>>
          tpu.wait_dma2 semaphore(%run_scoped3A : memref<!tpu.dma_semaphore, #tpu.memory_space<semaphore_mem>>) src(%dma_wait3A_88 : memref<400xi32, #tpu.memory_space<hbm>>) dst(%arg24 : memref<400xi32, #tpu.memory_space<vmem>>)
          tpu.yield
        }) : () -> ()
        "tpu.region"() ({
          %run_scoped3A = tpu.sem_alloc : memref<!tpu.dma_semaphore, #tpu.memory_space<semaphore_mem>>
          %dma_start3A = arith.constant 0 : i32
          %dma_start3A_87 = tpu.memref_slice %arg24[%dma_start3A] : memref<400xi32, #tpu.memory_space<vmem>> -> memref<200xi32, #tpu.memory_space<vmem>>
          %dma_start3A_88 = arith.constant 0 : i32
          %dma_start3A_89 = arith.constant 0 : i32
          %dma_start3A_90 = tpu.memref_slice %arg22[%dma_start3A_88, %dma_start3A_89] : memref<10240x128xf32, #tpu.memory_space<vmem_shared>> -> memref<10240x128xf32, #tpu.memory_space<vmem_shared>>
          tpu.enqueue_indirect_dma source(%arg23 : memref<200x128xf32, #tpu.memory_space<vmem>>) target(%dma_start3A_90 : memref<10240x128xf32, #tpu.memory_space<vmem_shared>>) offsets(%dma_start3A_87 : memref<200xi32, #tpu.memory_space<vmem>>) semaphore(%run_scoped3A : memref<!tpu.dma_semaphore, #tpu.memory_space<semaphore_mem>>) {add = true}
          %dma_wait3A = arith.constant 0 : i32
          %dma_wait3A_91 = tpu.memref_slice %arg24[%dma_wait3A] : memref<400xi32, #tpu.memory_space<vmem>> -> memref<200xi32, #tpu.memory_space<vmem>>
          %dma_wait3A_92 = arith.constant 0 : i32
          %dma_wait3A_93 = arith.constant 0 : i32
          %dma_wait3A_94 = tpu.memref_slice %arg22[%dma_wait3A_92, %dma_wait3A_93] : memref<10240x128xf32, #tpu.memory_space<vmem_shared>> -> memref<10240x128xf32, #tpu.memory_space<vmem_shared>>
          tpu.wait_indirect_dma semaphore(%run_scoped3A : memref<!tpu.dma_semaphore, #tpu.memory_space<semaphore_mem>>) src(%arg23 : memref<200x128xf32, #tpu.memory_space<vmem>>) dst(%dma_wait3A_94 : memref<10240x128xf32, #tpu.memory_space<vmem_shared>>)
          tpu.yield
        }) : () -> ()
        "tpu.region"() ({
          %run_scoped3A = tpu.sem_alloc : memref<!tpu.dma_semaphore, #tpu.memory_space<semaphore_mem>>
          %dma_start3A = arith.constant 200 : i32
          %dma_start3A_87 = tpu.memref_slice %arg24[%dma_start3A] : memref<400xi32, #tpu.memory_space<vmem>> -> memref<200xi32, #tpu.memory_space<vmem>>
          %dma_start3A_88 = arith.constant 0 : i32
          %dma_start3A_89 = arith.constant 0 : i32
          %dma_start3A_90 = tpu.memref_slice %arg22[%dma_start3A_88, %dma_start3A_89] : memref<10240x128xf32, #tpu.memory_space<vmem_shared>> -> memref<10240x128xf32, #tpu.memory_space<vmem_shared>>
          tpu.enqueue_indirect_dma source(%arg23 : memref<200x128xf32, #tpu.memory_space<vmem>>) target(%dma_start3A_90 : memref<10240x128xf32, #tpu.memory_space<vmem_shared>>) offsets(%dma_start3A_87 : memref<200xi32, #tpu.memory_space<vmem>>) semaphore(%run_scoped3A : memref<!tpu.dma_semaphore, #tpu.memory_space<semaphore_mem>>) {add = true}
          %dma_wait3A = arith.constant 200 : i32
          %dma_wait3A_91 = tpu.memref_slice %arg24[%dma_wait3A] : memref<400xi32, #tpu.memory_space<vmem>> -> memref<200xi32, #tpu.memory_space<vmem>>
          %dma_wait3A_92 = arith.constant 0 : i32
          %dma_wait3A_93 = arith.constant 0 : i32
          %dma_wait3A_94 = tpu.memref_slice %arg22[%dma_wait3A_92, %dma_wait3A_93] : memref<10240x128xf32, #tpu.memory_space<vmem_shared>> -> memref<10240x128xf32, #tpu.memory_space<vmem_shared>>
          tpu.wait_indirect_dma semaphore(%run_scoped3A : memref<!tpu.dma_semaphore, #tpu.memory_space<semaphore_mem>>) src(%arg23 : memref<200x128xf32, #tpu.memory_space<vmem>>) dst(%dma_wait3A_94 : memref<10240x128xf32, #tpu.memory_space<vmem_shared>>)
          tpu.yield
        }) : () -> ()
      }
      %scan3A_65 = arith.constant 25 : i32
      %barrier3A_66 = arith.constant 0 : index
      tpu.barrier barrier_id(%barrier3A_66)
      %mul3A = arith.constant 640 : i32
      %mul3A_67 = arith.muli %arg1, %mul3A : i32
      "tpu.region"() ({
        %run_scoped3A = tpu.sem_alloc : memref<!tpu.dma_semaphore, #tpu.memory_space<semaphore_mem>>
        %dma_start3A = arith.constant 0 : i32
        %dma_start3A_74 = tpu.memref_slice %arg18[%mul3A_67, %dma_start3A] : memref<10240x128xf32, #tpu.memory_space<hbm>> -> memref<640x128xf32, #tpu.memory_space<hbm>>
        %dma_start3A_75 = arith.constant 0 : i32
        %dma_start3A_76 = tpu.memref_slice %arg22[%mul3A_67, %dma_start3A_75] : memref<10240x128xf32, #tpu.memory_space<vmem_shared>> -> memref<640x128xf32, #tpu.memory_space<vmem_shared>>
        tpu.enqueue_dma source(%dma_start3A_76 : memref<640x128xf32, #tpu.memory_space<vmem_shared>>) target(%dma_start3A_74 : memref<640x128xf32, #tpu.memory_space<hbm>>) target_semaphore(%run_scoped3A : memref<!tpu.dma_semaphore, #tpu.memory_space<semaphore_mem>>)
        %dma_wait3A = arith.constant 0 : i32
        %dma_wait3A_77 = tpu.memref_slice %arg18[%mul3A_67, %dma_wait3A] : memref<10240x128xf32, #tpu.memory_space<hbm>> -> memref<640x128xf32, #tpu.memory_space<hbm>>
        %dma_wait3A_78 = arith.constant 0 : i32
        %dma_wait3A_79 = tpu.memref_slice %arg22[%mul3A_67, %dma_wait3A_78] : memref<10240x128xf32, #tpu.memory_space<vmem_shared>> -> memref<640x128xf32, #tpu.memory_space<vmem_shared>>
        tpu.wait_dma2 semaphore(%run_scoped3A : memref<!tpu.dma_semaphore, #tpu.memory_space<semaphore_mem>>) src(%dma_wait3A_79 : memref<640x128xf32, #tpu.memory_space<vmem_shared>>) dst(%dma_wait3A_77 : memref<640x128xf32, #tpu.memory_space<hbm>>)
        tpu.yield
      }) : () -> ()
      %scan3A_68 = arith.constant 0 : i32
      %scan3A_69 = arith.constant 20 : i32
      %scan3A_70 = arith.addi %scan3A_68, %scan3A_69 : i32
      %scan3A_71 = arith.constant 1 : i32
      scf.for %scan3A_74 = %scan3A_68 to %scan3A_70 step %scan3A_71  : i32 {
        %mul3A_75 = arith.constant 32 : i32
        %mul3A_76 = arith.muli %scan3A_74, %mul3A_75 : i32
        %add3A = arith.constant 0 : i32
        %add3A_77 = arith.addi %add3A, %mul3A_76 : i32
        %mul3A_78 = arith.constant 640 : i32
        %mul3A_79 = arith.muli %arg1, %mul3A_78 : i32
        %add3A_80 = arith.addi %mul3A_79, %add3A_77 : i32
        "tpu.region"() ({
          %run_scoped3A = tpu.sem_alloc : memref<!tpu.dma_semaphore, #tpu.memory_space<semaphore_mem>>
          %dma_start3A = arith.constant 0 : i32
          %dma_start3A_81 = tpu.memref_slice %arg22[%add3A_80, %dma_start3A] : memref<10240x128xf32, #tpu.memory_space<vmem_shared>> -> memref<32x128xf32, #tpu.memory_space<vmem_shared>>
          %dma_start3A_82 = arith.constant 0 : i32
          %dma_start3A_83 = tpu.memref_slice %arg22[%add3A_80, %dma_start3A_82] : memref<10240x128xf32, #tpu.memory_space<vmem_shared>> -> memref<32x128xf32, #tpu.memory_space<vmem_shared>>
          tpu.enqueue_dma source(%arg26 : memref<32x128xf32, #tpu.memory_space<vmem>>) target(%dma_start3A_83 : memref<32x128xf32, #tpu.memory_space<vmem_shared>>) target_semaphore(%run_scoped3A : memref<!tpu.dma_semaphore, #tpu.memory_space<semaphore_mem>>)
          %dma_wait3A = arith.constant 0 : i32
          %dma_wait3A_84 = tpu.memref_slice %arg22[%add3A_80, %dma_wait3A] : memref<10240x128xf32, #tpu.memory_space<vmem_shared>> -> memref<32x128xf32, #tpu.memory_space<vmem_shared>>
          %dma_wait3A_85 = arith.constant 0 : i32
          %dma_wait3A_86 = tpu.memref_slice %arg22[%add3A_80, %dma_wait3A_85] : memref<10240x128xf32, #tpu.memory_space<vmem_shared>> -> memref<32x128xf32, #tpu.memory_space<vmem_shared>>
          tpu.wait_dma2 semaphore(%run_scoped3A : memref<!tpu.dma_semaphore, #tpu.memory_space<semaphore_mem>>) src(%arg26 : memref<32x128xf32, #tpu.memory_space<vmem>>) dst(%dma_wait3A_86 : memref<32x128xf32, #tpu.memory_space<vmem_shared>>)
          tpu.yield
        }) : () -> ()
      }
      %scan3A_72 = arith.constant 20 : i32
      %barrier3A_73 = arith.constant 0 : index
      tpu.barrier barrier_id(%barrier3A_73)
    } else {
    }
    %eq3A_41 = arith.constant 0 : i32
    %eq3A_42 = arith.cmpi eq, %arg0, %eq3A_41 : i32
    %convert_element_type3A_43 = arith.extui %eq3A_42 : i1 to i32
    %cond3A_44 = arith.constant 0 : i32
    %cond3A_45 = arith.cmpi ne, %convert_element_type3A_43, %cond3A_44 : i32
    scf.if %cond3A_45 {
      %scan3A_56 = arith.constant 0 : i32
      %scan3A_57 = arith.constant 25 : i32
      %scan3A_58 = arith.addi %scan3A_56, %scan3A_57 : i32
      %scan3A_59 = arith.constant 1 : i32
      scf.for %scan3A_64 = %scan3A_56 to %scan3A_58 step %scan3A_59  : i32 {
        %mul3A_65 = arith.constant 1 : i32
        %mul3A_66 = arith.muli %scan3A_64, %mul3A_65 : i32
        %add3A = arith.constant 0 : i32
        %add3A_67 = arith.addi %add3A, %mul3A_66 : i32
        %mul3A_68 = arith.constant 5000 : i32
        %mul3A_69 = arith.muli %arg1, %mul3A_68 : i32
        %add3A_70 = arith.constant 0 : i32
        %add3A_71 = arith.addi %add3A_70, %mul3A_69 : i32
        %mul3A_72 = arith.constant 200 : i32
        %mul3A_73 = arith.muli %add3A_67, %mul3A_72 : i32
        %add3A_74 = arith.addi %add3A_71, %mul3A_73 : i32
        "tpu.region"() ({
          %run_scoped3A = tpu.sem_alloc : memref<!tpu.dma_semaphore, #tpu.memory_space<semaphore_mem>>
          %dma_start3A = tpu.memref_slice %arg10[%add3A_74] : memref<160000xi32, #tpu.memory_space<hbm>> -> memref<200xi32, #tpu.memory_space<hbm>>
          %dma_start3A_75 = tpu.memref_slice %arg10[%add3A_74] : memref<160000xi32, #tpu.memory_space<hbm>> -> memref<200xi32, #tpu.memory_space<hbm>>
          tpu.enqueue_dma source(%dma_start3A_75 : memref<200xi32, #tpu.memory_space<hbm>>) target(%arg25 : memref<200xi32, #tpu.memory_space<vmem>>) target_semaphore(%run_scoped3A : memref<!tpu.dma_semaphore, #tpu.memory_space<semaphore_mem>>)
          %dma_wait3A = tpu.memref_slice %arg10[%add3A_74] : memref<160000xi32, #tpu.memory_space<hbm>> -> memref<200xi32, #tpu.memory_space<hbm>>
          %dma_wait3A_76 = tpu.memref_slice %arg10[%add3A_74] : memref<160000xi32, #tpu.memory_space<hbm>> -> memref<200xi32, #tpu.memory_space<hbm>>
          tpu.wait_dma2 semaphore(%run_scoped3A : memref<!tpu.dma_semaphore, #tpu.memory_space<semaphore_mem>>) src(%dma_wait3A_76 : memref<200xi32, #tpu.memory_space<hbm>>) dst(%arg25 : memref<200xi32, #tpu.memory_space<vmem>>)
          tpu.yield
        }) : () -> ()
        "tpu.region"() ({
          %run_scoped3A = tpu.sem_alloc : memref<!tpu.dma_semaphore, #tpu.memory_space<semaphore_mem>>
          %dma_start3A = arith.constant 0 : i32
          %dma_start3A_75 = arith.constant 0 : i32
          %dma_start3A_76 = tpu.memref_slice %arg22[%dma_start3A, %dma_start3A_75] : memref<10240x128xf32, #tpu.memory_space<vmem_shared>> -> memref<10240x128xf32, #tpu.memory_space<vmem_shared>>
          tpu.enqueue_indirect_dma source(%arg23 : memref<200x128xf32, #tpu.memory_space<vmem>>) target(%dma_start3A_76 : memref<10240x128xf32, #tpu.memory_space<vmem_shared>>) offsets(%arg25 : memref<200xi32, #tpu.memory_space<vmem>>) semaphore(%run_scoped3A : memref<!tpu.dma_semaphore, #tpu.memory_space<semaphore_mem>>) {add = true}
          %dma_wait3A = arith.constant 0 : i32
          %dma_wait3A_77 = arith.constant 0 : i32
          %dma_wait3A_78 = tpu.memref_slice %arg22[%dma_wait3A, %dma_wait3A_77] : memref<10240x128xf32, #tpu.memory_space<vmem_shared>> -> memref<10240x128xf32, #tpu.memory_space<vmem_shared>>
          tpu.wait_indirect_dma semaphore(%run_scoped3A : memref<!tpu.dma_semaphore, #tpu.memory_space<semaphore_mem>>) src(%arg23 : memref<200x128xf32, #tpu.memory_space<vmem>>) dst(%dma_wait3A_78 : memref<10240x128xf32, #tpu.memory_space<vmem_shared>>)
          tpu.yield
        }) : () -> ()
      }
      %scan3A_60 = arith.constant 25 : i32
      %barrier3A_61 = arith.constant 0 : index
      tpu.barrier barrier_id(%barrier3A_61)
      %mul3A = arith.constant 640 : i32
      %mul3A_62 = arith.muli %arg1, %mul3A : i32
      "tpu.region"() ({
        %run_scoped3A = tpu.sem_alloc : memref<!tpu.dma_semaphore, #tpu.memory_space<semaphore_mem>>
        %dma_start3A = arith.constant 0 : i32
        %dma_start3A_64 = tpu.memref_slice %arg19[%mul3A_62, %dma_start3A] : memref<10240x128xf32, #tpu.memory_space<hbm>> -> memref<640x128xf32, #tpu.memory_space<hbm>>
        %dma_start3A_65 = arith.constant 0 : i32
        %dma_start3A_66 = tpu.memref_slice %arg22[%mul3A_62, %dma_start3A_65] : memref<10240x128xf32, #tpu.memory_space<vmem_shared>> -> memref<640x128xf32, #tpu.memory_space<vmem_shared>>
        tpu.enqueue_dma source(%dma_start3A_66 : memref<640x128xf32, #tpu.memory_space<vmem_shared>>) target(%dma_start3A_64 : memref<640x128xf32, #tpu.memory_space<hbm>>) target_semaphore(%run_scoped3A : memref<!tpu.dma_semaphore, #tpu.memory_space<semaphore_mem>>)
        %dma_wait3A = arith.constant 0 : i32
        %dma_wait3A_67 = tpu.memref_slice %arg19[%mul3A_62, %dma_wait3A] : memref<10240x128xf32, #tpu.memory_space<hbm>> -> memref<640x128xf32, #tpu.memory_space<hbm>>
        %dma_wait3A_68 = arith.constant 0 : i32
        %dma_wait3A_69 = tpu.memref_slice %arg22[%mul3A_62, %dma_wait3A_68] : memref<10240x128xf32, #tpu.memory_space<vmem_shared>> -> memref<640x128xf32, #tpu.memory_space<vmem_shared>>
        tpu.wait_dma2 semaphore(%run_scoped3A : memref<!tpu.dma_semaphore, #tpu.memory_space<semaphore_mem>>) src(%dma_wait3A_69 : memref<640x128xf32, #tpu.memory_space<vmem_shared>>) dst(%dma_wait3A_67 : memref<640x128xf32, #tpu.memory_space<hbm>>)
        tpu.yield
      }) : () -> ()
      %barrier3A_63 = arith.constant 0 : index
      tpu.barrier barrier_id(%barrier3A_63)
    } else {
    }
    %eq3A_46 = arith.constant 1 : i32
    %eq3A_47 = arith.cmpi eq, %arg0, %eq3A_46 : i32
    %convert_element_type3A_48 = arith.extui %eq3A_47 : i1 to i32
    %cond3A_49 = arith.constant 0 : i32
    %cond3A_50 = arith.cmpi ne, %convert_element_type3A_48, %cond3A_49 : i32
    scf.if %cond3A_50 {
      %scan3A_56 = arith.constant 0 : i32
      %scan3A_57 = arith.constant 200 : i32
      %scan3A_58 = arith.addi %scan3A_56, %scan3A_57 : i32
      %scan3A_59 = arith.constant 1 : i32
      scf.for %scan3A_74 = %scan3A_56 to %scan3A_58 step %scan3A_59  : i32 {
        %mul3A_75 = arith.constant 1 : i32
        %mul3A_76 = arith.muli %scan3A_74, %mul3A_75 : i32
        %add3A = arith.constant 0 : i32
        %add3A_77 = arith.addi %add3A, %mul3A_76 : i32
        %scan3A_78 = arith.constant 0 : i32
        %scan3A_79 = arith.constant 8 : i32
        %scan3A_80 = arith.addi %scan3A_78, %scan3A_79 : i32
        %scan3A_81 = arith.constant 1 : i32
        scf.for %scan3A_83 = %scan3A_78 to %scan3A_80 step %scan3A_81  : i32 {
          %mul3A_84 = arith.constant 16 : i32
          %mul3A_85 = arith.muli %scan3A_83, %mul3A_84 : i32
          %add3A_86 = arith.constant 0 : i32
          %add3A_87 = arith.addi %add3A_86, %mul3A_85 : i32
          %broadcast_in_dim3A = arith.constant 1.000000e+00 : f32
          %broadcast_in_dim3A_88 = vector.broadcast %broadcast_in_dim3A : f32 to vector<16xf32>
          %swap3A = arith.index_cast %add3A_77 : i32 to index
          %swap3A_89 = arith.index_cast %add3A_87 : i32 to index
          %swap3A_90 = tpu.vector_load %arg23[%swap3A, %swap3A_89] {strides = array<i32>} : memref<200x128xf32, #tpu.memory_space<vmem>>, vector<16xf32>,
          tpu.vector_store %arg23[%swap3A, %swap3A_89], %broadcast_in_dim3A_88 {strides = array<i32>} : memref<200x128xf32, #tpu.memory_space<vmem>>, vector<16xf32>,
        }
        %scan3A_82 = arith.constant 8 : i32
      }
      %scan3A_60 = arith.constant 200 : i32
      %scan3A_61 = arith.constant 0 : i32
      %scan3A_62 = arith.constant 25 : i32
      %scan3A_63 = arith.addi %scan3A_61, %scan3A_62 : i32
      %scan3A_64 = arith.constant 1 : i32
      scf.for %scan3A_74 = %scan3A_61 to %scan3A_63 step %scan3A_64  : i32 {
        %mul3A_75 = arith.constant 1 : i32
        %mul3A_76 = arith.muli %scan3A_74, %mul3A_75 : i32
        %add3A = arith.constant 0 : i32
        %add3A_77 = arith.addi %add3A, %mul3A_76 : i32
        %mul3A_78 = arith.constant 5000 : i32
        %mul3A_79 = arith.muli %arg1, %mul3A_78 : i32
        %add3A_80 = arith.constant 80000 : i32
        %add3A_81 = arith.addi %add3A_80, %mul3A_79 : i32
        %mul3A_82 = arith.constant 200 : i32
        %mul3A_83 = arith.muli %add3A_77, %mul3A_82 : i32
        %add3A_84 = arith.addi %add3A_81, %mul3A_83 : i32
        "tpu.region"() ({
          %run_scoped3A = tpu.sem_alloc : memref<!tpu.dma_semaphore, #tpu.memory_space<semaphore_mem>>
          %dma_start3A = tpu.memref_slice %arg10[%add3A_84] : memref<160000xi32, #tpu.memory_space<hbm>> -> memref<200xi32, #tpu.memory_space<hbm>>
          %dma_start3A_85 = tpu.memref_slice %arg10[%add3A_84] : memref<160000xi32, #tpu.memory_space<hbm>> -> memref<200xi32, #tpu.memory_space<hbm>>
          tpu.enqueue_dma source(%dma_start3A_85 : memref<200xi32, #tpu.memory_space<hbm>>) target(%arg25 : memref<200xi32, #tpu.memory_space<vmem>>) target_semaphore(%run_scoped3A : memref<!tpu.dma_semaphore, #tpu.memory_space<semaphore_mem>>)
          %dma_wait3A = tpu.memref_slice %arg10[%add3A_84] : memref<160000xi32, #tpu.memory_space<hbm>> -> memref<200xi32, #tpu.memory_space<hbm>>
          %dma_wait3A_86 = tpu.memref_slice %arg10[%add3A_84] : memref<160000xi32, #tpu.memory_space<hbm>> -> memref<200xi32, #tpu.memory_space<hbm>>
          tpu.wait_dma2 semaphore(%run_scoped3A : memref<!tpu.dma_semaphore, #tpu.memory_space<semaphore_mem>>) src(%dma_wait3A_86 : memref<200xi32, #tpu.memory_space<hbm>>) dst(%arg25 : memref<200xi32, #tpu.memory_space<vmem>>)
          tpu.yield
        }) : () -> ()
        "tpu.region"() ({
          %run_scoped3A = tpu.sem_alloc : memref<!tpu.dma_semaphore, #tpu.memory_space<semaphore_mem>>
          %dma_start3A = arith.constant 0 : i32
          %dma_start3A_85 = arith.constant 0 : i32
          %dma_start3A_86 = tpu.memref_slice %arg22[%dma_start3A, %dma_start3A_85] : memref<10240x128xf32, #tpu.memory_space<vmem_shared>> -> memref<10240x128xf32, #tpu.memory_space<vmem_shared>>
          tpu.enqueue_indirect_dma source(%arg23 : memref<200x128xf32, #tpu.memory_space<vmem>>) target(%dma_start3A_86 : memref<10240x128xf32, #tpu.memory_space<vmem_shared>>) offsets(%arg25 : memref<200xi32, #tpu.memory_space<vmem>>) semaphore(%run_scoped3A : memref<!tpu.dma_semaphore, #tpu.memory_space<semaphore_mem>>) {add = true}
          %dma_wait3A = arith.constant 0 : i32
          %dma_wait3A_87 = arith.constant 0 : i32
          %dma_wait3A_88 = tpu.memref_slice %arg22[%dma_wait3A, %dma_wait3A_87] : memref<10240x128xf32, #tpu.memory_space<vmem_shared>> -> memref<10240x128xf32, #tpu.memory_space<vmem_shared>>
          tpu.wait_indirect_dma semaphore(%run_scoped3A : memref<!tpu.dma_semaphore, #tpu.memory_space<semaphore_mem>>) src(%arg23 : memref<200x128xf32, #tpu.memory_space<vmem>>) dst(%dma_wait3A_88 : memref<10240x128xf32, #tpu.memory_space<vmem_shared>>)
          tpu.yield
        }) : () -> ()
      }
      %scan3A_65 = arith.constant 25 : i32
      %barrier3A_66 = arith.constant 0 : index
      tpu.barrier barrier_id(%barrier3A_66)
      %mul3A = arith.constant 640 : i32
      %mul3A_67 = arith.muli %arg1, %mul3A : i32
      "tpu.region"() ({
        %run_scoped3A = tpu.sem_alloc : memref<!tpu.dma_semaphore, #tpu.memory_space<semaphore_mem>>
        %dma_start3A = arith.constant 0 : i32
        %dma_start3A_74 = tpu.memref_slice %arg20[%mul3A_67, %dma_start3A] : memref<10240x128xf32, #tpu.memory_space<hbm>> -> memref<640x128xf32, #tpu.memory_space<hbm>>
        %dma_start3A_75 = arith.constant 0 : i32
        %dma_start3A_76 = tpu.memref_slice %arg22[%mul3A_67, %dma_start3A_75] : memref<10240x128xf32, #tpu.memory_space<vmem_shared>> -> memref<640x128xf32, #tpu.memory_space<vmem_shared>>
        tpu.enqueue_dma source(%dma_start3A_76 : memref<640x128xf32, #tpu.memory_space<vmem_shared>>) target(%dma_start3A_74 : memref<640x128xf32, #tpu.memory_space<hbm>>) target_semaphore(%run_scoped3A : memref<!tpu.dma_semaphore, #tpu.memory_space<semaphore_mem>>)
        %dma_wait3A = arith.constant 0 : i32
        %dma_wait3A_77 = tpu.memref_slice %arg20[%mul3A_67, %dma_wait3A] : memref<10240x128xf32, #tpu.memory_space<hbm>> -> memref<640x128xf32, #tpu.memory_space<hbm>>
        %dma_wait3A_78 = arith.constant 0 : i32
        %dma_wait3A_79 = tpu.memref_slice %arg22[%mul3A_67, %dma_wait3A_78] : memref<10240x128xf32, #tpu.memory_space<vmem_shared>> -> memref<640x128xf32, #tpu.memory_space<vmem_shared>>
        tpu.wait_dma2 semaphore(%run_scoped3A : memref<!tpu.dma_semaphore, #tpu.memory_space<semaphore_mem>>) src(%dma_wait3A_79 : memref<640x128xf32, #tpu.memory_space<vmem_shared>>) dst(%dma_wait3A_77 : memref<640x128xf32, #tpu.memory_space<hbm>>)
        tpu.yield
      }) : () -> ()
      %scan3A_68 = arith.constant 0 : i32
      %scan3A_69 = arith.constant 20 : i32
      %scan3A_70 = arith.addi %scan3A_68, %scan3A_69 : i32
      %scan3A_71 = arith.constant 1 : i32
      scf.for %scan3A_74 = %scan3A_68 to %scan3A_70 step %scan3A_71  : i32 {
        %mul3A_75 = arith.constant 32 : i32
        %mul3A_76 = arith.muli %scan3A_74, %mul3A_75 : i32
        %add3A = arith.constant 0 : i32
        %add3A_77 = arith.addi %add3A, %mul3A_76 : i32
        %mul3A_78 = arith.constant 640 : i32
        %mul3A_79 = arith.muli %arg1, %mul3A_78 : i32
        %add3A_80 = arith.addi %mul3A_79, %add3A_77 : i32
        "tpu.region"() ({
          %run_scoped3A = tpu.sem_alloc : memref<!tpu.dma_semaphore, #tpu.memory_space<semaphore_mem>>
          %dma_start3A = arith.constant 0 : i32
          %dma_start3A_81 = tpu.memref_slice %arg22[%add3A_80, %dma_start3A] : memref<10240x128xf32, #tpu.memory_space<vmem_shared>> -> memref<32x128xf32, #tpu.memory_space<vmem_shared>>
          %dma_start3A_82 = arith.constant 0 : i32
          %dma_start3A_83 = tpu.memref_slice %arg22[%add3A_80, %dma_start3A_82] : memref<10240x128xf32, #tpu.memory_space<vmem_shared>> -> memref<32x128xf32, #tpu.memory_space<vmem_shared>>
          tpu.enqueue_dma source(%arg26 : memref<32x128xf32, #tpu.memory_space<vmem>>) target(%dma_start3A_83 : memref<32x128xf32, #tpu.memory_space<vmem_shared>>) target_semaphore(%run_scoped3A : memref<!tpu.dma_semaphore, #tpu.memory_space<semaphore_mem>>)
          %dma_wait3A = arith.constant 0 : i32
          %dma_wait3A_84 = tpu.memref_slice %arg22[%add3A_80, %dma_wait3A] : memref<10240x128xf32, #tpu.memory_space<vmem_shared>> -> memref<32x128xf32, #tpu.memory_space<vmem_shared>>
          %dma_wait3A_85 = arith.constant 0 : i32
          %dma_wait3A_86 = tpu.memref_slice %arg22[%add3A_80, %dma_wait3A_85] : memref<10240x128xf32, #tpu.memory_space<vmem_shared>> -> memref<32x128xf32, #tpu.memory_space<vmem_shared>>
          tpu.wait_dma2 semaphore(%run_scoped3A : memref<!tpu.dma_semaphore, #tpu.memory_space<semaphore_mem>>) src(%arg26 : memref<32x128xf32, #tpu.memory_space<vmem>>) dst(%dma_wait3A_86 : memref<32x128xf32, #tpu.memory_space<vmem_shared>>)
          tpu.yield
        }) : () -> ()
      }
      %scan3A_72 = arith.constant 20 : i32
      %barrier3A_73 = arith.constant 0 : index
      tpu.barrier barrier_id(%barrier3A_73)
    } else {
    }
    %eq3A_51 = arith.constant 1 : i32
    %eq3A_52 = arith.cmpi eq, %arg0, %eq3A_51 : i32
    %convert_element_type3A_53 = arith.extui %eq3A_52 : i1 to i32
    %cond3A_54 = arith.constant 0 : i32
    %cond3A_55 = arith.cmpi ne, %convert_element_type3A_53, %cond3A_54 : i32
    scf.if %cond3A_55 {
      %scan3A_56 = arith.constant 0 : i32
      %scan3A_57 = arith.constant 25 : i32
      %scan3A_58 = arith.addi %scan3A_56, %scan3A_57 : i32
      %scan3A_59 = arith.constant 1 : i32
      scf.for %scan3A_64 = %scan3A_56 to %scan3A_58 step %scan3A_59  : i32 {
        %mul3A_65 = arith.constant 1 : i32
        %mul3A_66 = arith.muli %scan3A_64, %mul3A_65 : i32
        %add3A = arith.constant 0 : i32
        %add3A_67 = arith.addi %add3A, %mul3A_66 : i32
        %mul3A_68 = arith.constant 10000 : i32
        %mul3A_69 = arith.muli %arg1, %mul3A_68 : i32
        %add3A_70 = arith.constant 0 : i32
        %add3A_71 = arith.addi %add3A_70, %mul3A_69 : i32
        %mul3A_72 = arith.constant 2 : i32
        %mul3A_73 = arith.muli %add3A_67, %mul3A_72 : i32
        %mul3A_74 = arith.constant 200 : i32
        %mul3A_75 = arith.muli %mul3A_73, %mul3A_74 : i32
        %add3A_76 = arith.addi %add3A_71, %mul3A_75 : i32
        "tpu.region"() ({
          %run_scoped3A = tpu.sem_alloc : memref<!tpu.dma_semaphore, #tpu.memory_space<semaphore_mem>>
          %dma_start3A = tpu.memref_slice %arg11[%add3A_76] : memref<160000xi32, #tpu.memory_space<hbm>> -> memref<400xi32, #tpu.memory_space<hbm>>
          %dma_start3A_77 = tpu.memref_slice %arg11[%add3A_76] : memref<160000xi32, #tpu.memory_space<hbm>> -> memref<400xi32, #tpu.memory_space<hbm>>
          tpu.enqueue_dma source(%dma_start3A_77 : memref<400xi32, #tpu.memory_space<hbm>>) target(%arg24 : memref<400xi32, #tpu.memory_space<vmem>>) target_semaphore(%run_scoped3A : memref<!tpu.dma_semaphore, #tpu.memory_space<semaphore_mem>>)
          %dma_wait3A = tpu.memref_slice %arg11[%add3A_76] : memref<160000xi32, #tpu.memory_space<hbm>> -> memref<400xi32, #tpu.memory_space<hbm>>
          %dma_wait3A_78 = tpu.memref_slice %arg11[%add3A_76] : memref<160000xi32, #tpu.memory_space<hbm>> -> memref<400xi32, #tpu.memory_space<hbm>>
          tpu.wait_dma2 semaphore(%run_scoped3A : memref<!tpu.dma_semaphore, #tpu.memory_space<semaphore_mem>>) src(%dma_wait3A_78 : memref<400xi32, #tpu.memory_space<hbm>>) dst(%arg24 : memref<400xi32, #tpu.memory_space<vmem>>)
          tpu.yield
        }) : () -> ()
        "tpu.region"() ({
          %run_scoped3A = tpu.sem_alloc : memref<!tpu.dma_semaphore, #tpu.memory_space<semaphore_mem>>
          %dma_start3A = arith.constant 0 : i32
          %dma_start3A_77 = tpu.memref_slice %arg24[%dma_start3A] : memref<400xi32, #tpu.memory_space<vmem>> -> memref<200xi32, #tpu.memory_space<vmem>>
          %dma_start3A_78 = arith.constant 0 : i32
          %dma_start3A_79 = arith.constant 0 : i32
          %dma_start3A_80 = tpu.memref_slice %arg22[%dma_start3A_78, %dma_start3A_79] : memref<10240x128xf32, #tpu.memory_space<vmem_shared>> -> memref<10240x128xf32, #tpu.memory_space<vmem_shared>>
          tpu.enqueue_indirect_dma source(%arg23 : memref<200x128xf32, #tpu.memory_space<vmem>>) target(%dma_start3A_80 : memref<10240x128xf32, #tpu.memory_space<vmem_shared>>) offsets(%dma_start3A_77 : memref<200xi32, #tpu.memory_space<vmem>>) semaphore(%run_scoped3A : memref<!tpu.dma_semaphore, #tpu.memory_space<semaphore_mem>>) {add = true}
          %dma_wait3A = arith.constant 0 : i32
          %dma_wait3A_81 = tpu.memref_slice %arg24[%dma_wait3A] : memref<400xi32, #tpu.memory_space<vmem>> -> memref<200xi32, #tpu.memory_space<vmem>>
          %dma_wait3A_82 = arith.constant 0 : i32
          %dma_wait3A_83 = arith.constant 0 : i32
          %dma_wait3A_84 = tpu.memref_slice %arg22[%dma_wait3A_82, %dma_wait3A_83] : memref<10240x128xf32, #tpu.memory_space<vmem_shared>> -> memref<10240x128xf32, #tpu.memory_space<vmem_shared>>
          tpu.wait_indirect_dma semaphore(%run_scoped3A : memref<!tpu.dma_semaphore, #tpu.memory_space<semaphore_mem>>) src(%arg23 : memref<200x128xf32, #tpu.memory_space<vmem>>) dst(%dma_wait3A_84 : memref<10240x128xf32, #tpu.memory_space<vmem_shared>>)
          tpu.yield
        }) : () -> ()
        "tpu.region"() ({
          %run_scoped3A = tpu.sem_alloc : memref<!tpu.dma_semaphore, #tpu.memory_space<semaphore_mem>>
          %dma_start3A = arith.constant 200 : i32
          %dma_start3A_77 = tpu.memref_slice %arg24[%dma_start3A] : memref<400xi32, #tpu.memory_space<vmem>> -> memref<200xi32, #tpu.memory_space<vmem>>
          %dma_start3A_78 = arith.constant 0 : i32
          %dma_start3A_79 = arith.constant 0 : i32
          %dma_start3A_80 = tpu.memref_slice %arg22[%dma_start3A_78, %dma_start3A_79] : memref<10240x128xf32, #tpu.memory_space<vmem_shared>> -> memref<10240x128xf32, #tpu.memory_space<vmem_shared>>
          tpu.enqueue_indirect_dma source(%arg23 : memref<200x128xf32, #tpu.memory_space<vmem>>) target(%dma_start3A_80 : memref<10240x128xf32, #tpu.memory_space<vmem_shared>>) offsets(%dma_start3A_77 : memref<200xi32, #tpu.memory_space<vmem>>) semaphore(%run_scoped3A : memref<!tpu.dma_semaphore, #tpu.memory_space<semaphore_mem>>) {add = true}
          %dma_wait3A = arith.constant 200 : i32
          %dma_wait3A_81 = tpu.memref_slice %arg24[%dma_wait3A] : memref<400xi32, #tpu.memory_space<vmem>> -> memref<200xi32, #tpu.memory_space<vmem>>
          %dma_wait3A_82 = arith.constant 0 : i32
          %dma_wait3A_83 = arith.constant 0 : i32
          %dma_wait3A_84 = tpu.memref_slice %arg22[%dma_wait3A_82, %dma_wait3A_83] : memref<10240x128xf32, #tpu.memory_space<vmem_shared>> -> memref<10240x128xf32, #tpu.memory_space<vmem_shared>>
          tpu.wait_indirect_dma semaphore(%run_scoped3A : memref<!tpu.dma_semaphore, #tpu.memory_space<semaphore_mem>>) src(%arg23 : memref<200x128xf32, #tpu.memory_space<vmem>>) dst(%dma_wait3A_84 : memref<10240x128xf32, #tpu.memory_space<vmem_shared>>)
          tpu.yield
        }) : () -> ()
      }
      %scan3A_60 = arith.constant 25 : i32
      %barrier3A_61 = arith.constant 0 : index
      tpu.barrier barrier_id(%barrier3A_61)
      %mul3A = arith.constant 640 : i32
      %mul3A_62 = arith.muli %arg1, %mul3A : i32
      "tpu.region"() ({
        %run_scoped3A = tpu.sem_alloc : memref<!tpu.dma_semaphore, #tpu.memory_space<semaphore_mem>>
        %dma_start3A = arith.constant 0 : i32
        %dma_start3A_64 = tpu.memref_slice %arg21[%mul3A_62, %dma_start3A] : memref<10240x128xf32, #tpu.memory_space<hbm>> -> memref<640x128xf32, #tpu.memory_space<hbm>>
        %dma_start3A_65 = arith.constant 0 : i32
        %dma_start3A_66 = tpu.memref_slice %arg22[%mul3A_62, %dma_start3A_65] : memref<10240x128xf32, #tpu.memory_space<vmem_shared>> -> memref<640x128xf32, #tpu.memory_space<vmem_shared>>
        tpu.enqueue_dma source(%dma_start3A_66 : memref<640x128xf32, #tpu.memory_space<vmem_shared>>) target(%dma_start3A_64 : memref<640x128xf32, #tpu.memory_space<hbm>>) target_semaphore(%run_scoped3A : memref<!tpu.dma_semaphore, #tpu.memory_space<semaphore_mem>>)
        %dma_wait3A = arith.constant 0 : i32
        %dma_wait3A_67 = tpu.memref_slice %arg21[%mul3A_62, %dma_wait3A] : memref<10240x128xf32, #tpu.memory_space<hbm>> -> memref<640x128xf32, #tpu.memory_space<hbm>>
        %dma_wait3A_68 = arith.constant 0 : i32
        %dma_wait3A_69 = tpu.memref_slice %arg22[%mul3A_62, %dma_wait3A_68] : memref<10240x128xf32, #tpu.memory_space<vmem_shared>> -> memref<640x128xf32, #tpu.memory_space<vmem_shared>>
        tpu.wait_dma2 semaphore(%run_scoped3A : memref<!tpu.dma_semaphore, #tpu.memory_space<semaphore_mem>>) src(%dma_wait3A_69 : memref<640x128xf32, #tpu.memory_space<vmem_shared>>) dst(%dma_wait3A_67 : memref<640x128xf32, #tpu.memory_space<hbm>>)
        tpu.yield
      }) : () -> ()
      %barrier3A_63 = arith.constant 0 : index
      tpu.barrier barrier_id(%barrier3A_63)
    } else {
    }
    return
  }
}

</mosaic_0001>

<sc_bundles>
// kernel: _sc_aggregate.3.cloned.1.call-start
scs
__scs_entry_jumppad:
0x0: {  	(pc) =	sbr.rel $0x88, $3  }
0x1: {  	(tag) =	ssettag $0x0;
	lr =	simm.s32 $0x1  }
0x2: {  	[smem:$0x3F97] =	sst lr;
	_ =	strace $0xD0000000  }
0x3: {  	_ = 	snop  }
0x4: {  	_ = 	snop  }
0x5: {  	_ = 	snop  }
0x6: {  	_ = 	snop  }
0x7: {  	_ = 	snop  }
__scs_overlays_trampoline_lowered:
0x8: {  	[smem:$0x3FA6] =	sst s0  }
0x9: {  	[smem:$0x3FA7] =	sst s1  }
0xa: {  	[smem:$0x3FA8] =	sst s2  }
0xb: {  	[smem:$0x3FA9] =	sst s3  }
0xc: {  	[smem:$0x3FAA] =	sst s4  }
0xd: {  	[smem:$0x3FAB] =	sst s5  }
0xe: {  	[smem:$0x3FAC] =	sst s6  }
0xf: {  	[smem:$0x3FAD] =	sst s7  }
0x10: {  	[smem:$0x3FAE] =	sst s8  }
0x11: {  	[smem:$0x3FAF] =	sst s9;
	s0 =	simm.s32 @!p0 $0x0  }
0x12: {  	s1 =	sld [smem:$0x3F95];
	s0 =	simm.s32 @p0 $0x1  }
0x13: {  	[smem:$0x3FB0] =	sst s0;
	s0 =	simm.s32 @!p1 $0x0  }
0x14: {  	s2 =	sld [smem:$0x3F94];
	s0 =	simm.s32 @p1 $0x1  }
0x15: {  	[smem:$0x3FB1] =	sst s0;
	s0 =	simm.s32 @!p2 $0x0  }
0x16: {  	s3 =	sld [smem:$0x3FDB];
	s0 =	simm.s32 @p2 $0x1  }
0x17: {  	s4 =	simm.s32 $0x1BF5;
	[smem:$0x3FB3] =	sst s0  }
0x18: {  	s0 =	sld [smem:$0x3F96];
	_ =	swait.ge [sflag:s4], $0x0  }
0x19: {  	s7 =	sld [smem:$0x3F97]  }
0x1a: {  	s8 =	sadd.s32 $0xFFFFE003, lr  }
0x1b: {  	s9 =	sadd.s32 $0xFFFFFEF7, lr;
	s5 =	simm.s32 $0xFFFFFFFF;
	p2 =	slt.u32 s8, $0xFFFFF086  }
0x1c: {  	p1 =	slt.u32 s9, $0xF7A;
	s5 =	simm.s32 @!p2 $0x0  }
0x1d: {  	s5 =	simm.s32 @p1 $0x1;
	p0 =	seq.s32 s7, s2  }
0x1e: {  	s7 =	smul.u32 @!p0 $0xF7A, s2;
	p2 =	seq.s32 @!p0 s5, $0x0  }
0x1f: {  	s9 =	smul.u32 $0xF7A, s1;
	s8 =	simm.s32 @!p0 $0x1BF5;
	p2 =	por !p2, p0  }
0x20: {  	[sflag:s8] =	ssyncset.s32 @!p0 $0xFFFFF086;
	s6 =	sadd.s32 @!p0 s3, s7;
	s7 =	simm.s32 @!p0 $0x108  }
0x21: {  	s3 =	sadd.s32 s3, s9;
	s6 =	sadd.s32 @!p0 $0x88, s6;
	s7 =	simm.s32 @p2 $0x1082  }
0x22: {  	[simem:s7], [sflag:s8] =	dma.local @!p0 [hbm:s6], $0xF7A  }
0x23: {  	s9 =	sor.u32 $0xD0000000, s2;
	s6 =	simm.s32 $0x108;
	_ =	swait.ge @!p0 [sflag:s8], $0x0  }
0x24: {  	s3 =	sadd.s32 $0x88, s3;
	s6 =	simm.s32 @!p1 $0x1082;
	[sflag:s4] =	ssyncset.s32 $0xFFFFF086  }
0x25: {  	[simem:s6], [sflag:s4] =	dma.local [hbm:s3], $0xF7A  }
0x26: {  	[smem:$0x3F97] =	sst s1;
	(tag) =	ssettag s2;
	_ =	strace s9  }
0x27: {  	s1 =	sld [smem:$0x3FA7]  }
0x28: {  	s2 =	sld [smem:$0x3FA8]  }
0x29: {  	s4 =	sld [smem:$0x3FAA]  }
0x2a: {  	p0 =	seq.s32 s5, $0x0;
	s5 =	sld [smem:$0x3FAB]  }
0x2b: {  	s6 =	sld [smem:$0x3FAC]  }
0x2c: {  	s7 =	sld [smem:$0x3FAD]  }
0x2d: {  	s3 =	simm.s32 $0x108;
	s8 =	sld [smem:$0x3FAE]  }
0x2e: {  	s3 =	simm.s32 @!p0 $0x1082;
	s9 =	sld [smem:$0x3FAF]  }
0x2f: {  	lr =	sadd.s32 s0, s3;
	s0 =	sld [smem:$0x3FA6]  }
0x30: {  	s3 =	sld [smem:$0x3FA9]  }
0x31: {  	[smem:$0x3FB2] =	sst s10  }
0x32: {  	s10 =	sld [smem:$0x3FB0];
	_ =	sdelay $0x3  }
0x33: {  	p0 =	seq.s32 s10, $0x1;
	s10 =	sld [smem:$0x3FB2];
	_ =	sdelay $0x3  }
0x34: {  	[smem:$0x3FB2] =	sst s10  }
0x35: {  	s10 =	sld [smem:$0x3FB1];
	_ =	sdelay $0x3  }
0x36: {  	p1 =	seq.s32 s10, $0x1;
	s10 =	sld [smem:$0x3FB2];
	_ =	sdelay $0x3  }
0x37: {  	[smem:$0x3FB2] =	sst s10  }
0x38: {  	s10 =	sld [smem:$0x3FB3]  }
0x39: {  	_ = 	snop;
	(pc) =	sbr.ind lr, $3  }
0x3a: {  	_ = 	snop  }
0x3b: {  	_ = 	snop  }
0x3c: {  	p2 =	seq.s32 s10, $0x1;
	s10 =	sld [smem:$0x3FB2]  }
0x3d: {  	_ =	shalt  }
0x3e: {  	_ =	shalt  }
0x3f: {  	_ =	shalt  }
0x40: {  	_ =	shalt  }
0x41: {  	_ =	shalt  }
0x42: {  	_ =	shalt  }
0x43: {  	_ =	shalt  }
0x44: {  	_ =	shalt  }
0x45: {  	_ =	shalt  }
0x46: {  	_ =	shalt  }
0x47: {  	_ =	shalt  }
0x48: {  	_ =	shalt  }
0x49: {  	_ =	shalt  }
0x4a: {  	_ =	shalt  }
0x4b: {  	_ =	shalt  }
0x4c: {  	_ =	shalt  }
0x4d: {  	_ =	shalt  }
0x4e: {  	_ =	shalt  }
0x4f: {  	_ =	shalt  }
0x50: {  	_ =	shalt  }
0x51: {  	_ =	shalt  }
0x52: {  	_ =	shalt  }
0x53: {  	_ =	shalt  }
0x54: {  	_ =	shalt  }
0x55: {  	_ =	shalt  }
0x56: {  	_ =	shalt  }
0x57: {  	_ =	shalt  }
0x58: {  	_ =	shalt  }
0x59: {  	_ =	shalt  }
0x5a: {  	_ =	shalt  }
0x5b: {  	_ =	shalt  }
0x5c: {  	_ =	shalt  }
0x5d: {  	_ =	shalt  }
0x5e: {  	_ =	shalt  }
0x5f: {  	_ =	shalt  }
0x60: {  	_ =	shalt  }
0x61: {  	_ =	shalt  }
0x62: {  	_ =	shalt  }
0x63: {  	_ =	shalt  }
0x64: {  	_ =	shalt  }
0x65: {  	_ =	shalt  }
0x66: {  	_ =	shalt  }
0x67: {  	_ =	shalt  }
0x68: {  	_ =	shalt  }
0x69: {  	_ =	shalt  }
0x6a: {  	_ =	shalt  }
0x6b: {  	_ =	shalt  }
0x6c: {  	_ =	shalt  }
0x6d: {  	_ =	shalt  }
0x6e: {  	_ =	shalt  }
0x6f: {  	_ =	shalt  }
0x70: {  	_ =	shalt  }
0x71: {  	_ =	shalt  }
0x72: {  	_ =	shalt  }
0x73: {  	_ =	shalt  }
0x74: {  	_ =	shalt  }
0x75: {  	_ =	shalt  }
0x76: {  	_ =	shalt  }
0x77: {  	_ =	shalt  }
0x78: {  	_ =	shalt  }
0x79: {  	_ =	shalt  }
0x7a: {  	_ =	shalt  }
0x7b: {  	_ =	shalt  }
0x7c: {  	_ =	shalt  }
0x7d: {  	_ =	shalt  }
0x7e: {  	_ =	shalt  }
0x7f: {  	_ =	shalt  }
0x80: {  	_ =	shalt  }
0x81: {  	_ =	shalt  }
0x82: {  	_ =	shalt  }
0x83: {  	_ =	shalt  }
0x84: {  	_ =	shalt  }
0x85: {  	_ =	shalt  }
0x86: {  	_ =	shalt  }
0x87: {  	_ =	shalt  }
.Lfunc_end0:
.L_simem_size_0:
called_computation_lowered:
.L_overlay_start_0:
0x88: {  	s2 =	sld [smem:$0x3FD9]  }
0x89: {  	s3 =	sld [smem:$0x3FFE];
	_ =	sdelay $0x1  }
0x8a: {  	s1 =	srdreg.scid  }
0x8b: {  	s0 =	sand.u32 $0x1, s1  }
0x8c: {  	s28 =	sshll.u32 s0, $0xA;
	s2 =	sadd.s32 s3, s2  }
0x8d: {  	s2 =	sadd.s32 s2, s28  }
0x8e: {  	[smem:$0x3FBE] =	sst s2  }
0x8f: {  	_ = 	snop  }
0x90: {  	s2 =	sld [smem:$0x3FC9]  }
0x91: {  	s3 =	sld [smem:$0x3FC8]  }
0x92: {  	s4 =	sld [smem:$0x3FC7]  }
0x93: {  	s5 =	sld [smem:$0x3FC6]  }
0x94: {  	s6 =	sld [smem:$0x3FC5]  }
0x95: {  	s7 =	sld [smem:$0x3FC4]  }
0x96: {  	s8 =	sld [smem:$0x3FC3]  }
0x97: {  	s16 =	sld [smem:$0x3FD0]  }
0x98: {  	s9 =	sld [smem:$0x3FC2]  }
0x99: {  	s10 =	sld [smem:$0x3FC1]  }
0x9a: {  	s21 =	simm.s32 $0xA;
	s22 =	simm.s32 $0x10;
	s11 =	sld [smem:$0x3FC0]  }
0x9b: {  	[smem:s22], [sflag:s21] =	dma.local [hbm:s16], $0x1  }
0x9c: {  	_ =	swait.eq [sflag:s21], $0x1  }
0x9d: {  	s12 =	sld [smem:$0x10]  }
0x9e: {  	s13 =	sld [smem:$0x11]  }
0x9f: {  	s14 =	sld [smem:$0x12]  }
0xa0: {  	s15 =	sld [smem:$0x13]  }
0xa1: {  	s17 =	sld [smem:$0x14]  }
0xa2: {  	s18 =	sld [smem:$0x15];
	[sflag:s21] =	ssyncset.done $0x0  }
0xa3: {  	s19 =	sld [smem:$0x16];
	[sflag:s21] =	ssyncadd.s32 $0xFFFFFFFF  }
0xa4: {  	s16 =	sadd.s32 $0x1, s16;
	s20 =	sld [smem:$0x17]  }
0xa5: {  	[smem:s22], [sflag:s21] =	dma.local [hbm:s16], $0x1  }
0xa6: {  	_ =	swait.eq [sflag:s21], $0x1  }
0xa7: {  	[sflag:s21] =	ssyncset.done $0x0  }
0xa8: {  	s22 =	sld [smem:$0x10];
	[sflag:s21] =	ssyncadd.s32 $0xFFFFFFFF  }
0xa9: {  	s21 =	sld [smem:$0x11];
	(tm) =	ssettm $0x1  }
0xaa: {  	s29 =	sld [smem:$0x3FFB];
	_ =	sdelay $0x3  }
0xab: {  	_ =	strace s29  }
0xac: {  	s16 =	sld [smem:$0x3FFC];
	_ =	sdelay $0x3  }
0xad: {  	_ =	strace s16  }
0xae: {  	s16 =	sld [smem:$0x3FFD];
	_ =	sdelay $0x3  }
0xaf: {  	_ =	strace s16  }
0xb0: {  	_ =	strace $0x8FFFFFFF  }
0xb1: {  	s30 =	sld [smem:$0x3FDB];
	_ =	sdelay $0x1  }
0xb2: {  	s23 =	simm.s32 $_scs_section_size  }
0xb3: {  	s24 =	simm.s32 $_size__tile_task_arg_handler_lowered;
	s25 =	simm.s32 $_tile_task_arg_handler_lowered  }
0xb4: {  	s26 =	simm.s32 $0x60;
	s28 =	sshll.u32 s25, $0x1;
	s23 =	sadd.s32 s23, s30  }
0xb5: {  	s31 =	sshll.u32 s24, $0x1;
	s25 =	simm.s32 $0x1BFF;
	s24 =	sadd.s32 s28, s23  }
0xb6: {  	[timem:s26], [sflag:s25] =	dma.local [hbm:s24], s31  }
0xb7: {  	_ =	swait.ge [sflag:s25], s31  }
0xb8: {  	s29 =	simm.s32 $_tile_overlayer_lowered;
	s16 =	ssub.s32 $0x0, s31;
	[sflag:s25] =	ssyncset.done $0x0  }
0xb9: {  	s30 =	simm.s32 $_size__tile_overlayer_lowered;
	s24 =	sshll.u32 s29, $0x1;
	[sflag:s25] =	ssyncadd.s32 s16  }
0xba: {  	s31 =	sshll.u32 s30, $0x1;
	s24 =	sadd.s32 s24, s23;
	s16 =	simm.s32 $0x0  }
0xbb: {  	[timem:s16], [sflag:s25] =	dma.local [hbm:s24], s31  }
0xbc: {  	_ =	swait.ge [sflag:s25], s31  }
0xbd: {  	s28 =	ssub.s32 $0x0, s31;
	[sflag:s25] =	ssyncset.done $0x0  }
0xbe: {  	[sflag:s25] =	ssyncadd.s32 s28;
	_ =	sdelay $0x1  }
0xbf: {  	s29 =	simm.s32 $0x1B8B  }
0xc0: {  	_ =	swait.ge [sflag:s29], $0x1  }
0xc1: {  	[sflag:s29] =	ssyncset.done $0x0  }
0xc2: {  	s30 =	simm.s32 $0x1B8E;
	[sflag:s29] =	ssyncadd.s32 $0xFFFFFFFF  }
0xc3: {  	s31 =	simm.s32 $execute0_lowered;
	[smem:$0x3FD2] =	sst s30  }
0xc4: {  	s24 =	sshll.u32 s31, $0x1;
	_ =	strace $0x80000046;
	[dreg:$0x1] =	wrdreg $0xFFFFFFFF  }
0xc5: {  	s23 =	sadd.s32 s23, s24;
	s25 =	simm.s32 $_size_execute0_lowered;
	[dreg:$0x0] =	wrdreg $0x0  }
0xc6: {  	s26 =	sshll.u32 s25, $0x1;
	[dreg:$0x2] =	wrdreg s23  }
0xc7: {  	[dreg:$0x3] =	wrdreg s26  }
0xc8: {  	[dreg:$0x4] =	wrdreg $0xC0  }
0xc9: {  	_ =	task [dreg:s16], $0x5FFFF  }
0xca: {  	[dreg:$0x1] =	wrdreg $0xFFFFFFFF  }
0xcb: {  	[dreg:$0x0] =	wrdreg $0x30  }
0xcc: {  	[dreg:$0x2] =	wrdreg $0x0  }
0xcd: {  	[dreg:$0x3] =	wrdreg s17  }
0xce: {  	[dreg:$0x4] =	wrdreg s18  }
0xcf: {  	[dreg:$0x5] =	wrdreg s19  }
0xd0: {  	[dreg:$0x6] =	wrdreg s20  }
0xd1: {  	[dreg:$0x7] =	wrdreg s22  }
0xd2: {  	[dreg:$0x8] =	wrdreg s21  }
0xd3: {  	[dreg:$0x9] =	wrdreg $0x0  }
0xd4: {  	[dreg:$0xa] =	wrdreg $0x9  }
0xd5: {  	_ =	task [dreg:s16], $0xBFFFF  }
0xd6: {  	[dreg:$0x1] =	wrdreg $0xFFFFFFFF  }
0xd7: {  	[dreg:$0x0] =	wrdreg $0x60  }
0xd8: {  	[dreg:$0x2] =	wrdreg s2  }
0xd9: {  	[dreg:$0x3] =	wrdreg s3  }
0xda: {  	[dreg:$0x4] =	wrdreg s4  }
0xdb: {  	[dreg:$0x5] =	wrdreg s5  }
0xdc: {  	[dreg:$0x6] =	wrdreg s6  }
0xdd: {  	[dreg:$0x7] =	wrdreg s7  }
0xde: {  	[dreg:$0x8] =	wrdreg s8  }
0xdf: {  	[dreg:$0x9] =	wrdreg s9  }
0xe0: {  	[dreg:$0xa] =	wrdreg s10  }
0xe1: {  	[dreg:$0xb] =	wrdreg s11  }
0xe2: {  	[dreg:$0xc] =	wrdreg s12  }
0xe3: {  	[dreg:$0xd] =	wrdreg s13  }
0xe4: {  	[dreg:$0xe] =	wrdreg s14  }
0xe5: {  	[dreg:$0xf] =	wrdreg s15  }
0xe6: {  	_ =	task.clear_ibuf [dreg:s16], $0x10FFFF;
	_ =	strace $0x90000046  }
0xe7: {  	s28 =	simm.s32 $0x9;
	_ =	strace $0x80000048  }
0xe8: {  	_ =	swait.ge [sflag:s28], $0x1  }
0xe9: {  	[sflag:s28] =	ssyncadd.s32 $0xFFFFFFFF  }
0xea: {  	_ =	strace $0x90000048  }
0xeb: {  	_ =	sfence  }
0xec: {  	s29 =	sld [smem:$0x0];
	_ =	sdelay $0x2  }
0xed: {  	s30 =	sshll.u32 s1, $0xD;
	s1 =	sshrl.u32 s1, $0x2  }
0xee: {  	s31 =	sand.u32 $0x4000, s30;
	s1 =	sadd.s32 s1, s29  }
0xef: {  	s0 =	sor.u32 s31, s0;
	s1 =	sshll.u32 s1, $0x11  }
0xf0: {  	s0 =	sor.u32 s1, s0  }
0xf1: {  	s0 =	sadd.s32 $0x8F2B, s0  }
0xf2: {  	[sflag:s0] =	ssyncadd.remote.s32 $0x1  }
0xf3: {  	_ =	sfence.sel $0xFFFF  }
0xf4: {  	[dreg:$0x0] =	wrdreg $0xFFFFFFFF;
	(pc) =	sbr.abs _section_cstart, $3  }
0xf5: {  	[dreg:$0x1] =	wrdreg $0xFFFFFFFF  }
0xf6: {  	_ =	task.clear_ibuf [dreg:s16], $0x2FFFF;
	_ =	strace $0x9FFFFFFF  }
0xf7: {  	(tm) =	ssettm $0x7FFFFFFF  }
tec
_tile_task_arg_handler_lowered:
.L_overlay_start_1:
0x0: {  	(tag) =	ssettag $0x1  }
0x1: {  	s0 =	rddreg [dreg:$0x0]  }
0x2: {  	s1 =	rddreg [dreg:$0x1]  }
0x3: {  	s2 =	rddreg [dreg:$0x2]  }
0x4: {  	s3 =	rddreg [dreg:$0x3]  }
0x5: {  	s4 =	rddreg [dreg:$0x4]  }
0x6: {  	s5 =	rddreg [dreg:$0x5]  }
0x7: {  	s6 =	rddreg [dreg:$0x6]  }
0x8: {  	s7 =	rddreg [dreg:$0x7]  }
0x9: {  	s8 =	rddreg [dreg:$0x8]  }
0xa: {  	s9 =	rddreg [dreg:$0x9]  }
0xb: {  	s10 =	rddreg [dreg:$0xa]  }
0xc: {  	s11 =	rddreg [dreg:$0xb]  }
0xd: {  	s12 =	rddreg [dreg:$0xc]  }
0xe: {  	s13 =	rddreg [dreg:$0xd]  }
0xf: {  	[smem:s0] =	sst s1  }
0x10: {  	[smem:s0+$0x1] =	sst s2  }
0x11: {  	[smem:s0+$0x2] =	sst s3  }
0x12: {  	[smem:s0+$0x3] =	sst s4  }
0x13: {  	[smem:s0+$0x4] =	sst s5  }
0x14: {  	[smem:s0+$0x5] =	sst s6  }
0x15: {  	[smem:s0+$0x6] =	sst s7  }
0x16: {  	[smem:s0+$0x7] =	sst s8  }
0x17: {  	[smem:s0+$0x8] =	sst s9  }
0x18: {  	[smem:s0+$0x9] =	sst s10  }
0x19: {  	[smem:s0+$0xA] =	sst s11  }
0x1a: {  	[smem:s0+$0xB] =	sst s12  }
0x1b: {  	[smem:s0+$0xC] =	sst s13;
	_ =	shalt  }
.Lfunc_end2:
execute0_lowered:
.L_overlay_start_2:
0x1c: {  	(tag) =	ssettag $0x2  }
0x1d: {  	s0 =	rddreg [dreg:$0x0]  }
0x1e: {  	s1 =	rddreg [dreg:$0x1]  }
0x1f: {  	s2 =	rddreg [dreg:$0x2]  }
0x20: {  	s3 =	rddreg [dreg:$0x3]  }
0x21: {  	s5 =	rddreg [dreg:$0x4]  }
0x22: {  	s6 =	rddreg [dreg:$0x5]  }
0x23: {  	s9 =	rddreg [dreg:$0x6]  }
0x24: {  	s12 =	rddreg [dreg:$0x7]  }
0x25: {  	s11 =	rddreg [dreg:$0x8]  }
0x26: {  	s13 =	rddreg [dreg:$0x9]  }
0x27: {  	s15 =	rddreg [dreg:$0xa]  }
0x28: {  	s16 =	rddreg [dreg:$0xb]  }
0x29: {  	s18 =	rddreg [dreg:$0xc]  }
0x2a: {  	s19 =	rddreg [dreg:$0xd]  }
0x2b: {  	s4 =	simm.s32 $0x0;
	s7 =	srdreg.scid;
	s25 =	stileid.u32  }
0x2c: {  	[smem:$0x7FF] =	sst s4;
	s10 =	smul.u32 $0x9C4, s25  }
0x2d: {  	s17 =	sand.u32 $0x1, s7;
	s14 =	smul.u32 $0x271, s25;
	s20 =	sld [smem:$0x0]  }
0x2e: {  	s21 =	sld [smem:$0x1];
	s7 =	sadd.s32 s10, s5;
	s5 =	smul.u32 $0x4E2, s25  }
0x2f: {  	s22 =	sld [smem:$0x2];
	s24 =	ssub.s32 $0x2, s17  }
0x30: {  	s11 =	sadd.s32 s14, s11;
	s14 =	sadd.s32 s5, s12;
	s12 =	sld [smem:$0x5]  }
0x31: {  	s23 =	sld [smem:$0x3];
	s8 =	sshrl.u32 s24, $0x1;
	s9 =	sadd.s32 s10, s9  }
0x32: {  	s24 =	ssub.s32 s24, s8;
	s8 =	sadd.s32 s10, s6;
	s10 =	sld [smem:$0x6]  }
0x33: {  	s26 =	smul.u32 $0x50000, s25;
	[dreg:$0x10] =	wrdreg s12  }
0x34: {  	s12 =	smul.u32 $0x2800, s25;
	s25 =	sld [smem:$0x7]  }
0x35: {  	[dreg:$0xe] =	wrdreg s23  }
0x36: {  	p0 =	sne.s32 s17, $0x0;
	s23 =	sld [smem:$0x4]  }
0x37: {  	s17 =	sshrl.u32 s26, $0x2;
	s26 =	sadd.s32 s16, s12;
	[dreg:$0xf] =	wrdreg s25  }
0x38: {  	s6 =	sadd.s32 s18, s12;
	_ =	strace $0x80000047;
	[dreg:$0x12] =	wrdreg s26  }
0x39: {  	s16 =	sadd.s32 s15, s12;
	[dreg:$0x13] =	wrdreg s6  }
0x3a: {  	s18 =	sadd.s32 s19, s12;
	[dreg:$0x14] =	wrdreg s16  }
0x3b: {  	s19 =	sadd.s32 s20, s12;
	[dreg:$0x15] =	wrdreg s18  }
0x3c: {  	s20 =	sadd.s32 s21, s12;
	[dreg:$0x16] =	wrdreg s19  }
0x3d: {  	s21 =	sadd.s32 s22, s12;
	[dreg:$0x17] =	wrdreg s20  }
0x3e: {  	[dreg:$0x18] =	wrdreg s21  }
0x3f: {  	s22 =	sadd.s32 s23, s12;
	[dreg:$0x11] =	wrdreg s12  }
0x40: {  	s17 =	sadd.s32 s17, s10;
	s23 =	smax.u32 s24, $0x1;
	[dreg:$0x19] =	wrdreg s22  }
0x41: {  	s24 =	sadd.s32 $0x1000, s17;
	[dreg:$0x1a] =	wrdreg s23  }
0x42: {  	s25 =	sadd.s32 $0x2000, s17;
	[dreg:$0x1b] =	wrdreg s24  }
0x43: {  	s15 =	sadd.s32 $0x6000, s17;
	[dreg:$0x1c] =	wrdreg s25  }
0x44: {  	s26 =	sadd.s32 $0x3000, s17;
	[smem:$0x7F3] =	sst s15  }
0x45: {  	s6 =	sadd.s32 $0x4000, s17;
	[dreg:$0x1d] =	wrdreg s26  }
0x46: {  	s12 =	sadd.s32 $0x5000, s17;
	[dreg:$0x1e] =	wrdreg s6  }
0x47: {  	s16 =	sadd.s32 $0x7000, s17;
	[dreg:$0x1f] =	wrdreg s12  }
0x48: {  	s18 =	sadd.s32 $0x8000, s17;
	[smem:$0x7F4] =	sst s16  }
0x49: {  	s19 =	sadd.s32 $0x9000, s17;
	[smem:$0x7F5] =	sst s18  }
0x4a: {  	s20 =	sadd.s32 $0xA000, s17;
	[smem:$0x7F6] =	sst s19  }
0x4b: {  	s30 =	simm.s32 $0x1A700;
	s21 =	sadd.s32 $0xB000, s17;
	[smem:$0x7F7] =	sst s20  }
0x4c: {  	s31 =	simm.s32 $0x1;
	s22 =	sadd.s32 $0xC000, s17;
	[smem:$0x7F8] =	sst s21  }
0x4d: {  	s29 =	sadd.s32 $0x2710, s11;
	s23 =	sadd.s32 $0xD000, s17;
	[smem:$0x7F9] =	sst s22  }
0x4e: {  	s13 =	sadd.s32 s5, s13;
	s24 =	sadd.s32 $0xE000, s17;
	[smem:$0x7FA] =	sst s23  }
.Ltmp0:
0x4f: {  	s25 =	sadd.s32 $0xF000, s17;
	[smem:$0x7FB] =	sst s24;
	(pc) =	sbr.rel .LBB3_1-.Ltmp0, $4  }
0x50: {  	s28 =	sadd.s32 $0x13000, s17;
	[smem:$0x7FC] =	sst s25;
	s26 =	sadd.s32 $0x10000, s17  }
0x51: {  	s16 =	sadd.s32 $0x12000, s17;
	s12 =	simm.s32 $0x1A400;
	s6 =	simm.s32 $0xC8  }
0x52: {  	s18 =	simm.s32 $0x14000;
	s19 =	simm.s32 $0x1A4C8;
	s20 =	simm.s32 $0x1A600  }
0x53: {  	v0 =	vimm.f32 $0.0e+00;
	v1 =	vimm.f32 $1.000000000e+00;
	s21 =	simm.s32 $0x0;
	[smem:$0x7FD] =	sst s26;
	s26 =	sadd.s32 $0x11000, s17  }
.LBB3_29:
0x54: {  	s5 =	sadd.s32 s23, s13;
	[sflag:s31] =	ssyncadd.s32 $0xFFFF9C00  }
0x55: {  	[tilespmem:s12], [sflag:$0x1] =	stream.linear.gather [hbm4b:s5+s4], $0x190, $0x38;
	[tilespmem:$0x1B700] =	vst v63  }
0x56: {  	_ =	swait.ge [sflag:s31], $0x190  }
0x57: {  	[sflag:s31] =	ssyncset.done $0x0  }
0x58: {  	[sflag:s31] =	ssyncadd.s32 $0xFFFFFE70  }
0x59: {  	[spmem:s10] =	stream.indirect.scatter.add.f32 [tilespmem:s18], [sflag:$0x1], $0x80, s12, s6, $0xb8;
	[tilespmem:$0x1B700] =	vst v63  }
0x5a: {  	_ =	swait.ge [sflag:s31], $0x6400  }
0x5b: {  	[sflag:s31] =	ssyncset.done $0x0  }
0x5c: {  	[sflag:s31] =	ssyncadd.s32 $0xFFFF9C00  }
0x5d: {  	[spmem:s10] =	stream.indirect.scatter.add.f32 [tilespmem:s18], [sflag:$0x1], $0x80, s19, s6, $0xb8;
	[tilespmem:$0x1B700] =	vst v63  }
0x5e: {  	_ =	swait.ge [sflag:s31], $0x6400  }
0x5f: {  	[sflag:s31] =	ssyncset.done $0x0  }
0x60: {  	s23 =	rddreg [dreg:$0x10];
	[sflag:s31] =	ssyncadd.s32 $0xFFFF9C00  }
.LBB3_30:
0x61: {  	s5 =	rddreg [dreg:$0x11]  }
0x62: {  	[bflag:$0x0] =	sbarrier.arrive $0xFFFF;
	s15 =	sshrl.u32 s17, $0x3;
	s5 =	sadd.s32 s23, s5  }
0x63: {  	[hbm:s5], [sflag:s22] =	dma.local [spmem:s15], $0x2800  }
0x64: {  	_ =	swait.ge [sflag:s31], $0x2800  }
0x65: {  	s21 =	sadd.s32 $0x1, s21;
	s25 =	rddreg [dreg:$0x1a]  }
0x66: {  	p1 =	sne.s32 s21, s25  }
.Ltmp1:
0x67: {  	_ = 	snop;
	(pc) =	sbr.rel @!p1 .LBB3_31-.Ltmp1, $3  }
0x68: {  	[sflag:s31] =	ssyncset.done $0x0  }
0x69: {  	[sflag:s31] =	ssyncadd.s32 $0xFFFFD800  }
0x6a: {  	[bflag:$0x0] =	sbarrier.arrive $0xFFFF;
	_ =	sdelay $0x1  }
.LBB3_1:
0x6b: {  	s22 =	simm.s32 $0x0;
	s23 =	simm.s32 $0x200  }
.LBB3_2:
0x6c: {  	p1 =	sne.s32 s23, $0x3E00;
	[tilespmem:s22+$0x1A770] =	vst v0  }
0x6d: {  	[tilespmem:s22+$0x1A700] =	vst v0  }
0x6e: {  	[tilespmem:s22+$0x1A710] =	vst v0  }
.Ltmp2:
0x6f: {  	[tilespmem:s22+$0x1A720] =	vst v0;
	(pc) =	sbr.rel @p1 .LBB3_2-.Ltmp2, $4  }
0x70: {  	[tilespmem:s22+$0x1A730] =	vst v0  }
0x71: {  	[tilespmem:s22+$0x1A740] =	vst v0  }
0x72: {  	[tilespmem:s22+$0x1A750] =	vst v0  }
0x73: {  	[tilespmem:s22+$0x1A760] =	vst v0;
	s22 =	sshra.s32 s23, $0x2;
	s23 =	sadd.s32 $0x200, s23  }
0x74: {  	[tilespmem:s22+$0x1A770] =	vst v0  }
0x75: {  	[tilespmem:s22+$0x1A700] =	vst v0  }
0x76: {  	[tilespmem:s22+$0x1A710] =	vst v0  }
0x77: {  	[tilespmem:s22+$0x1A720] =	vst v0  }
0x78: {  	[tilespmem:s22+$0x1A730] =	vst v0  }
0x79: {  	[tilespmem:s22+$0x1A740] =	vst v0  }
0x7a: {  	[tilespmem:s22+$0x1A750] =	vst v0  }
0x7b: {  	[tilespmem:s22+$0x1A760] =	vst v0  }
0x7c: {  	[spmem:s17] =	stream.linear.scatter [tilespmem:s30], [sflag:$0x1], $0x1000, $0x38;
	[tilespmem:$0x1B700] =	vst v63  }
0x7d: {  	_ =	swait.ge [sflag:s31], $0x1000  }
0x7e: {  	[sflag:s31] =	ssyncset.done $0x0  }
0x7f: {  	s5 =	rddreg [dreg:$0x1b];
	[sflag:s31] =	ssyncadd.s32 $0xFFFFF000  }
0x80: {  	[spmem:s5] =	stream.linear.scatter [tilespmem:s30], [sflag:$0x1], $0x1000, $0x38;
	[tilespmem:$0x1B700] =	vst v63  }
0x81: {  	_ =	swait.ge [sflag:s31], $0x1000  }
0x82: {  	[sflag:s31] =	ssyncset.done $0x0  }
0x83: {  	s15 =	rddreg [dreg:$0x1c];
	[sflag:s31] =	ssyncadd.s32 $0xFFFFF000  }
0x84: {  	[spmem:s15] =	stream.linear.scatter [tilespmem:s30], [sflag:$0x1], $0x1000, $0x38;
	[tilespmem:$0x1B700] =	vst v63  }
0x85: {  	_ =	swait.ge [sflag:s31], $0x1000  }
0x86: {  	[sflag:s31] =	ssyncset.done $0x0  }
0x87: {  	s22 =	rddreg [dreg:$0x1d];
	[sflag:s31] =	ssyncadd.s32 $0xFFFFF000  }
0x88: {  	[spmem:s22] =	stream.linear.scatter [tilespmem:s30], [sflag:$0x1], $0x1000, $0x38;
	[tilespmem:$0x1B700] =	vst v63  }
0x89: {  	_ =	swait.ge [sflag:s31], $0x1000  }
0x8a: {  	[sflag:s31] =	ssyncset.done $0x0  }
0x8b: {  	s23 =	rddreg [dreg:$0x1e];
	[sflag:s31] =	ssyncadd.s32 $0xFFFFF000  }
0x8c: {  	[spmem:s23] =	stream.linear.scatter [tilespmem:s30], [sflag:$0x1], $0x1000, $0x38;
	[tilespmem:$0x1B700] =	vst v63  }
0x8d: {  	_ =	swait.ge [sflag:s31], $0x1000  }
0x8e: {  	[sflag:s31] =	ssyncset.done $0x0  }
0x8f: {  	s24 =	rddreg [dreg:$0x1f];
	[sflag:s31] =	ssyncadd.s32 $0xFFFFF000  }
0x90: {  	[spmem:s24] =	stream.linear.scatter [tilespmem:s30], [sflag:$0x1], $0x1000, $0x38;
	[tilespmem:$0x1B700] =	vst v63  }
0x91: {  	_ =	swait.ge [sflag:s31], $0x1000  }
0x92: {  	s25 =	sld [smem:$0x7F3]  }
0x93: {  	[sflag:s31] =	ssyncset.done $0x0  }
0x94: {  	[sflag:s31] =	ssyncadd.s32 $0xFFFFF000  }
0x95: {  	[spmem:s25] =	stream.linear.scatter [tilespmem:s30], [sflag:$0x1], $0x1000, $0x38;
	[tilespmem:$0x1B700] =	vst v63  }
0x96: {  	_ =	swait.ge [sflag:s31], $0x1000  }
0x97: {  	s15 =	sld [smem:$0x7F4]  }
0x98: {  	[sflag:s31] =	ssyncset.done $0x0  }
0x99: {  	[sflag:s31] =	ssyncadd.s32 $0xFFFFF000  }
0x9a: {  	[spmem:s15] =	stream.linear.scatter [tilespmem:s30], [sflag:$0x1], $0x1000, $0x38;
	[tilespmem:$0x1B700] =	vst v63  }
0x9b: {  	_ =	swait.ge [sflag:s31], $0x1000  }
0x9c: {  	s22 =	sld [smem:$0x7F5]  }
0x9d: {  	[sflag:s31] =	ssyncset.done $0x0  }
0x9e: {  	[sflag:s31] =	ssyncadd.s32 $0xFFFFF000  }
0x9f: {  	[spmem:s22] =	stream.linear.scatter [tilespmem:s30], [sflag:$0x1], $0x1000, $0x38;
	[tilespmem:$0x1B700] =	vst v63  }
0xa0: {  	_ =	swait.ge [sflag:s31], $0x1000  }
0xa1: {  	s23 =	sld [smem:$0x7F6]  }
0xa2: {  	[sflag:s31] =	ssyncset.done $0x0  }
0xa3: {  	[sflag:s31] =	ssyncadd.s32 $0xFFFFF000  }
0xa4: {  	[spmem:s23] =	stream.linear.scatter [tilespmem:s30], [sflag:$0x1], $0x1000, $0x38;
	[tilespmem:$0x1B700] =	vst v63  }
0xa5: {  	_ =	swait.ge [sflag:s31], $0x1000  }
0xa6: {  	s24 =	sld [smem:$0x7F7]  }
0xa7: {  	[sflag:s31] =	ssyncset.done $0x0  }
0xa8: {  	[sflag:s31] =	ssyncadd.s32 $0xFFFFF000  }
0xa9: {  	[spmem:s24] =	stream.linear.scatter [tilespmem:s30], [sflag:$0x1], $0x1000, $0x38;
	[tilespmem:$0x1B700] =	vst v63  }
0xaa: {  	_ =	swait.ge [sflag:s31], $0x1000  }
0xab: {  	s25 =	sld [smem:$0x7F8]  }
0xac: {  	[sflag:s31] =	ssyncset.done $0x0  }
0xad: {  	[sflag:s31] =	ssyncadd.s32 $0xFFFFF000  }
0xae: {  	[spmem:s25] =	stream.linear.scatter [tilespmem:s30], [sflag:$0x1], $0x1000, $0x38;
	[tilespmem:$0x1B700] =	vst v63  }
0xaf: {  	_ =	swait.ge [sflag:s31], $0x1000  }
0xb0: {  	s15 =	sld [smem:$0x7F9]  }
0xb1: {  	[sflag:s31] =	ssyncset.done $0x0  }
0xb2: {  	[sflag:s31] =	ssyncadd.s32 $0xFFFFF000  }
0xb3: {  	[spmem:s15] =	stream.linear.scatter [tilespmem:s30], [sflag:$0x1], $0x1000, $0x38;
	[tilespmem:$0x1B700] =	vst v63  }
0xb4: {  	_ =	swait.ge [sflag:s31], $0x1000  }
0xb5: {  	s22 =	sld [smem:$0x7FA]  }
0xb6: {  	[sflag:s31] =	ssyncset.done $0x0  }
0xb7: {  	[sflag:s31] =	ssyncadd.s32 $0xFFFFF000  }
0xb8: {  	[spmem:s22] =	stream.linear.scatter [tilespmem:s30], [sflag:$0x1], $0x1000, $0x38;
	[tilespmem:$0x1B700] =	vst v63  }
0xb9: {  	_ =	swait.ge [sflag:s31], $0x1000  }
0xba: {  	s23 =	sld [smem:$0x7FB]  }
0xbb: {  	[sflag:s31] =	ssyncset.done $0x0  }
0xbc: {  	[sflag:s31] =	ssyncadd.s32 $0xFFFFF000  }
0xbd: {  	[spmem:s23] =	stream.linear.scatter [tilespmem:s30], [sflag:$0x1], $0x1000, $0x38;
	[tilespmem:$0x1B700] =	vst v63  }
0xbe: {  	_ =	swait.ge [sflag:s31], $0x1000  }
0xbf: {  	s24 =	sld [smem:$0x7FC]  }
0xc0: {  	[sflag:s31] =	ssyncset.done $0x0  }
0xc1: {  	[sflag:s31] =	ssyncadd.s32 $0xFFFFF000  }
0xc2: {  	[spmem:s24] =	stream.linear.scatter [tilespmem:s30], [sflag:$0x1], $0x1000, $0x38;
	[tilespmem:$0x1B700] =	vst v63  }
0xc3: {  	_ =	swait.ge [sflag:s31], $0x1000  }
0xc4: {  	s25 =	sld [smem:$0x7FD]  }
0xc5: {  	[sflag:s31] =	ssyncset.done $0x0  }
0xc6: {  	[sflag:s31] =	ssyncadd.s32 $0xFFFFF000  }
0xc7: {  	[spmem:s25] =	stream.linear.scatter [tilespmem:s30], [sflag:$0x1], $0x1000, $0x38;
	[tilespmem:$0x1B700] =	vst v63  }
0xc8: {  	_ =	swait.ge [sflag:s31], $0x1000  }
0xc9: {  	[sflag:s31] =	ssyncset.done $0x0  }
0xca: {  	[sflag:s31] =	ssyncadd.s32 $0xFFFFF000  }
0xcb: {  	[spmem:s26] =	stream.linear.scatter [tilespmem:s30], [sflag:$0x1], $0x1000, $0x38;
	[tilespmem:$0x1B700] =	vst v63  }
0xcc: {  	_ =	swait.ge [sflag:s31], $0x1000  }
0xcd: {  	[sflag:s31] =	ssyncset.done $0x0  }
0xce: {  	[sflag:s31] =	ssyncadd.s32 $0xFFFFF000  }
0xcf: {  	[spmem:s16] =	stream.linear.scatter [tilespmem:s30], [sflag:$0x1], $0x1000, $0x38;
	[tilespmem:$0x1B700] =	vst v63  }
0xd0: {  	_ =	swait.ge [sflag:s31], $0x1000  }
0xd1: {  	[sflag:s31] =	ssyncset.done $0x0  }
0xd2: {  	[sflag:s31] =	ssyncadd.s32 $0xFFFFF000  }
0xd3: {  	[spmem:s28] =	stream.linear.scatter [tilespmem:s30], [sflag:$0x1], $0x1000, $0x38;
	[tilespmem:$0x1B700] =	vst v63  }
.Ltmp3:
0xd4: {  	_ =	swait.ge [sflag:s31], $0x1000;
	(pc) =	sbr.rel @p0 .LBB3_17-.Ltmp3, $4  }
0xd5: {  	[sflag:s31] =	ssyncset.done $0x0  }
0xd6: {  	[sflag:s31] =	ssyncadd.s32 $0xFFFFF000  }
0xd7: {  	[bflag:$0x0] =	sbarrier.arrive $0xFFFF  }
0xd8: {  	s22 =	sadd.s32 $0x0, s7  }
0xd9: {  	[tilespmem:s12], [sflag:$0x1] =	stream.linear.gather [hbm4b:s22+s4], $0x190, $0x38;
	[tilespmem:$0x1B700] =	vst v63  }
0xda: {  	_ =	swait.ge [sflag:s31], $0x190  }
0xdb: {  	[sflag:s31] =	ssyncset.done $0x0  }
0xdc: {  	[sflag:s31] =	ssyncadd.s32 $0xFFFFFE70  }
0xdd: {  	[tilespmem:s18], [sflag:$0x1] =	stream.indirect.gather [hbm4b:s0+s6], $0x80, s12, s6, $0xb8;
	[tilespmem:$0x1B700] =	vst v63  }
0xde: {  	_ =	swait.ge [sflag:s31], $0x6400  }
0xdf: {  	[sflag:s31] =	ssyncset.done $0x0  }
0xe0: {  	[sflag:s31] =	ssyncadd.s32 $0xFFFF9C00  }
0xe1: {  	[spmem:s10] =	stream.indirect.scatter.add.f32 [tilespmem:s18], [sflag:$0x1], $0x80, s19, s6, $0xb8;
	[tilespmem:$0x1B700] =	vst v63  }
0xe2: {  	_ =	swait.ge [sflag:s31], $0x6400  }
0xe3: {  	s22 =	simm.s32 $0x32;
	s23 =	simm.s32 $0x64;
	[sflag:s31] =	ssyncset.done $0x0  }
.LBB3_5:
0xe4: {  	s24 =	sadd.s32 s22, s7  }
0xe5: {  	[sflag:s31] =	ssyncadd.s32 $0xFFFF9C00;
	s22 =	smov.u32 s23;
	s25 =	sadd.s32 $0x32, s23  }
0xe6: {  	[tilespmem:s12], [sflag:$0x1] =	stream.linear.gather [hbm4b:s24+s4], $0x190, $0x38;
	[tilespmem:$0x1B700] =	vst v63  }
0xe7: {  	p1 =	sne.s32 s23, $0x992;
	_ =	swait.ge [sflag:s31], $0x190  }
0xe8: {  	[sflag:s31] =	ssyncset.done $0x0  }
0xe9: {  	[sflag:s31] =	ssyncadd.s32 $0xFFFFFE70  }
0xea: {  	[tilespmem:s18], [sflag:$0x1] =	stream.indirect.gather [hbm4b:s0+s6], $0x80, s12, s6, $0xb8;
	[tilespmem:$0x1B700] =	vst v63  }
0xeb: {  	_ =	swait.ge [sflag:s31], $0x6400  }
.Ltmp4:
0xec: {  	[sflag:s31] =	ssyncset.done $0x0;
	(pc) =	sbr.rel @p1 .LBB3_5-.Ltmp4, $4  }
0xed: {  	[sflag:s31] =	ssyncadd.s32 $0xFFFF9C00  }
0xee: {  	[spmem:s10] =	stream.indirect.scatter.add.f32 [tilespmem:s18], [sflag:$0x1], $0x80, s19, s6, $0xb8;
	[tilespmem:$0x1B700] =	vst v63  }
0xef: {  	_ =	swait.ge [sflag:s31], $0x6400  }
0xf0: {  	s23 =	smov.u32 s25;
	[sflag:s31] =	ssyncset.done $0x0  }
0xf1: {  	s22 =	sadd.s32 s22, s7;
	[sflag:s31] =	ssyncadd.s32 $0xFFFF9C00  }
0xf2: {  	[tilespmem:s12], [sflag:$0x1] =	stream.linear.gather [hbm4b:s22+s4], $0x190, $0x38;
	[tilespmem:$0x1B700] =	vst v63  }
0xf3: {  	_ =	swait.ge [sflag:s31], $0x190  }
0xf4: {  	[sflag:s31] =	ssyncset.done $0x0  }
0xf5: {  	[sflag:s31] =	ssyncadd.s32 $0xFFFFFE70  }
0xf6: {  	[tilespmem:s18], [sflag:$0x1] =	stream.indirect.gather [hbm4b:s0+s6], $0x80, s12, s6, $0xb8;
	[tilespmem:$0x1B700] =	vst v63  }
0xf7: {  	_ =	swait.ge [sflag:s31], $0x6400  }
0xf8: {  	[sflag:s31] =	ssyncset.done $0x0  }
0xf9: {  	[sflag:s31] =	ssyncadd.s32 $0xFFFF9C00  }
0xfa: {  	[spmem:s10] =	stream.indirect.scatter.add.f32 [tilespmem:s18], [sflag:$0x1], $0x80, s19, s6, $0xb8;
	[tilespmem:$0x1B700] =	vst v63  }
0xfb: {  	_ =	swait.ge [sflag:s31], $0x6400  }
0xfc: {  	[sflag:s31] =	ssyncset.done $0x0  }
0xfd: {  	s5 =	stileid.u32;
	[sflag:s31] =	ssyncadd.s32 $0xFFFF9C00  }
0xfe: {  	s5 =	sshll.u32 s5, $0x6;
	[bflag:$0x0] =	sbarrier.arrive $0xFFFF  }
0xff: {  	s23 =	sshrl.u32 s17, $0x3;
	s22 =	sor.u32 $0x1C01, s5;
	s15 =	rddreg [dreg:$0x14]  }
0x100: {  	[hbm:s15], [sflag:s22] =	dma.local [spmem:s23], $0x2800  }
0x101: {  	_ =	swait.ge [sflag:s31], $0x2800  }
0x102: {  	[sflag:s31] =	ssyncset.done $0x0  }
0x103: {  	[sflag:s31] =	ssyncadd.s32 $0xFFFFD800  }
0x104: {  	[spmem:s17] =	stream.linear.scatter [tilespmem:s30], [sflag:$0x1], $0x1000, $0x38;
	[tilespmem:$0x1B700] =	vst v63  }
0x105: {  	_ =	swait.ge [sflag:s31], $0x1000  }
0x106: {  	[sflag:s31] =	ssyncset.done $0x0  }
0x107: {  	s24 =	rddreg [dreg:$0x1b];
	[sflag:s31] =	ssyncadd.s32 $0xFFFFF000  }
0x108: {  	[spmem:s24] =	stream.linear.scatter [tilespmem:s30], [sflag:$0x1], $0x1000, $0x38;
	[tilespmem:$0x1B700] =	vst v63  }
0x109: {  	_ =	swait.ge [sflag:s31], $0x1000  }
0x10a: {  	[sflag:s31] =	ssyncset.done $0x0  }
0x10b: {  	s25 =	rddreg [dreg:$0x1c];
	[sflag:s31] =	ssyncadd.s32 $0xFFFFF000  }
0x10c: {  	[spmem:s25] =	stream.linear.scatter [tilespmem:s30], [sflag:$0x1], $0x1000, $0x38;
	[tilespmem:$0x1B700] =	vst v63  }
0x10d: {  	_ =	swait.ge [sflag:s31], $0x1000  }
0x10e: {  	[sflag:s31] =	ssyncset.done $0x0  }
0x10f: {  	s15 =	rddreg [dreg:$0x1d];
	[sflag:s31] =	ssyncadd.s32 $0xFFFFF000  }
0x110: {  	[spmem:s15] =	stream.linear.scatter [tilespmem:s30], [sflag:$0x1], $0x1000, $0x38;
	[tilespmem:$0x1B700] =	vst v63  }
0x111: {  	_ =	swait.ge [sflag:s31], $0x1000  }
0x112: {  	[sflag:s31] =	ssyncset.done $0x0  }
0x113: {  	s24 =	rddreg [dreg:$0x1e];
	[sflag:s31] =	ssyncadd.s32 $0xFFFFF000  }
0x114: {  	[spmem:s24] =	stream.linear.scatter [tilespmem:s30], [sflag:$0x1], $0x1000, $0x38;
	[tilespmem:$0x1B700] =	vst v63  }
0x115: {  	_ =	swait.ge [sflag:s31], $0x1000  }
0x116: {  	[sflag:s31] =	ssyncset.done $0x0  }
0x117: {  	s25 =	rddreg [dreg:$0x1f];
	[sflag:s31] =	ssyncadd.s32 $0xFFFFF000  }
0x118: {  	[spmem:s25] =	stream.linear.scatter [tilespmem:s30], [sflag:$0x1], $0x1000, $0x38;
	[tilespmem:$0x1B700] =	vst v63  }
0x119: {  	_ =	swait.ge [sflag:s31], $0x1000  }
0x11a: {  	s15 =	sld [smem:$0x7F3]  }
0x11b: {  	[sflag:s31] =	ssyncset.done $0x0  }
0x11c: {  	[sflag:s31] =	ssyncadd.s32 $0xFFFFF000  }
0x11d: {  	[spmem:s15] =	stream.linear.scatter [tilespmem:s30], [sflag:$0x1], $0x1000, $0x38;
	[tilespmem:$0x1B700] =	vst v63  }
0x11e: {  	_ =	swait.ge [sflag:s31], $0x1000  }
0x11f: {  	s24 =	sld [smem:$0x7F4]  }
0x120: {  	[sflag:s31] =	ssyncset.done $0x0  }
0x121: {  	[sflag:s31] =	ssyncadd.s32 $0xFFFFF000  }
0x122: {  	[spmem:s24] =	stream.linear.scatter [tilespmem:s30], [sflag:$0x1], $0x1000, $0x38;
	[tilespmem:$0x1B700] =	vst v63  }
0x123: {  	_ =	swait.ge [sflag:s31], $0x1000  }
0x124: {  	s25 =	sld [smem:$0x7F5]  }
0x125: {  	[sflag:s31] =	ssyncset.done $0x0  }
0x126: {  	[sflag:s31] =	ssyncadd.s32 $0xFFFFF000  }
0x127: {  	[spmem:s25] =	stream.linear.scatter [tilespmem:s30], [sflag:$0x1], $0x1000, $0x38;
	[tilespmem:$0x1B700] =	vst v63  }
0x128: {  	_ =	swait.ge [sflag:s31], $0x1000  }
0x129: {  	s15 =	sld [smem:$0x7F6]  }
0x12a: {  	[sflag:s31] =	ssyncset.done $0x0  }
0x12b: {  	[sflag:s31] =	ssyncadd.s32 $0xFFFFF000  }
0x12c: {  	[spmem:s15] =	stream.linear.scatter [tilespmem:s30], [sflag:$0x1], $0x1000, $0x38;
	[tilespmem:$0x1B700] =	vst v63  }
0x12d: {  	_ =	swait.ge [sflag:s31], $0x1000  }
0x12e: {  	s24 =	sld [smem:$0x7F7]  }
0x12f: {  	[sflag:s31] =	ssyncset.done $0x0  }
0x130: {  	[sflag:s31] =	ssyncadd.s32 $0xFFFFF000  }
0x131: {  	[spmem:s24] =	stream.linear.scatter [tilespmem:s30], [sflag:$0x1], $0x1000, $0x38;
	[tilespmem:$0x1B700] =	vst v63  }
0x132: {  	_ =	swait.ge [sflag:s31], $0x1000  }
0x133: {  	s25 =	sld [smem:$0x7F8]  }
0x134: {  	[sflag:s31] =	ssyncset.done $0x0  }
0x135: {  	[sflag:s31] =	ssyncadd.s32 $0xFFFFF000  }
0x136: {  	[spmem:s25] =	stream.linear.scatter [tilespmem:s30], [sflag:$0x1], $0x1000, $0x38;
	[tilespmem:$0x1B700] =	vst v63  }
0x137: {  	_ =	swait.ge [sflag:s31], $0x1000  }
0x138: {  	s15 =	sld [smem:$0x7F9]  }
0x139: {  	[sflag:s31] =	ssyncset.done $0x0  }
0x13a: {  	[sflag:s31] =	ssyncadd.s32 $0xFFFFF000  }
0x13b: {  	[spmem:s15] =	stream.linear.scatter [tilespmem:s30], [sflag:$0x1], $0x1000, $0x38;
	[tilespmem:$0x1B700] =	vst v63  }
0x13c: {  	_ =	swait.ge [sflag:s31], $0x1000  }
0x13d: {  	s24 =	sld [smem:$0x7FA]  }
0x13e: {  	[sflag:s31] =	ssyncset.done $0x0  }
0x13f: {  	[sflag:s31] =	ssyncadd.s32 $0xFFFFF000  }
0x140: {  	[spmem:s24] =	stream.linear.scatter [tilespmem:s30], [sflag:$0x1], $0x1000, $0x38;
	[tilespmem:$0x1B700] =	vst v63  }
0x141: {  	_ =	swait.ge [sflag:s31], $0x1000  }
0x142: {  	s25 =	sld [smem:$0x7FB]  }
0x143: {  	[sflag:s31] =	ssyncset.done $0x0  }
0x144: {  	[sflag:s31] =	ssyncadd.s32 $0xFFFFF000  }
0x145: {  	[spmem:s25] =	stream.linear.scatter [tilespmem:s30], [sflag:$0x1], $0x1000, $0x38;
	[tilespmem:$0x1B700] =	vst v63  }
0x146: {  	_ =	swait.ge [sflag:s31], $0x1000  }
0x147: {  	s15 =	sld [smem:$0x7FC]  }
0x148: {  	[sflag:s31] =	ssyncset.done $0x0  }
0x149: {  	[sflag:s31] =	ssyncadd.s32 $0xFFFFF000  }
0x14a: {  	[spmem:s15] =	stream.linear.scatter [tilespmem:s30], [sflag:$0x1], $0x1000, $0x38;
	[tilespmem:$0x1B700] =	vst v63  }
0x14b: {  	_ =	swait.ge [sflag:s31], $0x1000  }
0x14c: {  	s24 =	sld [smem:$0x7FD]  }
0x14d: {  	[sflag:s31] =	ssyncset.done $0x0  }
0x14e: {  	[sflag:s31] =	ssyncadd.s32 $0xFFFFF000  }
0x14f: {  	[spmem:s24] =	stream.linear.scatter [tilespmem:s30], [sflag:$0x1], $0x1000, $0x38;
	[tilespmem:$0x1B700] =	vst v63  }
0x150: {  	_ =	swait.ge [sflag:s31], $0x1000  }
0x151: {  	[sflag:s31] =	ssyncset.done $0x0  }
0x152: {  	[sflag:s31] =	ssyncadd.s32 $0xFFFFF000  }
0x153: {  	[spmem:s26] =	stream.linear.scatter [tilespmem:s30], [sflag:$0x1], $0x1000, $0x38;
	[tilespmem:$0x1B700] =	vst v63  }
0x154: {  	_ =	swait.ge [sflag:s31], $0x1000  }
0x155: {  	[sflag:s31] =	ssyncset.done $0x0  }
0x156: {  	[sflag:s31] =	ssyncadd.s32 $0xFFFFF000  }
0x157: {  	[spmem:s16] =	stream.linear.scatter [tilespmem:s30], [sflag:$0x1], $0x1000, $0x38;
	[tilespmem:$0x1B700] =	vst v63  }
0x158: {  	_ =	swait.ge [sflag:s31], $0x1000  }
0x159: {  	[sflag:s31] =	ssyncset.done $0x0  }
0x15a: {  	[sflag:s31] =	ssyncadd.s32 $0xFFFFF000  }
0x15b: {  	[spmem:s28] =	stream.linear.scatter [tilespmem:s30], [sflag:$0x1], $0x1000, $0x38;
	[tilespmem:$0x1B700] =	vst v63  }
0x15c: {  	_ =	swait.ge [sflag:s31], $0x1000  }
0x15d: {  	[sflag:s31] =	ssyncset.done $0x0  }
0x15e: {  	[sflag:s31] =	ssyncadd.s32 $0xFFFFF000  }
0x15f: {  	s25 =	sadd.s32 $0x0, s8;
	[bflag:$0x0] =	sbarrier.arrive $0xFFFF  }
0x160: {  	[tilespmem:s12], [sflag:$0x1] =	stream.linear.gather [hbm4b:s25+s4], $0x190, $0x38;
	[tilespmem:$0x1B700] =	vst v63  }
0x161: {  	_ =	swait.ge [sflag:s31], $0x190  }
0x162: {  	[sflag:s31] =	ssyncset.done $0x0  }
0x163: {  	[sflag:s31] =	ssyncadd.s32 $0xFFFFFE70  }
0x164: {  	[tilespmem:s18], [sflag:$0x1] =	stream.indirect.gather [hbm4b:s1+s6], $0x80, s12, s6, $0xb8;
	[tilespmem:$0x1B700] =	vst v63  }
0x165: {  	_ =	swait.ge [sflag:s31], $0x6400  }
0x166: {  	[sflag:s31] =	ssyncset.done $0x0  }
0x167: {  	[sflag:s31] =	ssyncadd.s32 $0xFFFF9C00  }
0x168: {  	[spmem:s10] =	stream.indirect.scatter.add.f32 [tilespmem:s18], [sflag:$0x1], $0x80, s19, s6, $0xb8;
	[tilespmem:$0x1B700] =	vst v63  }
0x169: {  	_ =	swait.ge [sflag:s31], $0x6400  }
0x16a: {  	s24 =	simm.s32 $0x32;
	s25 =	simm.s32 $0x64;
	[sflag:s31] =	ssyncset.done $0x0  }
.LBB3_7:
0x16b: {  	s5 =	sadd.s32 s24, s8  }
0x16c: {  	[sflag:s31] =	ssyncadd.s32 $0xFFFF9C00;
	s24 =	smov.u32 s25;
	s15 =	sadd.s32 $0x32, s25  }
0x16d: {  	[tilespmem:s12], [sflag:$0x1] =	stream.linear.gather [hbm4b:s5+s4], $0x190, $0x38;
	[tilespmem:$0x1B700] =	vst v63  }
0x16e: {  	p1 =	sne.s32 s25, $0x992;
	_ =	swait.ge [sflag:s31], $0x190  }
0x16f: {  	[sflag:s31] =	ssyncset.done $0x0  }
0x170: {  	[sflag:s31] =	ssyncadd.s32 $0xFFFFFE70  }
0x171: {  	[tilespmem:s18], [sflag:$0x1] =	stream.indirect.gather [hbm4b:s1+s6], $0x80, s12, s6, $0xb8;
	[tilespmem:$0x1B700] =	vst v63  }
0x172: {  	_ =	swait.ge [sflag:s31], $0x6400  }
.Ltmp5:
0x173: {  	[sflag:s31] =	ssyncset.done $0x0;
	(pc) =	sbr.rel @p1 .LBB3_7-.Ltmp5, $4  }
0x174: {  	[sflag:s31] =	ssyncadd.s32 $0xFFFF9C00  }
0x175: {  	[spmem:s10] =	stream.indirect.scatter.add.f32 [tilespmem:s18], [sflag:$0x1], $0x80, s19, s6, $0xb8;
	[tilespmem:$0x1B700] =	vst v63  }
0x176: {  	_ =	swait.ge [sflag:s31], $0x6400  }
0x177: {  	s25 =	smov.u32 s15;
	[sflag:s31] =	ssyncset.done $0x0  }
0x178: {  	s5 =	sadd.s32 s24, s8;
	[sflag:s31] =	ssyncadd.s32 $0xFFFF9C00  }
0x179: {  	[tilespmem:s12], [sflag:$0x1] =	stream.linear.gather [hbm4b:s5+s4], $0x190, $0x38;
	[tilespmem:$0x1B700] =	vst v63  }
0x17a: {  	_ =	swait.ge [sflag:s31], $0x190  }
0x17b: {  	[sflag:s31] =	ssyncset.done $0x0  }
0x17c: {  	[sflag:s31] =	ssyncadd.s32 $0xFFFFFE70  }
0x17d: {  	[tilespmem:s18], [sflag:$0x1] =	stream.indirect.gather [hbm4b:s1+s6], $0x80, s12, s6, $0xb8;
	[tilespmem:$0x1B700] =	vst v63  }
0x17e: {  	_ =	swait.ge [sflag:s31], $0x6400  }
0x17f: {  	[sflag:s31] =	ssyncset.done $0x0  }
0x180: {  	[sflag:s31] =	ssyncadd.s32 $0xFFFF9C00  }
0x181: {  	[spmem:s10] =	stream.indirect.scatter.add.f32 [tilespmem:s18], [sflag:$0x1], $0x80, s19, s6, $0xb8;
	[tilespmem:$0x1B700] =	vst v63  }
0x182: {  	_ =	swait.ge [sflag:s31], $0x6400  }
0x183: {  	[sflag:s31] =	ssyncset.done $0x0  }
0x184: {  	[sflag:s31] =	ssyncadd.s32 $0xFFFF9C00  }
0x185: {  	[bflag:$0x0] =	sbarrier.arrive $0xFFFF  }
0x186: {  	s15 =	rddreg [dreg:$0x15]  }
0x187: {  	[hbm:s15], [sflag:s22] =	dma.local [spmem:s23], $0x2800  }
0x188: {  	_ =	swait.ge [sflag:s31], $0x2800  }
0x189: {  	[sflag:s31] =	ssyncset.done $0x0  }
0x18a: {  	[sflag:s31] =	ssyncadd.s32 $0xFFFFD800  }
0x18b: {  	[spmem:s17] =	stream.linear.scatter [tilespmem:s30], [sflag:$0x1], $0x1000, $0x38;
	[tilespmem:$0x1B700] =	vst v63  }
0x18c: {  	_ =	swait.ge [sflag:s31], $0x1000  }
0x18d: {  	[sflag:s31] =	ssyncset.done $0x0  }
0x18e: {  	s24 =	rddreg [dreg:$0x1b];
	[sflag:s31] =	ssyncadd.s32 $0xFFFFF000  }
0x18f: {  	[spmem:s24] =	stream.linear.scatter [tilespmem:s30], [sflag:$0x1], $0x1000, $0x38;
	[tilespmem:$0x1B700] =	vst v63  }
0x190: {  	_ =	swait.ge [sflag:s31], $0x1000  }
0x191: {  	[sflag:s31] =	ssyncset.done $0x0  }
0x192: {  	s25 =	rddreg [dreg:$0x1c];
	[sflag:s31] =	ssyncadd.s32 $0xFFFFF000  }
0x193: {  	[spmem:s25] =	stream.linear.scatter [tilespmem:s30], [sflag:$0x1], $0x1000, $0x38;
	[tilespmem:$0x1B700] =	vst v63  }
0x194: {  	_ =	swait.ge [sflag:s31], $0x1000  }
0x195: {  	[sflag:s31] =	ssyncset.done $0x0  }
0x196: {  	s15 =	rddreg [dreg:$0x1d];
	[sflag:s31] =	ssyncadd.s32 $0xFFFFF000  }
0x197: {  	[spmem:s15] =	stream.linear.scatter [tilespmem:s30], [sflag:$0x1], $0x1000, $0x38;
	[tilespmem:$0x1B700] =	vst v63  }
0x198: {  	_ =	swait.ge [sflag:s31], $0x1000  }
0x199: {  	[sflag:s31] =	ssyncset.done $0x0  }
0x19a: {  	s24 =	rddreg [dreg:$0x1e];
	[sflag:s31] =	ssyncadd.s32 $0xFFFFF000  }
0x19b: {  	[spmem:s24] =	stream.linear.scatter [tilespmem:s30], [sflag:$0x1], $0x1000, $0x38;
	[tilespmem:$0x1B700] =	vst v63  }
0x19c: {  	_ =	swait.ge [sflag:s31], $0x1000  }
0x19d: {  	[sflag:s31] =	ssyncset.done $0x0  }
0x19e: {  	s25 =	rddreg [dreg:$0x1f];
	[sflag:s31] =	ssyncadd.s32 $0xFFFFF000  }
0x19f: {  	[spmem:s25] =	stream.linear.scatter [tilespmem:s30], [sflag:$0x1], $0x1000, $0x38;
	[tilespmem:$0x1B700] =	vst v63  }
0x1a0: {  	_ =	swait.ge [sflag:s31], $0x1000  }
0x1a1: {  	s15 =	sld [smem:$0x7F3]  }
0x1a2: {  	[sflag:s31] =	ssyncset.done $0x0  }
0x1a3: {  	[sflag:s31] =	ssyncadd.s32 $0xFFFFF000  }
0x1a4: {  	[spmem:s15] =	stream.linear.scatter [tilespmem:s30], [sflag:$0x1], $0x1000, $0x38;
	[tilespmem:$0x1B700] =	vst v63  }
0x1a5: {  	_ =	swait.ge [sflag:s31], $0x1000  }
0x1a6: {  	s24 =	sld [smem:$0x7F4]  }
0x1a7: {  	[sflag:s31] =	ssyncset.done $0x0  }
0x1a8: {  	[sflag:s31] =	ssyncadd.s32 $0xFFFFF000  }
0x1a9: {  	[spmem:s24] =	stream.linear.scatter [tilespmem:s30], [sflag:$0x1], $0x1000, $0x38;
	[tilespmem:$0x1B700] =	vst v63  }
0x1aa: {  	_ =	swait.ge [sflag:s31], $0x1000  }
0x1ab: {  	s25 =	sld [smem:$0x7F5]  }
0x1ac: {  	[sflag:s31] =	ssyncset.done $0x0  }
0x1ad: {  	[sflag:s31] =	ssyncadd.s32 $0xFFFFF000  }
0x1ae: {  	[spmem:s25] =	stream.linear.scatter [tilespmem:s30], [sflag:$0x1], $0x1000, $0x38;
	[tilespmem:$0x1B700] =	vst v63  }
0x1af: {  	_ =	swait.ge [sflag:s31], $0x1000  }
0x1b0: {  	s15 =	sld [smem:$0x7F6]  }
0x1b1: {  	[sflag:s31] =	ssyncset.done $0x0  }
0x1b2: {  	[sflag:s31] =	ssyncadd.s32 $0xFFFFF000  }
0x1b3: {  	[spmem:s15] =	stream.linear.scatter [tilespmem:s30], [sflag:$0x1], $0x1000, $0x38;
	[tilespmem:$0x1B700] =	vst v63  }
0x1b4: {  	_ =	swait.ge [sflag:s31], $0x1000  }
0x1b5: {  	s24 =	sld [smem:$0x7F7]  }
0x1b6: {  	[sflag:s31] =	ssyncset.done $0x0  }
0x1b7: {  	[sflag:s31] =	ssyncadd.s32 $0xFFFFF000  }
0x1b8: {  	[spmem:s24] =	stream.linear.scatter [tilespmem:s30], [sflag:$0x1], $0x1000, $0x38;
	[tilespmem:$0x1B700] =	vst v63  }
0x1b9: {  	_ =	swait.ge [sflag:s31], $0x1000  }
0x1ba: {  	s25 =	sld [smem:$0x7F8]  }
0x1bb: {  	[sflag:s31] =	ssyncset.done $0x0  }
0x1bc: {  	[sflag:s31] =	ssyncadd.s32 $0xFFFFF000  }
0x1bd: {  	[spmem:s25] =	stream.linear.scatter [tilespmem:s30], [sflag:$0x1], $0x1000, $0x38;
	[tilespmem:$0x1B700] =	vst v63  }
0x1be: {  	_ =	swait.ge [sflag:s31], $0x1000  }
0x1bf: {  	s15 =	sld [smem:$0x7F9]  }
0x1c0: {  	[sflag:s31] =	ssyncset.done $0x0  }
0x1c1: {  	[sflag:s31] =	ssyncadd.s32 $0xFFFFF000  }
0x1c2: {  	[spmem:s15] =	stream.linear.scatter [tilespmem:s30], [sflag:$0x1], $0x1000, $0x38;
	[tilespmem:$0x1B700] =	vst v63  }
0x1c3: {  	_ =	swait.ge [sflag:s31], $0x1000  }
0x1c4: {  	s24 =	sld [smem:$0x7FA]  }
0x1c5: {  	[sflag:s31] =	ssyncset.done $0x0  }
0x1c6: {  	[sflag:s31] =	ssyncadd.s32 $0xFFFFF000  }
0x1c7: {  	[spmem:s24] =	stream.linear.scatter [tilespmem:s30], [sflag:$0x1], $0x1000, $0x38;
	[tilespmem:$0x1B700] =	vst v63  }
0x1c8: {  	_ =	swait.ge [sflag:s31], $0x1000  }
0x1c9: {  	s25 =	sld [smem:$0x7FB]  }
0x1ca: {  	[sflag:s31] =	ssyncset.done $0x0  }
0x1cb: {  	[sflag:s31] =	ssyncadd.s32 $0xFFFFF000  }
0x1cc: {  	[spmem:s25] =	stream.linear.scatter [tilespmem:s30], [sflag:$0x1], $0x1000, $0x38;
	[tilespmem:$0x1B700] =	vst v63  }
0x1cd: {  	_ =	swait.ge [sflag:s31], $0x1000  }
0x1ce: {  	s15 =	sld [smem:$0x7FC]  }
0x1cf: {  	[sflag:s31] =	ssyncset.done $0x0  }
0x1d0: {  	[sflag:s31] =	ssyncadd.s32 $0xFFFFF000  }
0x1d1: {  	[spmem:s15] =	stream.linear.scatter [tilespmem:s30], [sflag:$0x1], $0x1000, $0x38;
	[tilespmem:$0x1B700] =	vst v63  }
0x1d2: {  	_ =	swait.ge [sflag:s31], $0x1000  }
0x1d3: {  	s24 =	sld [smem:$0x7FD]  }
0x1d4: {  	[sflag:s31] =	ssyncset.done $0x0  }
0x1d5: {  	[sflag:s31] =	ssyncadd.s32 $0xFFFFF000  }
0x1d6: {  	[spmem:s24] =	stream.linear.scatter [tilespmem:s30], [sflag:$0x1], $0x1000, $0x38;
	[tilespmem:$0x1B700] =	vst v63  }
0x1d7: {  	_ =	swait.ge [sflag:s31], $0x1000  }
0x1d8: {  	[sflag:s31] =	ssyncset.done $0x0  }
0x1d9: {  	[sflag:s31] =	ssyncadd.s32 $0xFFFFF000  }
0x1da: {  	[spmem:s26] =	stream.linear.scatter [tilespmem:s30], [sflag:$0x1], $0x1000, $0x38;
	[tilespmem:$0x1B700] =	vst v63  }
0x1db: {  	_ =	swait.ge [sflag:s31], $0x1000  }
0x1dc: {  	[sflag:s31] =	ssyncset.done $0x0  }
0x1dd: {  	[sflag:s31] =	ssyncadd.s32 $0xFFFFF000  }
0x1de: {  	[spmem:s16] =	stream.linear.scatter [tilespmem:s30], [sflag:$0x1], $0x1000, $0x38;
	[tilespmem:$0x1B700] =	vst v63  }
0x1df: {  	_ =	swait.ge [sflag:s31], $0x1000  }
0x1e0: {  	[sflag:s31] =	ssyncset.done $0x0  }
0x1e1: {  	[sflag:s31] =	ssyncadd.s32 $0xFFFFF000  }
0x1e2: {  	[spmem:s28] =	stream.linear.scatter [tilespmem:s30], [sflag:$0x1], $0x1000, $0x38;
	[tilespmem:$0x1B700] =	vst v63  }
0x1e3: {  	_ =	swait.ge [sflag:s31], $0x1000  }
0x1e4: {  	[sflag:s31] =	ssyncset.done $0x0  }
0x1e5: {  	[sflag:s31] =	ssyncadd.s32 $0xFFFFF000  }
0x1e6: {  	s25 =	sadd.s32 $0x0, s9;
	[bflag:$0x0] =	sbarrier.arrive $0xFFFF  }
0x1e7: {  	[tilespmem:s12], [sflag:$0x1] =	stream.linear.gather [hbm4b:s25+s4], $0x190, $0x38;
	[tilespmem:$0x1B700] =	vst v63  }
0x1e8: {  	_ =	swait.ge [sflag:s31], $0x190  }
0x1e9: {  	[sflag:s31] =	ssyncset.done $0x0  }
0x1ea: {  	[sflag:s31] =	ssyncadd.s32 $0xFFFFFE70  }
0x1eb: {  	[tilespmem:s18], [sflag:$0x1] =	stream.indirect.gather [hbm4b:s2+s6], $0x80, s12, s6, $0xb8;
	[tilespmem:$0x1B700] =	vst v63  }
0x1ec: {  	_ =	swait.ge [sflag:s31], $0x6400  }
0x1ed: {  	[sflag:s31] =	ssyncset.done $0x0  }
0x1ee: {  	[sflag:s31] =	ssyncadd.s32 $0xFFFF9C00  }
0x1ef: {  	[spmem:s10] =	stream.indirect.scatter.add.f32 [tilespmem:s18], [sflag:$0x1], $0x80, s19, s6, $0xb8;
	[tilespmem:$0x1B700] =	vst v63  }
0x1f0: {  	_ =	swait.ge [sflag:s31], $0x6400  }
0x1f1: {  	s24 =	simm.s32 $0x32;
	s25 =	simm.s32 $0x64;
	[sflag:s31] =	ssyncset.done $0x0  }
.LBB3_9:
0x1f2: {  	s5 =	sadd.s32 s24, s9  }
0x1f3: {  	[sflag:s31] =	ssyncadd.s32 $0xFFFF9C00;
	s24 =	smov.u32 s25;
	s15 =	sadd.s32 $0x32, s25  }
0x1f4: {  	[tilespmem:s12], [sflag:$0x1] =	stream.linear.gather [hbm4b:s5+s4], $0x190, $0x38;
	[tilespmem:$0x1B700] =	vst v63  }
0x1f5: {  	p1 =	seq.s32 s25, $0x992;
	_ =	swait.ge [sflag:s31], $0x190  }
0x1f6: {  	[sflag:s31] =	ssyncset.done $0x0  }
0x1f7: {  	[sflag:s31] =	ssyncadd.s32 $0xFFFFFE70  }
0x1f8: {  	[tilespmem:s18], [sflag:$0x1] =	stream.indirect.gather [hbm4b:s2+s6], $0x80, s12, s6, $0xb8;
	[tilespmem:$0x1B700] =	vst v63  }
0x1f9: {  	_ =	swait.ge [sflag:s31], $0x6400  }
.Ltmp6:
0x1fa: {  	[sflag:s31] =	ssyncset.done $0x0;
	(pc) =	sbr.rel @!p1 .LBB3_9-.Ltmp6, $4  }
0x1fb: {  	[sflag:s31] =	ssyncadd.s32 $0xFFFF9C00  }
0x1fc: {  	[spmem:s10] =	stream.indirect.scatter.add.f32 [tilespmem:s18], [sflag:$0x1], $0x80, s19, s6, $0xb8;
	[tilespmem:$0x1B700] =	vst v63  }
0x1fd: {  	_ =	swait.ge [sflag:s31], $0x6400  }
0x1fe: {  	s25 =	smov.u32 s15;
	[sflag:s31] =	ssyncset.done $0x0  }
0x1ff: {  	s5 =	sadd.s32 s24, s9;
	[sflag:s31] =	ssyncadd.s32 $0xFFFF9C00  }
0x200: {  	[tilespmem:s12], [sflag:$0x1] =	stream.linear.gather [hbm4b:s5+s4], $0x190, $0x38;
	[tilespmem:$0x1B700] =	vst v63  }
0x201: {  	_ =	swait.ge [sflag:s31], $0x190  }
0x202: {  	[sflag:s31] =	ssyncset.done $0x0  }
0x203: {  	[sflag:s31] =	ssyncadd.s32 $0xFFFFFE70  }
0x204: {  	[tilespmem:s18], [sflag:$0x1] =	stream.indirect.gather [hbm4b:s2+s6], $0x80, s12, s6, $0xb8;
	[tilespmem:$0x1B700] =	vst v63  }
0x205: {  	_ =	swait.ge [sflag:s31], $0x6400  }
0x206: {  	[sflag:s31] =	ssyncset.done $0x0  }
0x207: {  	[sflag:s31] =	ssyncadd.s32 $0xFFFF9C00  }
0x208: {  	[spmem:s10] =	stream.indirect.scatter.add.f32 [tilespmem:s18], [sflag:$0x1], $0x80, s19, s6, $0xb8;
	[tilespmem:$0x1B700] =	vst v63  }
0x209: {  	_ =	swait.ge [sflag:s31], $0x6400  }
0x20a: {  	[sflag:s31] =	ssyncset.done $0x0  }
0x20b: {  	[sflag:s31] =	ssyncadd.s32 $0xFFFF9C00  }
0x20c: {  	[bflag:$0x0] =	sbarrier.arrive $0xFFFF  }
0x20d: {  	s24 =	rddreg [dreg:$0x16]  }
0x20e: {  	[hbm:s24], [sflag:s22] =	dma.local [spmem:s23], $0x2800  }
0x20f: {  	_ =	swait.ge [sflag:s31], $0x2800  }
0x210: {  	[sflag:s31] =	ssyncset.done $0x0  }
0x211: {  	[sflag:s31] =	ssyncadd.s32 $0xFFFFD800  }
0x212: {  	[spmem:s17] =	stream.linear.scatter [tilespmem:s30], [sflag:$0x1], $0x1000, $0x38;
	[tilespmem:$0x1B700] =	vst v63  }
0x213: {  	_ =	swait.ge [sflag:s31], $0x1000  }
0x214: {  	[sflag:s31] =	ssyncset.done $0x0  }
0x215: {  	s25 =	rddreg [dreg:$0x1b];
	[sflag:s31] =	ssyncadd.s32 $0xFFFFF000  }
0x216: {  	[spmem:s25] =	stream.linear.scatter [tilespmem:s30], [sflag:$0x1], $0x1000, $0x38;
	[tilespmem:$0x1B700] =	vst v63  }
0x217: {  	_ =	swait.ge [sflag:s31], $0x1000  }
0x218: {  	[sflag:s31] =	ssyncset.done $0x0  }
0x219: {  	s15 =	rddreg [dreg:$0x1c];
	[sflag:s31] =	ssyncadd.s32 $0xFFFFF000  }
0x21a: {  	[spmem:s15] =	stream.linear.scatter [tilespmem:s30], [sflag:$0x1], $0x1000, $0x38;
	[tilespmem:$0x1B700] =	vst v63  }
0x21b: {  	_ =	swait.ge [sflag:s31], $0x1000  }
0x21c: {  	[sflag:s31] =	ssyncset.done $0x0  }
0x21d: {  	s24 =	rddreg [dreg:$0x1d];
	[sflag:s31] =	ssyncadd.s32 $0xFFFFF000  }
0x21e: {  	[spmem:s24] =	stream.linear.scatter [tilespmem:s30], [sflag:$0x1], $0x1000, $0x38;
	[tilespmem:$0x1B700] =	vst v63  }
0x21f: {  	_ =	swait.ge [sflag:s31], $0x1000  }
0x220: {  	[sflag:s31] =	ssyncset.done $0x0  }
0x221: {  	s25 =	rddreg [dreg:$0x1e];
	[sflag:s31] =	ssyncadd.s32 $0xFFFFF000  }
0x222: {  	[spmem:s25] =	stream.linear.scatter [tilespmem:s30], [sflag:$0x1], $0x1000, $0x38;
	[tilespmem:$0x1B700] =	vst v63  }
0x223: {  	_ =	swait.ge [sflag:s31], $0x1000  }
0x224: {  	[sflag:s31] =	ssyncset.done $0x0  }
0x225: {  	s15 =	rddreg [dreg:$0x1f];
	[sflag:s31] =	ssyncadd.s32 $0xFFFFF000  }
0x226: {  	[spmem:s15] =	stream.linear.scatter [tilespmem:s30], [sflag:$0x1], $0x1000, $0x38;
	[tilespmem:$0x1B700] =	vst v63  }
0x227: {  	_ =	swait.ge [sflag:s31], $0x1000  }
0x228: {  	s24 =	sld [smem:$0x7F3]  }
0x229: {  	[sflag:s31] =	ssyncset.done $0x0  }
0x22a: {  	[sflag:s31] =	ssyncadd.s32 $0xFFFFF000  }
0x22b: {  	[spmem:s24] =	stream.linear.scatter [tilespmem:s30], [sflag:$0x1], $0x1000, $0x38;
	[tilespmem:$0x1B700] =	vst v63  }
0x22c: {  	_ =	swait.ge [sflag:s31], $0x1000  }
0x22d: {  	s25 =	sld [smem:$0x7F4]  }
0x22e: {  	[sflag:s31] =	ssyncset.done $0x0  }
0x22f: {  	[sflag:s31] =	ssyncadd.s32 $0xFFFFF000  }
0x230: {  	[spmem:s25] =	stream.linear.scatter [tilespmem:s30], [sflag:$0x1], $0x1000, $0x38;
	[tilespmem:$0x1B700] =	vst v63  }
0x231: {  	_ =	swait.ge [sflag:s31], $0x1000  }
0x232: {  	s15 =	sld [smem:$0x7F5]  }
0x233: {  	[sflag:s31] =	ssyncset.done $0x0  }
0x234: {  	[sflag:s31] =	ssyncadd.s32 $0xFFFFF000  }
0x235: {  	[spmem:s15] =	stream.linear.scatter [tilespmem:s30], [sflag:$0x1], $0x1000, $0x38;
	[tilespmem:$0x1B700] =	vst v63  }
0x236: {  	_ =	swait.ge [sflag:s31], $0x1000  }
0x237: {  	s24 =	sld [smem:$0x7F6]  }
0x238: {  	[sflag:s31] =	ssyncset.done $0x0  }
0x239: {  	[sflag:s31] =	ssyncadd.s32 $0xFFFFF000  }
0x23a: {  	[spmem:s24] =	stream.linear.scatter [tilespmem:s30], [sflag:$0x1], $0x1000, $0x38;
	[tilespmem:$0x1B700] =	vst v63  }
0x23b: {  	_ =	swait.ge [sflag:s31], $0x1000  }
0x23c: {  	s25 =	sld [smem:$0x7F7]  }
0x23d: {  	[sflag:s31] =	ssyncset.done $0x0  }
0x23e: {  	[sflag:s31] =	ssyncadd.s32 $0xFFFFF000  }
0x23f: {  	[spmem:s25] =	stream.linear.scatter [tilespmem:s30], [sflag:$0x1], $0x1000, $0x38;
	[tilespmem:$0x1B700] =	vst v63  }
0x240: {  	_ =	swait.ge [sflag:s31], $0x1000  }
0x241: {  	s15 =	sld [smem:$0x7F8]  }
0x242: {  	[sflag:s31] =	ssyncset.done $0x0  }
0x243: {  	[sflag:s31] =	ssyncadd.s32 $0xFFFFF000  }
0x244: {  	[spmem:s15] =	stream.linear.scatter [tilespmem:s30], [sflag:$0x1], $0x1000, $0x38;
	[tilespmem:$0x1B700] =	vst v63  }
0x245: {  	_ =	swait.ge [sflag:s31], $0x1000  }
0x246: {  	s24 =	sld [smem:$0x7F9]  }
0x247: {  	[sflag:s31] =	ssyncset.done $0x0  }
0x248: {  	[sflag:s31] =	ssyncadd.s32 $0xFFFFF000  }
0x249: {  	[spmem:s24] =	stream.linear.scatter [tilespmem:s30], [sflag:$0x1], $0x1000, $0x38;
	[tilespmem:$0x1B700] =	vst v63  }
0x24a: {  	_ =	swait.ge [sflag:s31], $0x1000  }
0x24b: {  	s25 =	sld [smem:$0x7FA]  }
0x24c: {  	[sflag:s31] =	ssyncset.done $0x0  }
0x24d: {  	[sflag:s31] =	ssyncadd.s32 $0xFFFFF000  }
0x24e: {  	[spmem:s25] =	stream.linear.scatter [tilespmem:s30], [sflag:$0x1], $0x1000, $0x38;
	[tilespmem:$0x1B700] =	vst v63  }
0x24f: {  	_ =	swait.ge [sflag:s31], $0x1000  }
0x250: {  	s15 =	sld [smem:$0x7FB]  }
0x251: {  	[sflag:s31] =	ssyncset.done $0x0  }
0x252: {  	[sflag:s31] =	ssyncadd.s32 $0xFFFFF000  }
0x253: {  	[spmem:s15] =	stream.linear.scatter [tilespmem:s30], [sflag:$0x1], $0x1000, $0x38;
	[tilespmem:$0x1B700] =	vst v63  }
0x254: {  	_ =	swait.ge [sflag:s31], $0x1000  }
0x255: {  	s24 =	sld [smem:$0x7FC]  }
0x256: {  	[sflag:s31] =	ssyncset.done $0x0  }
0x257: {  	[sflag:s31] =	ssyncadd.s32 $0xFFFFF000  }
0x258: {  	[spmem:s24] =	stream.linear.scatter [tilespmem:s30], [sflag:$0x1], $0x1000, $0x38;
	[tilespmem:$0x1B700] =	vst v63  }
0x259: {  	_ =	swait.ge [sflag:s31], $0x1000  }
0x25a: {  	s25 =	sld [smem:$0x7FD]  }
0x25b: {  	[sflag:s31] =	ssyncset.done $0x0  }
0x25c: {  	[sflag:s31] =	ssyncadd.s32 $0xFFFFF000  }
0x25d: {  	[spmem:s25] =	stream.linear.scatter [tilespmem:s30], [sflag:$0x1], $0x1000, $0x38;
	[tilespmem:$0x1B700] =	vst v63  }
0x25e: {  	_ =	swait.ge [sflag:s31], $0x1000  }
0x25f: {  	[sflag:s31] =	ssyncset.done $0x0  }
0x260: {  	[sflag:s31] =	ssyncadd.s32 $0xFFFFF000  }
0x261: {  	[spmem:s26] =	stream.linear.scatter [tilespmem:s30], [sflag:$0x1], $0x1000, $0x38;
	[tilespmem:$0x1B700] =	vst v63  }
0x262: {  	_ =	swait.ge [sflag:s31], $0x1000  }
0x263: {  	[sflag:s31] =	ssyncset.done $0x0  }
0x264: {  	[sflag:s31] =	ssyncadd.s32 $0xFFFFF000  }
0x265: {  	[spmem:s16] =	stream.linear.scatter [tilespmem:s30], [sflag:$0x1], $0x1000, $0x38;
	[tilespmem:$0x1B700] =	vst v63  }
0x266: {  	_ =	swait.ge [sflag:s31], $0x1000  }
0x267: {  	[sflag:s31] =	ssyncset.done $0x0  }
0x268: {  	[sflag:s31] =	ssyncadd.s32 $0xFFFFF000  }
0x269: {  	[spmem:s28] =	stream.linear.scatter [tilespmem:s30], [sflag:$0x1], $0x1000, $0x38;
	[tilespmem:$0x1B700] =	vst v63  }
0x26a: {  	_ =	swait.ge [sflag:s31], $0x1000  }
0x26b: {  	[sflag:s31] =	ssyncset.done $0x0  }
0x26c: {  	[sflag:s31] =	ssyncadd.s32 $0xFFFFF000  }
0x26d: {  	s24 =	simm.s32 $0x70;
	s25 =	simm.s32 $0x3C0;
	[bflag:$0x0] =	sbarrier.arrive $0xFFFF  }
.LBB3_11:
0x26e: {  	p1 =	sne.s32 s25, $0x18FC0;
	[tilespmem:s24+$0x14000] =	vst v1  }
0x26f: {  	[tilespmem:s24+$0x13F90] =	vst v1  }
0x270: {  	[tilespmem:s24+$0x13FA0] =	vst v1  }
.Ltmp7:
0x271: {  	[tilespmem:s24+$0x13FB0] =	vst v1;
	(pc) =	sbr.rel @p1 .LBB3_11-.Ltmp7, $4  }
0x272: {  	[tilespmem:s24+$0x13FC0] =	vst v1  }
0x273: {  	[tilespmem:s24+$0x13FD0] =	vst v1  }
0x274: {  	[tilespmem:s24+$0x13FE0] =	vst v1  }
0x275: {  	[tilespmem:s24+$0x13FF0] =	vst v1;
	s24 =	sshra.s32 s25, $0x2;
	s25 =	sadd.s32 $0x200, s25  }
0x276: {  	[tilespmem:s24+$0x14000] =	vst v1  }
0x277: {  	[tilespmem:s24+$0x13F90] =	vst v1  }
0x278: {  	[tilespmem:s24+$0x13FA0] =	vst v1  }
0x279: {  	[tilespmem:s24+$0x13FB0] =	vst v1  }
0x27a: {  	[tilespmem:s24+$0x13FC0] =	vst v1  }
0x27b: {  	[tilespmem:s24+$0x13FD0] =	vst v1  }
0x27c: {  	[tilespmem:s24+$0x13FE0] =	vst v1  }
0x27d: {  	[tilespmem:s24+$0x13FF0] =	vst v1;
	s5 =	sadd.s32 $0x0, s14  }
0x27e: {  	[tilespmem:s12], [sflag:$0x1] =	stream.linear.gather [hbm4b:s5+s4], $0x190, $0x38;
	[tilespmem:$0x1B700] =	vst v63  }
0x27f: {  	_ =	swait.ge [sflag:s31], $0x190  }
0x280: {  	[sflag:s31] =	ssyncset.done $0x0  }
0x281: {  	[sflag:s31] =	ssyncadd.s32 $0xFFFFFE70  }
0x282: {  	[spmem:s10] =	stream.indirect.scatter.add.f32 [tilespmem:s18], [sflag:$0x1], $0x80, s12, s6, $0xb8;
	[tilespmem:$0x1B700] =	vst v63  }
0x283: {  	_ =	swait.ge [sflag:s31], $0x6400  }
0x284: {  	[sflag:s31] =	ssyncset.done $0x0  }
0x285: {  	[sflag:s31] =	ssyncadd.s32 $0xFFFF9C00  }
0x286: {  	[spmem:s10] =	stream.indirect.scatter.add.f32 [tilespmem:s18], [sflag:$0x1], $0x80, s19, s6, $0xb8;
	[tilespmem:$0x1B700] =	vst v63  }
0x287: {  	_ =	swait.ge [sflag:s31], $0x6400  }
0x288: {  	s24 =	simm.s32 $0x32;
	s25 =	simm.s32 $0x64;
	[sflag:s31] =	ssyncset.done $0x0  }
.LBB3_13:
0x289: {  	s5 =	sadd.s32 s24, s14  }
0x28a: {  	[sflag:s31] =	ssyncadd.s32 $0xFFFF9C00;
	s24 =	smov.u32 s25;
	s15 =	sadd.s32 $0x32, s25  }
0x28b: {  	[tilespmem:s12], [sflag:$0x1] =	stream.linear.gather [hbm4b:s5+s4], $0x190, $0x38;
	[tilespmem:$0x1B700] =	vst v63  }
0x28c: {  	p1 =	sne.s32 s25, $0x4B0;
	_ =	swait.ge [sflag:s31], $0x190  }
0x28d: {  	[sflag:s31] =	ssyncset.done $0x0  }
0x28e: {  	[sflag:s31] =	ssyncadd.s32 $0xFFFFFE70  }
0x28f: {  	[spmem:s10] =	stream.indirect.scatter.add.f32 [tilespmem:s18], [sflag:$0x1], $0x80, s12, s6, $0xb8;
	[tilespmem:$0x1B700] =	vst v63  }
0x290: {  	_ =	swait.ge [sflag:s31], $0x6400  }
.Ltmp8:
0x291: {  	[sflag:s31] =	ssyncset.done $0x0;
	(pc) =	sbr.rel @p1 .LBB3_13-.Ltmp8, $4  }
0x292: {  	[sflag:s31] =	ssyncadd.s32 $0xFFFF9C00  }
0x293: {  	[spmem:s10] =	stream.indirect.scatter.add.f32 [tilespmem:s18], [sflag:$0x1], $0x80, s19, s6, $0xb8;
	[tilespmem:$0x1B700] =	vst v63  }
0x294: {  	_ =	swait.ge [sflag:s31], $0x6400  }
0x295: {  	s25 =	smov.u32 s15;
	[sflag:s31] =	ssyncset.done $0x0  }
0x296: {  	s5 =	sadd.s32 s24, s14;
	[sflag:s31] =	ssyncadd.s32 $0xFFFF9C00  }
0x297: {  	[tilespmem:s12], [sflag:$0x1] =	stream.linear.gather [hbm4b:s5+s4], $0x190, $0x38;
	[tilespmem:$0x1B700] =	vst v63  }
0x298: {  	_ =	swait.ge [sflag:s31], $0x190  }
0x299: {  	[sflag:s31] =	ssyncset.done $0x0  }
0x29a: {  	[sflag:s31] =	ssyncadd.s32 $0xFFFFFE70  }
0x29b: {  	[spmem:s10] =	stream.indirect.scatter.add.f32 [tilespmem:s18], [sflag:$0x1], $0x80, s12, s6, $0xb8;
	[tilespmem:$0x1B700] =	vst v63  }
0x29c: {  	_ =	swait.ge [sflag:s31], $0x6400  }
0x29d: {  	[sflag:s31] =	ssyncset.done $0x0  }
0x29e: {  	[sflag:s31] =	ssyncadd.s32 $0xFFFF9C00  }
0x29f: {  	[spmem:s10] =	stream.indirect.scatter.add.f32 [tilespmem:s18], [sflag:$0x1], $0x80, s19, s6, $0xb8;
	[tilespmem:$0x1B700] =	vst v63  }
0x2a0: {  	_ =	swait.ge [sflag:s31], $0x6400  }
0x2a1: {  	[sflag:s31] =	ssyncset.done $0x0  }
0x2a2: {  	[sflag:s31] =	ssyncadd.s32 $0xFFFF9C00  }
0x2a3: {  	[bflag:$0x0] =	sbarrier.arrive $0xFFFF  }
0x2a4: {  	s24 =	rddreg [dreg:$0x18]  }
0x2a5: {  	[hbm:s24], [sflag:s22] =	dma.local [spmem:s23], $0x2800  }
0x2a6: {  	_ =	swait.ge [sflag:s31], $0x2800  }
0x2a7: {  	[sflag:s31] =	ssyncset.done $0x0  }
0x2a8: {  	[sflag:s31] =	ssyncadd.s32 $0xFFFFD800  }
0x2a9: {  	[spmem:s17] =	stream.linear.scatter [tilespmem:s30], [sflag:$0x1], $0x1000, $0x38;
	[tilespmem:$0x1B700] =	vst v63  }
0x2aa: {  	_ =	swait.ge [sflag:s31], $0x1000  }
0x2ab: {  	[sflag:s31] =	ssyncset.done $0x0  }
0x2ac: {  	s25 =	rddreg [dreg:$0x1b];
	[sflag:s31] =	ssyncadd.s32 $0xFFFFF000  }
0x2ad: {  	[spmem:s25] =	stream.linear.scatter [tilespmem:s30], [sflag:$0x1], $0x1000, $0x38;
	[tilespmem:$0x1B700] =	vst v63  }
0x2ae: {  	_ =	swait.ge [sflag:s31], $0x1000  }
0x2af: {  	[sflag:s31] =	ssyncset.done $0x0  }
0x2b0: {  	s15 =	rddreg [dreg:$0x1c];
	[sflag:s31] =	ssyncadd.s32 $0xFFFFF000  }
0x2b1: {  	[spmem:s15] =	stream.linear.scatter [tilespmem:s30], [sflag:$0x1], $0x1000, $0x38;
	[tilespmem:$0x1B700] =	vst v63  }
0x2b2: {  	_ =	swait.ge [sflag:s31], $0x1000  }
0x2b3: {  	[sflag:s31] =	ssyncset.done $0x0  }
0x2b4: {  	s23 =	rddreg [dreg:$0x1d];
	[sflag:s31] =	ssyncadd.s32 $0xFFFFF000  }
0x2b5: {  	[spmem:s23] =	stream.linear.scatter [tilespmem:s30], [sflag:$0x1], $0x1000, $0x38;
	[tilespmem:$0x1B700] =	vst v63  }
0x2b6: {  	_ =	swait.ge [sflag:s31], $0x1000  }
0x2b7: {  	[sflag:s31] =	ssyncset.done $0x0  }
0x2b8: {  	s24 =	rddreg [dreg:$0x1e];
	[sflag:s31] =	ssyncadd.s32 $0xFFFFF000  }
0x2b9: {  	[spmem:s24] =	stream.linear.scatter [tilespmem:s30], [sflag:$0x1], $0x1000, $0x38;
	[tilespmem:$0x1B700] =	vst v63  }
0x2ba: {  	_ =	swait.ge [sflag:s31], $0x1000  }
0x2bb: {  	[sflag:s31] =	ssyncset.done $0x0  }
0x2bc: {  	s25 =	rddreg [dreg:$0x1f];
	[sflag:s31] =	ssyncadd.s32 $0xFFFFF000  }
0x2bd: {  	[spmem:s25] =	stream.linear.scatter [tilespmem:s30], [sflag:$0x1], $0x1000, $0x38;
	[tilespmem:$0x1B700] =	vst v63  }
0x2be: {  	_ =	swait.ge [sflag:s31], $0x1000  }
0x2bf: {  	s15 =	sld [smem:$0x7F3]  }
0x2c0: {  	[sflag:s31] =	ssyncset.done $0x0  }
0x2c1: {  	[sflag:s31] =	ssyncadd.s32 $0xFFFFF000  }
0x2c2: {  	[spmem:s15] =	stream.linear.scatter [tilespmem:s30], [sflag:$0x1], $0x1000, $0x38;
	[tilespmem:$0x1B700] =	vst v63  }
0x2c3: {  	_ =	swait.ge [sflag:s31], $0x1000  }
0x2c4: {  	s23 =	sld [smem:$0x7F4]  }
0x2c5: {  	[sflag:s31] =	ssyncset.done $0x0  }
0x2c6: {  	[sflag:s31] =	ssyncadd.s32 $0xFFFFF000  }
0x2c7: {  	[spmem:s23] =	stream.linear.scatter [tilespmem:s30], [sflag:$0x1], $0x1000, $0x38;
	[tilespmem:$0x1B700] =	vst v63  }
0x2c8: {  	_ =	swait.ge [sflag:s31], $0x1000  }
0x2c9: {  	s24 =	sld [smem:$0x7F5]  }
0x2ca: {  	[sflag:s31] =	ssyncset.done $0x0  }
0x2cb: {  	[sflag:s31] =	ssyncadd.s32 $0xFFFFF000  }
0x2cc: {  	[spmem:s24] =	stream.linear.scatter [tilespmem:s30], [sflag:$0x1], $0x1000, $0x38;
	[tilespmem:$0x1B700] =	vst v63  }
0x2cd: {  	_ =	swait.ge [sflag:s31], $0x1000  }
0x2ce: {  	s25 =	sld [smem:$0x7F6]  }
0x2cf: {  	[sflag:s31] =	ssyncset.done $0x0  }
0x2d0: {  	[sflag:s31] =	ssyncadd.s32 $0xFFFFF000  }
0x2d1: {  	[spmem:s25] =	stream.linear.scatter [tilespmem:s30], [sflag:$0x1], $0x1000, $0x38;
	[tilespmem:$0x1B700] =	vst v63  }
0x2d2: {  	_ =	swait.ge [sflag:s31], $0x1000  }
0x2d3: {  	s15 =	sld [smem:$0x7F7]  }
0x2d4: {  	[sflag:s31] =	ssyncset.done $0x0  }
0x2d5: {  	[sflag:s31] =	ssyncadd.s32 $0xFFFFF000  }
0x2d6: {  	[spmem:s15] =	stream.linear.scatter [tilespmem:s30], [sflag:$0x1], $0x1000, $0x38;
	[tilespmem:$0x1B700] =	vst v63  }
0x2d7: {  	_ =	swait.ge [sflag:s31], $0x1000  }
0x2d8: {  	s23 =	sld [smem:$0x7F8]  }
0x2d9: {  	[sflag:s31] =	ssyncset.done $0x0  }
0x2da: {  	[sflag:s31] =	ssyncadd.s32 $0xFFFFF000  }
0x2db: {  	[spmem:s23] =	stream.linear.scatter [tilespmem:s30], [sflag:$0x1], $0x1000, $0x38;
	[tilespmem:$0x1B700] =	vst v63  }
0x2dc: {  	_ =	swait.ge [sflag:s31], $0x1000  }
0x2dd: {  	s24 =	sld [smem:$0x7F9]  }
0x2de: {  	[sflag:s31] =	ssyncset.done $0x0  }
0x2df: {  	[sflag:s31] =	ssyncadd.s32 $0xFFFFF000  }
0x2e0: {  	[spmem:s24] =	stream.linear.scatter [tilespmem:s30], [sflag:$0x1], $0x1000, $0x38;
	[tilespmem:$0x1B700] =	vst v63  }
0x2e1: {  	_ =	swait.ge [sflag:s31], $0x1000  }
0x2e2: {  	s25 =	sld [smem:$0x7FA]  }
0x2e3: {  	[sflag:s31] =	ssyncset.done $0x0  }
0x2e4: {  	[sflag:s31] =	ssyncadd.s32 $0xFFFFF000  }
0x2e5: {  	[spmem:s25] =	stream.linear.scatter [tilespmem:s30], [sflag:$0x1], $0x1000, $0x38;
	[tilespmem:$0x1B700] =	vst v63  }
0x2e6: {  	_ =	swait.ge [sflag:s31], $0x1000  }
0x2e7: {  	s15 =	sld [smem:$0x7FB]  }
0x2e8: {  	[sflag:s31] =	ssyncset.done $0x0  }
0x2e9: {  	[sflag:s31] =	ssyncadd.s32 $0xFFFFF000  }
0x2ea: {  	[spmem:s15] =	stream.linear.scatter [tilespmem:s30], [sflag:$0x1], $0x1000, $0x38;
	[tilespmem:$0x1B700] =	vst v63  }
0x2eb: {  	_ =	swait.ge [sflag:s31], $0x1000  }
0x2ec: {  	s23 =	sld [smem:$0x7FC]  }
0x2ed: {  	[sflag:s31] =	ssyncset.done $0x0  }
0x2ee: {  	[sflag:s31] =	ssyncadd.s32 $0xFFFFF000  }
0x2ef: {  	[spmem:s23] =	stream.linear.scatter [tilespmem:s30], [sflag:$0x1], $0x1000, $0x38;
	[tilespmem:$0x1B700] =	vst v63  }
0x2f0: {  	_ =	swait.ge [sflag:s31], $0x1000  }
0x2f1: {  	s24 =	sld [smem:$0x7FD]  }
0x2f2: {  	[sflag:s31] =	ssyncset.done $0x0  }
0x2f3: {  	[sflag:s31] =	ssyncadd.s32 $0xFFFFF000  }
0x2f4: {  	[spmem:s24] =	stream.linear.scatter [tilespmem:s30], [sflag:$0x1], $0x1000, $0x38;
	[tilespmem:$0x1B700] =	vst v63  }
0x2f5: {  	_ =	swait.ge [sflag:s31], $0x1000  }
0x2f6: {  	[sflag:s31] =	ssyncset.done $0x0  }
0x2f7: {  	[sflag:s31] =	ssyncadd.s32 $0xFFFFF000  }
0x2f8: {  	[spmem:s26] =	stream.linear.scatter [tilespmem:s30], [sflag:$0x1], $0x1000, $0x38;
	[tilespmem:$0x1B700] =	vst v63  }
0x2f9: {  	_ =	swait.ge [sflag:s31], $0x1000  }
0x2fa: {  	[sflag:s31] =	ssyncset.done $0x0  }
0x2fb: {  	[sflag:s31] =	ssyncadd.s32 $0xFFFFF000  }
0x2fc: {  	[spmem:s16] =	stream.linear.scatter [tilespmem:s30], [sflag:$0x1], $0x1000, $0x38;
	[tilespmem:$0x1B700] =	vst v63  }
0x2fd: {  	_ =	swait.ge [sflag:s31], $0x1000  }
0x2fe: {  	[sflag:s31] =	ssyncset.done $0x0  }
0x2ff: {  	[sflag:s31] =	ssyncadd.s32 $0xFFFFF000  }
0x300: {  	[spmem:s28] =	stream.linear.scatter [tilespmem:s30], [sflag:$0x1], $0x1000, $0x38;
	[tilespmem:$0x1B700] =	vst v63  }
0x301: {  	_ =	swait.ge [sflag:s31], $0x1000  }
0x302: {  	[sflag:s31] =	ssyncset.done $0x0  }
0x303: {  	[sflag:s31] =	ssyncadd.s32 $0xFFFFF000  }
0x304: {  	s25 =	sadd.s32 $0x0, s11;
	[bflag:$0x0] =	sbarrier.arrive $0xFFFF  }
0x305: {  	[tilespmem:s20], [sflag:$0x1] =	stream.linear.gather [hbm4b:s25+s4], $0xC8, $0x38;
	[tilespmem:$0x1B700] =	vst v63  }
0x306: {  	_ =	swait.ge [sflag:s31], $0xC8  }
0x307: {  	[sflag:s31] =	ssyncset.done $0x0  }
0x308: {  	[sflag:s31] =	ssyncadd.s32 $0xFFFFFF38  }
0x309: {  	[spmem:s10] =	stream.indirect.scatter.add.f32 [tilespmem:s18], [sflag:$0x1], $0x80, s20, s6, $0xb8;
	[tilespmem:$0x1B700] =	vst v63  }
0x30a: {  	_ =	swait.ge [sflag:s31], $0x6400  }
0x30b: {  	s23 =	simm.s32 $0x19;
	s24 =	simm.s32 $0x32;
	[sflag:s31] =	ssyncset.done $0x0  }
.LBB3_15:
0x30c: {  	s5 =	sadd.s32 s23, s11  }
0x30d: {  	[sflag:s31] =	ssyncadd.s32 $0xFFFF9C00;
	s23 =	smov.u32 s24;
	s15 =	sadd.s32 $0x19, s24  }
0x30e: {  	[tilespmem:s20], [sflag:$0x1] =	stream.linear.gather [hbm4b:s5+s4], $0xC8, $0x38;
	[tilespmem:$0x1B700] =	vst v63  }
0x30f: {  	p1 =	seq.s32 s24, $0x258;
	_ =	swait.ge [sflag:s31], $0xC8  }
.Ltmp9:
0x310: {  	[sflag:s31] =	ssyncset.done $0x0;
	(pc) =	sbr.rel @!p1 .LBB3_15-.Ltmp9, $4  }
0x311: {  	[sflag:s31] =	ssyncadd.s32 $0xFFFFFF38  }
0x312: {  	[spmem:s10] =	stream.indirect.scatter.add.f32 [tilespmem:s18], [sflag:$0x1], $0x80, s20, s6, $0xb8;
	[tilespmem:$0x1B700] =	vst v63  }
0x313: {  	_ =	swait.ge [sflag:s31], $0x6400  }
0x314: {  	s24 =	smov.u32 s15;
	[sflag:s31] =	ssyncset.done $0x0  }
0x315: {  	s5 =	sadd.s32 s23, s11;
	[sflag:s31] =	ssyncadd.s32 $0xFFFF9C00  }
0x316: {  	[tilespmem:s20], [sflag:$0x1] =	stream.linear.gather [hbm4b:s5+s4], $0xC8, $0x38;
	[tilespmem:$0x1B700] =	vst v63  }
0x317: {  	_ =	swait.ge [sflag:s31], $0xC8  }
0x318: {  	[sflag:s31] =	ssyncset.done $0x0  }
.Ltmp10:
0x319: {  	[sflag:s31] =	ssyncadd.s32 $0xFFFFFF38;
	(pc) =	sbr.rel .LBB3_30-.Ltmp10, $4  }
0x31a: {  	[spmem:s10] =	stream.indirect.scatter.add.f32 [tilespmem:s18], [sflag:$0x1], $0x80, s20, s6, $0xb8;
	[tilespmem:$0x1B700] =	vst v63  }
0x31b: {  	_ =	swait.ge [sflag:s31], $0x6400  }
0x31c: {  	[sflag:s31] =	ssyncset.done $0x0  }
0x31d: {  	s23 =	rddreg [dreg:$0xe];
	[sflag:s31] =	ssyncadd.s32 $0xFFFF9C00  }
.LBB3_17:
0x31e: {  	[tilespmem:s12], [sflag:$0x1] =	stream.linear.gather [hbm4b:s22+s4], $0x190, $0x38;
	[tilespmem:$0x1B700] =	vst v63  }
0x31f: {  	_ =	swait.ge [sflag:s31], $0x190  }
0x320: {  	[sflag:s31] =	ssyncset.done $0x0  }
0x321: {  	[sflag:s31] =	ssyncadd.s32 $0xFFFFFE70  }
0x322: {  	[tilespmem:s18], [sflag:$0x1] =	stream.indirect.gather [hbm4b:s1+s6], $0x80, s12, s6, $0xb8;
	[tilespmem:$0x1B700] =	vst v63  }
0x323: {  	_ =	swait.ge [sflag:s31], $0x6400  }
0x324: {  	[sflag:s31] =	ssyncset.done $0x0  }
0x325: {  	[sflag:s31] =	ssyncadd.s32 $0xFFFF9C00  }
0x326: {  	[spmem:s10] =	stream.indirect.scatter.add.f32 [tilespmem:s18], [sflag:$0x1], $0x80, s19, s6, $0xb8;
	[tilespmem:$0x1B700] =	vst v63  }
0x327: {  	_ =	swait.ge [sflag:s31], $0x6400  }
0x328: {  	s22 =	simm.s32 $0x32;
	s23 =	simm.s32 $0x64;
	[sflag:s31] =	ssyncset.done $0x0  }
.LBB3_18:
0x329: {  	s24 =	sadd.s32 s22, s7  }
0x32a: {  	[sflag:s31] =	ssyncadd.s32 $0xFFFF9C00;
	s22 =	smov.u32 s23;
	s25 =	sadd.s32 $0x32, s23  }
0x32b: {  	[tilespmem:s12], [sflag:$0x1] =	stream.linear.gather [hbm4b:s24+s4], $0x190, $0x38;
	[tilespmem:$0x1B700] =	vst v63  }
0x32c: {  	p1 =	sne.s32 s23, $0x992;
	_ =	swait.ge [sflag:s31], $0x190  }
0x32d: {  	[sflag:s31] =	ssyncset.done $0x0  }
0x32e: {  	[sflag:s31] =	ssyncadd.s32 $0xFFFFFE70  }
0x32f: {  	[tilespmem:s18], [sflag:$0x1] =	stream.indirect.gather [hbm4b:s1+s6], $0x80, s12, s6, $0xb8;
	[tilespmem:$0x1B700] =	vst v63  }
0x330: {  	_ =	swait.ge [sflag:s31], $0x6400  }
.Ltmp11:
0x331: {  	[sflag:s31] =	ssyncset.done $0x0;
	(pc) =	sbr.rel @p1 .LBB3_18-.Ltmp11, $4  }
0x332: {  	[sflag:s31] =	ssyncadd.s32 $0xFFFF9C00  }
0x333: {  	[spmem:s10] =	stream.indirect.scatter.add.f32 [tilespmem:s18], [sflag:$0x1], $0x80, s19, s6, $0xb8;
	[tilespmem:$0x1B700] =	vst v63  }
0x334: {  	_ =	swait.ge [sflag:s31], $0x6400  }
0x335: {  	s23 =	smov.u32 s25;
	[sflag:s31] =	ssyncset.done $0x0  }
0x336: {  	s22 =	sadd.s32 s22, s7;
	[sflag:s31] =	ssyncadd.s32 $0xFFFF9C00  }
0x337: {  	[tilespmem:s12], [sflag:$0x1] =	stream.linear.gather [hbm4b:s22+s4], $0x190, $0x38;
	[tilespmem:$0x1B700] =	vst v63  }
0x338: {  	_ =	swait.ge [sflag:s31], $0x190  }
0x339: {  	[sflag:s31] =	ssyncset.done $0x0  }
0x33a: {  	[sflag:s31] =	ssyncadd.s32 $0xFFFFFE70  }
0x33b: {  	[tilespmem:s18], [sflag:$0x1] =	stream.indirect.gather [hbm4b:s1+s6], $0x80, s12, s6, $0xb8;
	[tilespmem:$0x1B700] =	vst v63  }
0x33c: {  	_ =	swait.ge [sflag:s31], $0x6400  }
0x33d: {  	[sflag:s31] =	ssyncset.done $0x0  }
0x33e: {  	[sflag:s31] =	ssyncadd.s32 $0xFFFF9C00  }
0x33f: {  	[spmem:s10] =	stream.indirect.scatter.add.f32 [tilespmem:s18], [sflag:$0x1], $0x80, s19, s6, $0xb8;
	[tilespmem:$0x1B700] =	vst v63  }
0x340: {  	_ =	swait.ge [sflag:s31], $0x6400  }
0x341: {  	[sflag:s31] =	ssyncset.done $0x0  }
0x342: {  	s5 =	stileid.u32;
	[sflag:s31] =	ssyncadd.s32 $0xFFFF9C00  }
0x343: {  	s23 =	sshll.u32 s5, $0x6;
	[bflag:$0x0] =	sbarrier.arrive $0xFFFF  }
0x344: {  	s22 =	sor.u32 $0x1C01, s23;
	s23 =	sshrl.u32 s17, $0x3;
	s24 =	rddreg [dreg:$0x12]  }
0x345: {  	[hbm:s24], [sflag:s22] =	dma.local [spmem:s23], $0x2800  }
0x346: {  	_ =	swait.ge [sflag:s31], $0x2800  }
0x347: {  	[sflag:s31] =	ssyncset.done $0x0  }
0x348: {  	[sflag:s31] =	ssyncadd.s32 $0xFFFFD800  }
0x349: {  	[spmem:s17] =	stream.linear.scatter [tilespmem:s30], [sflag:$0x1], $0x1000, $0x38;
	[tilespmem:$0x1B700] =	vst v63  }
0x34a: {  	_ =	swait.ge [sflag:s31], $0x1000  }
0x34b: {  	[sflag:s31] =	ssyncset.done $0x0  }
0x34c: {  	s25 =	rddreg [dreg:$0x1b];
	[sflag:s31] =	ssyncadd.s32 $0xFFFFF000  }
0x34d: {  	[spmem:s25] =	stream.linear.scatter [tilespmem:s30], [sflag:$0x1], $0x1000, $0x38;
	[tilespmem:$0x1B700] =	vst v63  }
0x34e: {  	_ =	swait.ge [sflag:s31], $0x1000  }
0x34f: {  	[sflag:s31] =	ssyncset.done $0x0  }
0x350: {  	s15 =	rddreg [dreg:$0x1c];
	[sflag:s31] =	ssyncadd.s32 $0xFFFFF000  }
0x351: {  	[spmem:s15] =	stream.linear.scatter [tilespmem:s30], [sflag:$0x1], $0x1000, $0x38;
	[tilespmem:$0x1B700] =	vst v63  }
0x352: {  	_ =	swait.ge [sflag:s31], $0x1000  }
0x353: {  	[sflag:s31] =	ssyncset.done $0x0  }
0x354: {  	s24 =	rddreg [dreg:$0x1d];
	[sflag:s31] =	ssyncadd.s32 $0xFFFFF000  }
0x355: {  	[spmem:s24] =	stream.linear.scatter [tilespmem:s30], [sflag:$0x1], $0x1000, $0x38;
	[tilespmem:$0x1B700] =	vst v63  }
0x356: {  	_ =	swait.ge [sflag:s31], $0x1000  }
0x357: {  	[sflag:s31] =	ssyncset.done $0x0  }
0x358: {  	s25 =	rddreg [dreg:$0x1e];
	[sflag:s31] =	ssyncadd.s32 $0xFFFFF000  }
0x359: {  	[spmem:s25] =	stream.linear.scatter [tilespmem:s30], [sflag:$0x1], $0x1000, $0x38;
	[tilespmem:$0x1B700] =	vst v63  }
0x35a: {  	_ =	swait.ge [sflag:s31], $0x1000  }
0x35b: {  	[sflag:s31] =	ssyncset.done $0x0  }
0x35c: {  	s15 =	rddreg [dreg:$0x1f];
	[sflag:s31] =	ssyncadd.s32 $0xFFFFF000  }
0x35d: {  	[spmem:s15] =	stream.linear.scatter [tilespmem:s30], [sflag:$0x1], $0x1000, $0x38;
	[tilespmem:$0x1B700] =	vst v63  }
0x35e: {  	_ =	swait.ge [sflag:s31], $0x1000  }
0x35f: {  	s24 =	sld [smem:$0x7F3]  }
0x360: {  	[sflag:s31] =	ssyncset.done $0x0  }
0x361: {  	[sflag:s31] =	ssyncadd.s32 $0xFFFFF000  }
0x362: {  	[spmem:s24] =	stream.linear.scatter [tilespmem:s30], [sflag:$0x1], $0x1000, $0x38;
	[tilespmem:$0x1B700] =	vst v63  }
0x363: {  	_ =	swait.ge [sflag:s31], $0x1000  }
0x364: {  	s25 =	sld [smem:$0x7F4]  }
0x365: {  	[sflag:s31] =	ssyncset.done $0x0  }
0x366: {  	[sflag:s31] =	ssyncadd.s32 $0xFFFFF000  }
0x367: {  	[spmem:s25] =	stream.linear.scatter [tilespmem:s30], [sflag:$0x1], $0x1000, $0x38;
	[tilespmem:$0x1B700] =	vst v63  }
0x368: {  	_ =	swait.ge [sflag:s31], $0x1000  }
0x369: {  	s15 =	sld [smem:$0x7F5]  }
0x36a: {  	[sflag:s31] =	ssyncset.done $0x0  }
0x36b: {  	[sflag:s31] =	ssyncadd.s32 $0xFFFFF000  }
0x36c: {  	[spmem:s15] =	stream.linear.scatter [tilespmem:s30], [sflag:$0x1], $0x1000, $0x38;
	[tilespmem:$0x1B700] =	vst v63  }
0x36d: {  	_ =	swait.ge [sflag:s31], $0x1000  }
0x36e: {  	s24 =	sld [smem:$0x7F6]  }
0x36f: {  	[sflag:s31] =	ssyncset.done $0x0  }
0x370: {  	[sflag:s31] =	ssyncadd.s32 $0xFFFFF000  }
0x371: {  	[spmem:s24] =	stream.linear.scatter [tilespmem:s30], [sflag:$0x1], $0x1000, $0x38;
	[tilespmem:$0x1B700] =	vst v63  }
0x372: {  	_ =	swait.ge [sflag:s31], $0x1000  }
0x373: {  	s25 =	sld [smem:$0x7F7]  }
0x374: {  	[sflag:s31] =	ssyncset.done $0x0  }
0x375: {  	[sflag:s31] =	ssyncadd.s32 $0xFFFFF000  }
0x376: {  	[spmem:s25] =	stream.linear.scatter [tilespmem:s30], [sflag:$0x1], $0x1000, $0x38;
	[tilespmem:$0x1B700] =	vst v63  }
0x377: {  	_ =	swait.ge [sflag:s31], $0x1000  }
0x378: {  	s15 =	sld [smem:$0x7F8]  }
0x379: {  	[sflag:s31] =	ssyncset.done $0x0  }
0x37a: {  	[sflag:s31] =	ssyncadd.s32 $0xFFFFF000  }
0x37b: {  	[spmem:s15] =	stream.linear.scatter [tilespmem:s30], [sflag:$0x1], $0x1000, $0x38;
	[tilespmem:$0x1B700] =	vst v63  }
0x37c: {  	_ =	swait.ge [sflag:s31], $0x1000  }
0x37d: {  	s24 =	sld [smem:$0x7F9]  }
0x37e: {  	[sflag:s31] =	ssyncset.done $0x0  }
0x37f: {  	[sflag:s31] =	ssyncadd.s32 $0xFFFFF000  }
0x380: {  	[spmem:s24] =	stream.linear.scatter [tilespmem:s30], [sflag:$0x1], $0x1000, $0x38;
	[tilespmem:$0x1B700] =	vst v63  }
0x381: {  	_ =	swait.ge [sflag:s31], $0x1000  }
0x382: {  	s25 =	sld [smem:$0x7FA]  }
0x383: {  	[sflag:s31] =	ssyncset.done $0x0  }
0x384: {  	[sflag:s31] =	ssyncadd.s32 $0xFFFFF000  }
0x385: {  	[spmem:s25] =	stream.linear.scatter [tilespmem:s30], [sflag:$0x1], $0x1000, $0x38;
	[tilespmem:$0x1B700] =	vst v63  }
0x386: {  	_ =	swait.ge [sflag:s31], $0x1000  }
0x387: {  	s15 =	sld [smem:$0x7FB]  }
0x388: {  	[sflag:s31] =	ssyncset.done $0x0  }
0x389: {  	[sflag:s31] =	ssyncadd.s32 $0xFFFFF000  }
0x38a: {  	[spmem:s15] =	stream.linear.scatter [tilespmem:s30], [sflag:$0x1], $0x1000, $0x38;
	[tilespmem:$0x1B700] =	vst v63  }
0x38b: {  	_ =	swait.ge [sflag:s31], $0x1000  }
0x38c: {  	s24 =	sld [smem:$0x7FC]  }
0x38d: {  	[sflag:s31] =	ssyncset.done $0x0  }
0x38e: {  	[sflag:s31] =	ssyncadd.s32 $0xFFFFF000  }
0x38f: {  	[spmem:s24] =	stream.linear.scatter [tilespmem:s30], [sflag:$0x1], $0x1000, $0x38;
	[tilespmem:$0x1B700] =	vst v63  }
0x390: {  	_ =	swait.ge [sflag:s31], $0x1000  }
0x391: {  	s25 =	sld [smem:$0x7FD]  }
0x392: {  	[sflag:s31] =	ssyncset.done $0x0  }
0x393: {  	[sflag:s31] =	ssyncadd.s32 $0xFFFFF000  }
0x394: {  	[spmem:s25] =	stream.linear.scatter [tilespmem:s30], [sflag:$0x1], $0x1000, $0x38;
	[tilespmem:$0x1B700] =	vst v63  }
0x395: {  	_ =	swait.ge [sflag:s31], $0x1000  }
0x396: {  	[sflag:s31] =	ssyncset.done $0x0  }
0x397: {  	[sflag:s31] =	ssyncadd.s32 $0xFFFFF000  }
0x398: {  	[spmem:s26] =	stream.linear.scatter [tilespmem:s30], [sflag:$0x1], $0x1000, $0x38;
	[tilespmem:$0x1B700] =	vst v63  }
0x399: {  	_ =	swait.ge [sflag:s31], $0x1000  }
0x39a: {  	[sflag:s31] =	ssyncset.done $0x0  }
0x39b: {  	[sflag:s31] =	ssyncadd.s32 $0xFFFFF000  }
0x39c: {  	[spmem:s16] =	stream.linear.scatter [tilespmem:s30], [sflag:$0x1], $0x1000, $0x38;
	[tilespmem:$0x1B700] =	vst v63  }
0x39d: {  	_ =	swait.ge [sflag:s31], $0x1000  }
0x39e: {  	[sflag:s31] =	ssyncset.done $0x0  }
0x39f: {  	[sflag:s31] =	ssyncadd.s32 $0xFFFFF000  }
0x3a0: {  	[spmem:s28] =	stream.linear.scatter [tilespmem:s30], [sflag:$0x1], $0x1000, $0x38;
	[tilespmem:$0x1B700] =	vst v63  }
0x3a1: {  	_ =	swait.ge [sflag:s31], $0x1000  }
0x3a2: {  	[sflag:s31] =	ssyncset.done $0x0  }
0x3a3: {  	[sflag:s31] =	ssyncadd.s32 $0xFFFFF000  }
0x3a4: {  	s24 =	sadd.s32 $0x0, s8;
	[bflag:$0x0] =	sbarrier.arrive $0xFFFF  }
0x3a5: {  	[tilespmem:s12], [sflag:$0x1] =	stream.linear.gather [hbm4b:s24+s4], $0x190, $0x38;
	[tilespmem:$0x1B700] =	vst v63  }
0x3a6: {  	_ =	swait.ge [sflag:s31], $0x190  }
0x3a7: {  	[sflag:s31] =	ssyncset.done $0x0  }
0x3a8: {  	[sflag:s31] =	ssyncadd.s32 $0xFFFFFE70  }
0x3a9: {  	[tilespmem:s18], [sflag:$0x1] =	stream.indirect.gather [hbm4b:s0+s6], $0x80, s12, s6, $0xb8;
	[tilespmem:$0x1B700] =	vst v63  }
0x3aa: {  	_ =	swait.ge [sflag:s31], $0x6400  }
0x3ab: {  	[sflag:s31] =	ssyncset.done $0x0  }
0x3ac: {  	[sflag:s31] =	ssyncadd.s32 $0xFFFF9C00  }
0x3ad: {  	[spmem:s10] =	stream.indirect.scatter.add.f32 [tilespmem:s18], [sflag:$0x1], $0x80, s19, s6, $0xb8;
	[tilespmem:$0x1B700] =	vst v63  }
0x3ae: {  	_ =	swait.ge [sflag:s31], $0x6400  }
0x3af: {  	s25 =	simm.s32 $0x64;
	s24 =	simm.s32 $0x32;
	[sflag:s31] =	ssyncset.done $0x0  }
.LBB3_20:
0x3b0: {  	s15 =	sadd.s32 s24, s8  }
0x3b1: {  	[sflag:s31] =	ssyncadd.s32 $0xFFFF9C00;
	s24 =	smov.u32 s25;
	s5 =	sadd.s32 $0x32, s25  }
0x3b2: {  	[tilespmem:s12], [sflag:$0x1] =	stream.linear.gather [hbm4b:s15+s4], $0x190, $0x38;
	[tilespmem:$0x1B700] =	vst v63  }
0x3b3: {  	p1 =	seq.s32 s25, $0x992;
	_ =	swait.ge [sflag:s31], $0x190  }
0x3b4: {  	[sflag:s31] =	ssyncset.done $0x0  }
0x3b5: {  	[sflag:s31] =	ssyncadd.s32 $0xFFFFFE70  }
0x3b6: {  	[tilespmem:s18], [sflag:$0x1] =	stream.indirect.gather [hbm4b:s0+s6], $0x80, s12, s6, $0xb8;
	[tilespmem:$0x1B700] =	vst v63  }
0x3b7: {  	_ =	swait.ge [sflag:s31], $0x6400  }
.Ltmp12:
0x3b8: {  	[sflag:s31] =	ssyncset.done $0x0;
	(pc) =	sbr.rel @!p1 .LBB3_20-.Ltmp12, $4  }
0x3b9: {  	[sflag:s31] =	ssyncadd.s32 $0xFFFF9C00  }
0x3ba: {  	[spmem:s10] =	stream.indirect.scatter.add.f32 [tilespmem:s18], [sflag:$0x1], $0x80, s19, s6, $0xb8;
	[tilespmem:$0x1B700] =	vst v63  }
0x3bb: {  	_ =	swait.ge [sflag:s31], $0x6400  }
0x3bc: {  	s25 =	smov.u32 s5;
	[sflag:s31] =	ssyncset.done $0x0  }
0x3bd: {  	s5 =	sadd.s32 s24, s8;
	[sflag:s31] =	ssyncadd.s32 $0xFFFF9C00  }
0x3be: {  	[tilespmem:s12], [sflag:$0x1] =	stream.linear.gather [hbm4b:s5+s4], $0x190, $0x38;
	[tilespmem:$0x1B700] =	vst v63  }
0x3bf: {  	_ =	swait.ge [sflag:s31], $0x190  }
0x3c0: {  	[sflag:s31] =	ssyncset.done $0x0  }
0x3c1: {  	[sflag:s31] =	ssyncadd.s32 $0xFFFFFE70  }
0x3c2: {  	[tilespmem:s18], [sflag:$0x1] =	stream.indirect.gather [hbm4b:s0+s6], $0x80, s12, s6, $0xb8;
	[tilespmem:$0x1B700] =	vst v63  }
0x3c3: {  	_ =	swait.ge [sflag:s31], $0x6400  }
0x3c4: {  	[sflag:s31] =	ssyncset.done $0x0  }
0x3c5: {  	[sflag:s31] =	ssyncadd.s32 $0xFFFF9C00  }
0x3c6: {  	[spmem:s10] =	stream.indirect.scatter.add.f32 [tilespmem:s18], [sflag:$0x1], $0x80, s19, s6, $0xb8;
	[tilespmem:$0x1B700] =	vst v63  }
0x3c7: {  	_ =	swait.ge [sflag:s31], $0x6400  }
0x3c8: {  	[sflag:s31] =	ssyncset.done $0x0  }
0x3c9: {  	[sflag:s31] =	ssyncadd.s32 $0xFFFF9C00  }
0x3ca: {  	[bflag:$0x0] =	sbarrier.arrive $0xFFFF  }
0x3cb: {  	s15 =	rddreg [dreg:$0x13]  }
0x3cc: {  	[hbm:s15], [sflag:s22] =	dma.local [spmem:s23], $0x2800  }
0x3cd: {  	_ =	swait.ge [sflag:s31], $0x2800  }
0x3ce: {  	[sflag:s31] =	ssyncset.done $0x0  }
0x3cf: {  	[sflag:s31] =	ssyncadd.s32 $0xFFFFD800  }
0x3d0: {  	[spmem:s17] =	stream.linear.scatter [tilespmem:s30], [sflag:$0x1], $0x1000, $0x38;
	[tilespmem:$0x1B700] =	vst v63  }
0x3d1: {  	_ =	swait.ge [sflag:s31], $0x1000  }
0x3d2: {  	[sflag:s31] =	ssyncset.done $0x0  }
0x3d3: {  	s24 =	rddreg [dreg:$0x1b];
	[sflag:s31] =	ssyncadd.s32 $0xFFFFF000  }
0x3d4: {  	[spmem:s24] =	stream.linear.scatter [tilespmem:s30], [sflag:$0x1], $0x1000, $0x38;
	[tilespmem:$0x1B700] =	vst v63  }
0x3d5: {  	_ =	swait.ge [sflag:s31], $0x1000  }
0x3d6: {  	[sflag:s31] =	ssyncset.done $0x0  }
0x3d7: {  	s25 =	rddreg [dreg:$0x1c];
	[sflag:s31] =	ssyncadd.s32 $0xFFFFF000  }
0x3d8: {  	[spmem:s25] =	stream.linear.scatter [tilespmem:s30], [sflag:$0x1], $0x1000, $0x38;
	[tilespmem:$0x1B700] =	vst v63  }
0x3d9: {  	_ =	swait.ge [sflag:s31], $0x1000  }
0x3da: {  	[sflag:s31] =	ssyncset.done $0x0  }
0x3db: {  	s15 =	rddreg [dreg:$0x1d];
	[sflag:s31] =	ssyncadd.s32 $0xFFFFF000  }
0x3dc: {  	[spmem:s15] =	stream.linear.scatter [tilespmem:s30], [sflag:$0x1], $0x1000, $0x38;
	[tilespmem:$0x1B700] =	vst v63  }
0x3dd: {  	_ =	swait.ge [sflag:s31], $0x1000  }
0x3de: {  	[sflag:s31] =	ssyncset.done $0x0  }
0x3df: {  	s24 =	rddreg [dreg:$0x1e];
	[sflag:s31] =	ssyncadd.s32 $0xFFFFF000  }
0x3e0: {  	[spmem:s24] =	stream.linear.scatter [tilespmem:s30], [sflag:$0x1], $0x1000, $0x38;
	[tilespmem:$0x1B700] =	vst v63  }
0x3e1: {  	_ =	swait.ge [sflag:s31], $0x1000  }
0x3e2: {  	[sflag:s31] =	ssyncset.done $0x0  }
0x3e3: {  	s25 =	rddreg [dreg:$0x1f];
	[sflag:s31] =	ssyncadd.s32 $0xFFFFF000  }
0x3e4: {  	[spmem:s25] =	stream.linear.scatter [tilespmem:s30], [sflag:$0x1], $0x1000, $0x38;
	[tilespmem:$0x1B700] =	vst v63  }
0x3e5: {  	_ =	swait.ge [sflag:s31], $0x1000  }
0x3e6: {  	s15 =	sld [smem:$0x7F3]  }
0x3e7: {  	[sflag:s31] =	ssyncset.done $0x0  }
0x3e8: {  	[sflag:s31] =	ssyncadd.s32 $0xFFFFF000  }
0x3e9: {  	[spmem:s15] =	stream.linear.scatter [tilespmem:s30], [sflag:$0x1], $0x1000, $0x38;
	[tilespmem:$0x1B700] =	vst v63  }
0x3ea: {  	_ =	swait.ge [sflag:s31], $0x1000  }
0x3eb: {  	s24 =	sld [smem:$0x7F4]  }
0x3ec: {  	[sflag:s31] =	ssyncset.done $0x0  }
0x3ed: {  	[sflag:s31] =	ssyncadd.s32 $0xFFFFF000  }
0x3ee: {  	[spmem:s24] =	stream.linear.scatter [tilespmem:s30], [sflag:$0x1], $0x1000, $0x38;
	[tilespmem:$0x1B700] =	vst v63  }
0x3ef: {  	_ =	swait.ge [sflag:s31], $0x1000  }
0x3f0: {  	s25 =	sld [smem:$0x7F5]  }
0x3f1: {  	[sflag:s31] =	ssyncset.done $0x0  }
0x3f2: {  	[sflag:s31] =	ssyncadd.s32 $0xFFFFF000  }
0x3f3: {  	[spmem:s25] =	stream.linear.scatter [tilespmem:s30], [sflag:$0x1], $0x1000, $0x38;
	[tilespmem:$0x1B700] =	vst v63  }
0x3f4: {  	_ =	swait.ge [sflag:s31], $0x1000  }
0x3f5: {  	s15 =	sld [smem:$0x7F6]  }
0x3f6: {  	[sflag:s31] =	ssyncset.done $0x0  }
0x3f7: {  	[sflag:s31] =	ssyncadd.s32 $0xFFFFF000  }
0x3f8: {  	[spmem:s15] =	stream.linear.scatter [tilespmem:s30], [sflag:$0x1], $0x1000, $0x38;
	[tilespmem:$0x1B700] =	vst v63  }
0x3f9: {  	_ =	swait.ge [sflag:s31], $0x1000  }
0x3fa: {  	s24 =	sld [smem:$0x7F7]  }
0x3fb: {  	[sflag:s31] =	ssyncset.done $0x0  }
0x3fc: {  	[sflag:s31] =	ssyncadd.s32 $0xFFFFF000  }
0x3fd: {  	[spmem:s24] =	stream.linear.scatter [tilespmem:s30], [sflag:$0x1], $0x1000, $0x38;
	[tilespmem:$0x1B700] =	vst v63  }
0x3fe: {  	_ =	swait.ge [sflag:s31], $0x1000  }
0x3ff: {  	s25 =	sld [smem:$0x7F8]  }
0x400: {  	[sflag:s31] =	ssyncset.done $0x0  }
0x401: {  	[sflag:s31] =	ssyncadd.s32 $0xFFFFF000  }
0x402: {  	[spmem:s25] =	stream.linear.scatter [tilespmem:s30], [sflag:$0x1], $0x1000, $0x38;
	[tilespmem:$0x1B700] =	vst v63  }
0x403: {  	_ =	swait.ge [sflag:s31], $0x1000  }
0x404: {  	s15 =	sld [smem:$0x7F9]  }
0x405: {  	[sflag:s31] =	ssyncset.done $0x0  }
0x406: {  	[sflag:s31] =	ssyncadd.s32 $0xFFFFF000  }
0x407: {  	[spmem:s15] =	stream.linear.scatter [tilespmem:s30], [sflag:$0x1], $0x1000, $0x38;
	[tilespmem:$0x1B700] =	vst v63  }
0x408: {  	_ =	swait.ge [sflag:s31], $0x1000  }
0x409: {  	s24 =	sld [smem:$0x7FA]  }
0x40a: {  	[sflag:s31] =	ssyncset.done $0x0  }
0x40b: {  	[sflag:s31] =	ssyncadd.s32 $0xFFFFF000  }
0x40c: {  	[spmem:s24] =	stream.linear.scatter [tilespmem:s30], [sflag:$0x1], $0x1000, $0x38;
	[tilespmem:$0x1B700] =	vst v63  }
0x40d: {  	_ =	swait.ge [sflag:s31], $0x1000  }
0x40e: {  	s25 =	sld [smem:$0x7FB]  }
0x40f: {  	[sflag:s31] =	ssyncset.done $0x0  }
0x410: {  	[sflag:s31] =	ssyncadd.s32 $0xFFFFF000  }
0x411: {  	[spmem:s25] =	stream.linear.scatter [tilespmem:s30], [sflag:$0x1], $0x1000, $0x38;
	[tilespmem:$0x1B700] =	vst v63  }
0x412: {  	_ =	swait.ge [sflag:s31], $0x1000  }
0x413: {  	s15 =	sld [smem:$0x7FC]  }
0x414: {  	[sflag:s31] =	ssyncset.done $0x0  }
0x415: {  	[sflag:s31] =	ssyncadd.s32 $0xFFFFF000  }
0x416: {  	[spmem:s15] =	stream.linear.scatter [tilespmem:s30], [sflag:$0x1], $0x1000, $0x38;
	[tilespmem:$0x1B700] =	vst v63  }
0x417: {  	_ =	swait.ge [sflag:s31], $0x1000  }
0x418: {  	s24 =	sld [smem:$0x7FD]  }
0x419: {  	[sflag:s31] =	ssyncset.done $0x0  }
0x41a: {  	[sflag:s31] =	ssyncadd.s32 $0xFFFFF000  }
0x41b: {  	[spmem:s24] =	stream.linear.scatter [tilespmem:s30], [sflag:$0x1], $0x1000, $0x38;
	[tilespmem:$0x1B700] =	vst v63  }
0x41c: {  	_ =	swait.ge [sflag:s31], $0x1000  }
0x41d: {  	[sflag:s31] =	ssyncset.done $0x0  }
0x41e: {  	[sflag:s31] =	ssyncadd.s32 $0xFFFFF000  }
0x41f: {  	[spmem:s26] =	stream.linear.scatter [tilespmem:s30], [sflag:$0x1], $0x1000, $0x38;
	[tilespmem:$0x1B700] =	vst v63  }
0x420: {  	_ =	swait.ge [sflag:s31], $0x1000  }
0x421: {  	[sflag:s31] =	ssyncset.done $0x0  }
0x422: {  	[sflag:s31] =	ssyncadd.s32 $0xFFFFF000  }
0x423: {  	[spmem:s16] =	stream.linear.scatter [tilespmem:s30], [sflag:$0x1], $0x1000, $0x38;
	[tilespmem:$0x1B700] =	vst v63  }
0x424: {  	_ =	swait.ge [sflag:s31], $0x1000  }
0x425: {  	[sflag:s31] =	ssyncset.done $0x0  }
0x426: {  	[sflag:s31] =	ssyncadd.s32 $0xFFFFF000  }
0x427: {  	[spmem:s28] =	stream.linear.scatter [tilespmem:s30], [sflag:$0x1], $0x1000, $0x38;
	[tilespmem:$0x1B700] =	vst v63  }
0x428: {  	_ =	swait.ge [sflag:s31], $0x1000  }
0x429: {  	[sflag:s31] =	ssyncset.done $0x0  }
0x42a: {  	[sflag:s31] =	ssyncadd.s32 $0xFFFFF000  }
0x42b: {  	s25 =	sadd.s32 $0x0, s9;
	[bflag:$0x0] =	sbarrier.arrive $0xFFFF  }
0x42c: {  	[tilespmem:s12], [sflag:$0x1] =	stream.linear.gather [hbm4b:s25+s4], $0x190, $0x38;
	[tilespmem:$0x1B700] =	vst v63  }
0x42d: {  	_ =	swait.ge [sflag:s31], $0x190  }
0x42e: {  	[sflag:s31] =	ssyncset.done $0x0  }
0x42f: {  	[sflag:s31] =	ssyncadd.s32 $0xFFFFFE70  }
0x430: {  	[tilespmem:s18], [sflag:$0x1] =	stream.indirect.gather [hbm4b:s3+s6], $0x80, s12, s6, $0xb8;
	[tilespmem:$0x1B700] =	vst v63  }
0x431: {  	_ =	swait.ge [sflag:s31], $0x6400  }
0x432: {  	[sflag:s31] =	ssyncset.done $0x0  }
0x433: {  	[sflag:s31] =	ssyncadd.s32 $0xFFFF9C00  }
0x434: {  	[spmem:s10] =	stream.indirect.scatter.add.f32 [tilespmem:s18], [sflag:$0x1], $0x80, s19, s6, $0xb8;
	[tilespmem:$0x1B700] =	vst v63  }
0x435: {  	_ =	swait.ge [sflag:s31], $0x6400  }
0x436: {  	s24 =	simm.s32 $0x32;
	s25 =	simm.s32 $0x64;
	[sflag:s31] =	ssyncset.done $0x0  }
.LBB3_22:
0x437: {  	s5 =	sadd.s32 s24, s9  }
0x438: {  	[sflag:s31] =	ssyncadd.s32 $0xFFFF9C00;
	s24 =	smov.u32 s25;
	s15 =	sadd.s32 $0x32, s25  }
0x439: {  	[tilespmem:s12], [sflag:$0x1] =	stream.linear.gather [hbm4b:s5+s4], $0x190, $0x38;
	[tilespmem:$0x1B700] =	vst v63  }
0x43a: {  	p1 =	seq.s32 s25, $0x992;
	_ =	swait.ge [sflag:s31], $0x190  }
0x43b: {  	[sflag:s31] =	ssyncset.done $0x0  }
0x43c: {  	[sflag:s31] =	ssyncadd.s32 $0xFFFFFE70  }
0x43d: {  	[tilespmem:s18], [sflag:$0x1] =	stream.indirect.gather [hbm4b:s3+s6], $0x80, s12, s6, $0xb8;
	[tilespmem:$0x1B700] =	vst v63  }
0x43e: {  	_ =	swait.ge [sflag:s31], $0x6400  }
.Ltmp13:
0x43f: {  	[sflag:s31] =	ssyncset.done $0x0;
	(pc) =	sbr.rel @!p1 .LBB3_22-.Ltmp13, $4  }
0x440: {  	[sflag:s31] =	ssyncadd.s32 $0xFFFF9C00  }
0x441: {  	[spmem:s10] =	stream.indirect.scatter.add.f32 [tilespmem:s18], [sflag:$0x1], $0x80, s19, s6, $0xb8;
	[tilespmem:$0x1B700] =	vst v63  }
0x442: {  	_ =	swait.ge [sflag:s31], $0x6400  }
0x443: {  	s25 =	smov.u32 s15;
	[sflag:s31] =	ssyncset.done $0x0  }
0x444: {  	s5 =	sadd.s32 s24, s9;
	[sflag:s31] =	ssyncadd.s32 $0xFFFF9C00  }
0x445: {  	[tilespmem:s12], [sflag:$0x1] =	stream.linear.gather [hbm4b:s5+s4], $0x190, $0x38;
	[tilespmem:$0x1B700] =	vst v63  }
0x446: {  	_ =	swait.ge [sflag:s31], $0x190  }
0x447: {  	[sflag:s31] =	ssyncset.done $0x0  }
0x448: {  	[sflag:s31] =	ssyncadd.s32 $0xFFFFFE70  }
0x449: {  	[tilespmem:s18], [sflag:$0x1] =	stream.indirect.gather [hbm4b:s3+s6], $0x80, s12, s6, $0xb8;
	[tilespmem:$0x1B700] =	vst v63  }
0x44a: {  	_ =	swait.ge [sflag:s31], $0x6400  }
0x44b: {  	[sflag:s31] =	ssyncset.done $0x0  }
0x44c: {  	[sflag:s31] =	ssyncadd.s32 $0xFFFF9C00  }
0x44d: {  	[spmem:s10] =	stream.indirect.scatter.add.f32 [tilespmem:s18], [sflag:$0x1], $0x80, s19, s6, $0xb8;
	[tilespmem:$0x1B700] =	vst v63  }
0x44e: {  	_ =	swait.ge [sflag:s31], $0x6400  }
0x44f: {  	[sflag:s31] =	ssyncset.done $0x0  }
0x450: {  	[sflag:s31] =	ssyncadd.s32 $0xFFFF9C00  }
0x451: {  	[bflag:$0x0] =	sbarrier.arrive $0xFFFF  }
0x452: {  	s24 =	rddreg [dreg:$0x17]  }
0x453: {  	[hbm:s24], [sflag:s22] =	dma.local [spmem:s23], $0x2800  }
0x454: {  	_ =	swait.ge [sflag:s31], $0x2800  }
0x455: {  	[sflag:s31] =	ssyncset.done $0x0  }
0x456: {  	[sflag:s31] =	ssyncadd.s32 $0xFFFFD800  }
0x457: {  	[spmem:s17] =	stream.linear.scatter [tilespmem:s30], [sflag:$0x1], $0x1000, $0x38;
	[tilespmem:$0x1B700] =	vst v63  }
0x458: {  	_ =	swait.ge [sflag:s31], $0x1000  }
0x459: {  	[sflag:s31] =	ssyncset.done $0x0  }
0x45a: {  	s25 =	rddreg [dreg:$0x1b];
	[sflag:s31] =	ssyncadd.s32 $0xFFFFF000  }
0x45b: {  	[spmem:s25] =	stream.linear.scatter [tilespmem:s30], [sflag:$0x1], $0x1000, $0x38;
	[tilespmem:$0x1B700] =	vst v63  }
0x45c: {  	_ =	swait.ge [sflag:s31], $0x1000  }
0x45d: {  	[sflag:s31] =	ssyncset.done $0x0  }
0x45e: {  	s15 =	rddreg [dreg:$0x1c];
	[sflag:s31] =	ssyncadd.s32 $0xFFFFF000  }
0x45f: {  	[spmem:s15] =	stream.linear.scatter [tilespmem:s30], [sflag:$0x1], $0x1000, $0x38;
	[tilespmem:$0x1B700] =	vst v63  }
0x460: {  	_ =	swait.ge [sflag:s31], $0x1000  }
0x461: {  	[sflag:s31] =	ssyncset.done $0x0  }
0x462: {  	s24 =	rddreg [dreg:$0x1d];
	[sflag:s31] =	ssyncadd.s32 $0xFFFFF000  }
0x463: {  	[spmem:s24] =	stream.linear.scatter [tilespmem:s30], [sflag:$0x1], $0x1000, $0x38;
	[tilespmem:$0x1B700] =	vst v63  }
0x464: {  	_ =	swait.ge [sflag:s31], $0x1000  }
0x465: {  	[sflag:s31] =	ssyncset.done $0x0  }
0x466: {  	s25 =	rddreg [dreg:$0x1e];
	[sflag:s31] =	ssyncadd.s32 $0xFFFFF000  }
0x467: {  	[spmem:s25] =	stream.linear.scatter [tilespmem:s30], [sflag:$0x1], $0x1000, $0x38;
	[tilespmem:$0x1B700] =	vst v63  }
0x468: {  	_ =	swait.ge [sflag:s31], $0x1000  }
0x469: {  	[sflag:s31] =	ssyncset.done $0x0  }
0x46a: {  	s15 =	rddreg [dreg:$0x1f];
	[sflag:s31] =	ssyncadd.s32 $0xFFFFF000  }
0x46b: {  	[spmem:s15] =	stream.linear.scatter [tilespmem:s30], [sflag:$0x1], $0x1000, $0x38;
	[tilespmem:$0x1B700] =	vst v63  }
0x46c: {  	_ =	swait.ge [sflag:s31], $0x1000  }
0x46d: {  	s24 =	sld [smem:$0x7F3]  }
0x46e: {  	[sflag:s31] =	ssyncset.done $0x0  }
0x46f: {  	[sflag:s31] =	ssyncadd.s32 $0xFFFFF000  }
0x470: {  	[spmem:s24] =	stream.linear.scatter [tilespmem:s30], [sflag:$0x1], $0x1000, $0x38;
	[tilespmem:$0x1B700] =	vst v63  }
0x471: {  	_ =	swait.ge [sflag:s31], $0x1000  }
0x472: {  	s25 =	sld [smem:$0x7F4]  }
0x473: {  	[sflag:s31] =	ssyncset.done $0x0  }
0x474: {  	[sflag:s31] =	ssyncadd.s32 $0xFFFFF000  }
0x475: {  	[spmem:s25] =	stream.linear.scatter [tilespmem:s30], [sflag:$0x1], $0x1000, $0x38;
	[tilespmem:$0x1B700] =	vst v63  }
0x476: {  	_ =	swait.ge [sflag:s31], $0x1000  }
0x477: {  	s15 =	sld [smem:$0x7F5]  }
0x478: {  	[sflag:s31] =	ssyncset.done $0x0  }
0x479: {  	[sflag:s31] =	ssyncadd.s32 $0xFFFFF000  }
0x47a: {  	[spmem:s15] =	stream.linear.scatter [tilespmem:s30], [sflag:$0x1], $0x1000, $0x38;
	[tilespmem:$0x1B700] =	vst v63  }
0x47b: {  	_ =	swait.ge [sflag:s31], $0x1000  }
0x47c: {  	s24 =	sld [smem:$0x7F6]  }
0x47d: {  	[sflag:s31] =	ssyncset.done $0x0  }
0x47e: {  	[sflag:s31] =	ssyncadd.s32 $0xFFFFF000  }
0x47f: {  	[spmem:s24] =	stream.linear.scatter [tilespmem:s30], [sflag:$0x1], $0x1000, $0x38;
	[tilespmem:$0x1B700] =	vst v63  }
0x480: {  	_ =	swait.ge [sflag:s31], $0x1000  }
0x481: {  	s25 =	sld [smem:$0x7F7]  }
0x482: {  	[sflag:s31] =	ssyncset.done $0x0  }
0x483: {  	[sflag:s31] =	ssyncadd.s32 $0xFFFFF000  }
0x484: {  	[spmem:s25] =	stream.linear.scatter [tilespmem:s30], [sflag:$0x1], $0x1000, $0x38;
	[tilespmem:$0x1B700] =	vst v63  }
0x485: {  	_ =	swait.ge [sflag:s31], $0x1000  }
0x486: {  	s15 =	sld [smem:$0x7F8]  }
0x487: {  	[sflag:s31] =	ssyncset.done $0x0  }
0x488: {  	[sflag:s31] =	ssyncadd.s32 $0xFFFFF000  }
0x489: {  	[spmem:s15] =	stream.linear.scatter [tilespmem:s30], [sflag:$0x1], $0x1000, $0x38;
	[tilespmem:$0x1B700] =	vst v63  }
0x48a: {  	_ =	swait.ge [sflag:s31], $0x1000  }
0x48b: {  	s24 =	sld [smem:$0x7F9]  }
0x48c: {  	[sflag:s31] =	ssyncset.done $0x0  }
0x48d: {  	[sflag:s31] =	ssyncadd.s32 $0xFFFFF000  }
0x48e: {  	[spmem:s24] =	stream.linear.scatter [tilespmem:s30], [sflag:$0x1], $0x1000, $0x38;
	[tilespmem:$0x1B700] =	vst v63  }
0x48f: {  	_ =	swait.ge [sflag:s31], $0x1000  }
0x490: {  	s25 =	sld [smem:$0x7FA]  }
0x491: {  	[sflag:s31] =	ssyncset.done $0x0  }
0x492: {  	[sflag:s31] =	ssyncadd.s32 $0xFFFFF000  }
0x493: {  	[spmem:s25] =	stream.linear.scatter [tilespmem:s30], [sflag:$0x1], $0x1000, $0x38;
	[tilespmem:$0x1B700] =	vst v63  }
0x494: {  	_ =	swait.ge [sflag:s31], $0x1000  }
0x495: {  	s15 =	sld [smem:$0x7FB]  }
0x496: {  	[sflag:s31] =	ssyncset.done $0x0  }
0x497: {  	[sflag:s31] =	ssyncadd.s32 $0xFFFFF000  }
0x498: {  	[spmem:s15] =	stream.linear.scatter [tilespmem:s30], [sflag:$0x1], $0x1000, $0x38;
	[tilespmem:$0x1B700] =	vst v63  }
0x499: {  	_ =	swait.ge [sflag:s31], $0x1000  }
0x49a: {  	s24 =	sld [smem:$0x7FC]  }
0x49b: {  	[sflag:s31] =	ssyncset.done $0x0  }
0x49c: {  	[sflag:s31] =	ssyncadd.s32 $0xFFFFF000  }
0x49d: {  	[spmem:s24] =	stream.linear.scatter [tilespmem:s30], [sflag:$0x1], $0x1000, $0x38;
	[tilespmem:$0x1B700] =	vst v63  }
0x49e: {  	_ =	swait.ge [sflag:s31], $0x1000  }
0x49f: {  	s25 =	sld [smem:$0x7FD]  }
0x4a0: {  	[sflag:s31] =	ssyncset.done $0x0  }
0x4a1: {  	[sflag:s31] =	ssyncadd.s32 $0xFFFFF000  }
0x4a2: {  	[spmem:s25] =	stream.linear.scatter [tilespmem:s30], [sflag:$0x1], $0x1000, $0x38;
	[tilespmem:$0x1B700] =	vst v63  }
0x4a3: {  	_ =	swait.ge [sflag:s31], $0x1000  }
0x4a4: {  	[sflag:s31] =	ssyncset.done $0x0  }
0x4a5: {  	[sflag:s31] =	ssyncadd.s32 $0xFFFFF000  }
0x4a6: {  	[spmem:s26] =	stream.linear.scatter [tilespmem:s30], [sflag:$0x1], $0x1000, $0x38;
	[tilespmem:$0x1B700] =	vst v63  }
0x4a7: {  	_ =	swait.ge [sflag:s31], $0x1000  }
0x4a8: {  	[sflag:s31] =	ssyncset.done $0x0  }
0x4a9: {  	[sflag:s31] =	ssyncadd.s32 $0xFFFFF000  }
0x4aa: {  	[spmem:s16] =	stream.linear.scatter [tilespmem:s30], [sflag:$0x1], $0x1000, $0x38;
	[tilespmem:$0x1B700] =	vst v63  }
0x4ab: {  	_ =	swait.ge [sflag:s31], $0x1000  }
0x4ac: {  	[sflag:s31] =	ssyncset.done $0x0  }
0x4ad: {  	[sflag:s31] =	ssyncadd.s32 $0xFFFFF000  }
0x4ae: {  	[spmem:s28] =	stream.linear.scatter [tilespmem:s30], [sflag:$0x1], $0x1000, $0x38;
	[tilespmem:$0x1B700] =	vst v63  }
0x4af: {  	_ =	swait.ge [sflag:s31], $0x1000  }
0x4b0: {  	[sflag:s31] =	ssyncset.done $0x0  }
0x4b1: {  	[sflag:s31] =	ssyncadd.s32 $0xFFFFF000  }
0x4b2: {  	s24 =	simm.s32 $0x70;
	s25 =	simm.s32 $0x3C0;
	[bflag:$0x0] =	sbarrier.arrive $0xFFFF  }
.LBB3_24:
0x4b3: {  	p1 =	sne.s32 s25, $0x18FC0;
	[tilespmem:s24+$0x14000] =	vst v1  }
0x4b4: {  	[tilespmem:s24+$0x13F90] =	vst v1  }
0x4b5: {  	[tilespmem:s24+$0x13FA0] =	vst v1  }
.Ltmp14:
0x4b6: {  	[tilespmem:s24+$0x13FB0] =	vst v1;
	(pc) =	sbr.rel @p1 .LBB3_24-.Ltmp14, $4  }
0x4b7: {  	[tilespmem:s24+$0x13FC0] =	vst v1  }
0x4b8: {  	[tilespmem:s24+$0x13FD0] =	vst v1  }
0x4b9: {  	[tilespmem:s24+$0x13FE0] =	vst v1  }
0x4ba: {  	[tilespmem:s24+$0x13FF0] =	vst v1;
	s24 =	sshra.s32 s25, $0x2;
	s25 =	sadd.s32 $0x200, s25  }
0x4bb: {  	[tilespmem:s24+$0x14000] =	vst v1  }
0x4bc: {  	[tilespmem:s24+$0x13F90] =	vst v1  }
0x4bd: {  	[tilespmem:s24+$0x13FA0] =	vst v1  }
0x4be: {  	[tilespmem:s24+$0x13FB0] =	vst v1  }
0x4bf: {  	[tilespmem:s24+$0x13FC0] =	vst v1  }
0x4c0: {  	[tilespmem:s24+$0x13FD0] =	vst v1  }
0x4c1: {  	[tilespmem:s24+$0x13FE0] =	vst v1  }
0x4c2: {  	[tilespmem:s24+$0x13FF0] =	vst v1;
	s5 =	sadd.s32 $0x0, s29  }
0x4c3: {  	[tilespmem:s20], [sflag:$0x1] =	stream.linear.gather [hbm4b:s5+s4], $0xC8, $0x38;
	[tilespmem:$0x1B700] =	vst v63  }
0x4c4: {  	_ =	swait.ge [sflag:s31], $0xC8  }
0x4c5: {  	[sflag:s31] =	ssyncset.done $0x0  }
0x4c6: {  	[sflag:s31] =	ssyncadd.s32 $0xFFFFFF38  }
0x4c7: {  	[spmem:s10] =	stream.indirect.scatter.add.f32 [tilespmem:s18], [sflag:$0x1], $0x80, s20, s6, $0xb8;
	[tilespmem:$0x1B700] =	vst v63  }
0x4c8: {  	_ =	swait.ge [sflag:s31], $0x6400  }
0x4c9: {  	s24 =	simm.s32 $0x19;
	s25 =	simm.s32 $0x32;
	[sflag:s31] =	ssyncset.done $0x0  }
.LBB3_26:
0x4ca: {  	s5 =	sadd.s32 s24, s29  }
0x4cb: {  	[sflag:s31] =	ssyncadd.s32 $0xFFFF9C00;
	s24 =	smov.u32 s25;
	s15 =	sadd.s32 $0x19, s25  }
0x4cc: {  	[tilespmem:s20], [sflag:$0x1] =	stream.linear.gather [hbm4b:s5+s4], $0xC8, $0x38;
	[tilespmem:$0x1B700] =	vst v63  }
0x4cd: {  	p1 =	sne.s32 s25, $0x258;
	_ =	swait.ge [sflag:s31], $0xC8  }
.Ltmp15:
0x4ce: {  	[sflag:s31] =	ssyncset.done $0x0;
	(pc) =	sbr.rel @p1 .LBB3_26-.Ltmp15, $4  }
0x4cf: {  	[sflag:s31] =	ssyncadd.s32 $0xFFFFFF38  }
0x4d0: {  	[spmem:s10] =	stream.indirect.scatter.add.f32 [tilespmem:s18], [sflag:$0x1], $0x80, s20, s6, $0xb8;
	[tilespmem:$0x1B700] =	vst v63  }
0x4d1: {  	_ =	swait.ge [sflag:s31], $0x6400  }
0x4d2: {  	s25 =	smov.u32 s15;
	[sflag:s31] =	ssyncset.done $0x0  }
0x4d3: {  	s5 =	sadd.s32 s24, s29;
	[sflag:s31] =	ssyncadd.s32 $0xFFFF9C00  }
0x4d4: {  	[tilespmem:s20], [sflag:$0x1] =	stream.linear.gather [hbm4b:s5+s4], $0xC8, $0x38;
	[tilespmem:$0x1B700] =	vst v63  }
0x4d5: {  	_ =	swait.ge [sflag:s31], $0xC8  }
0x4d6: {  	[sflag:s31] =	ssyncset.done $0x0  }
0x4d7: {  	[sflag:s31] =	ssyncadd.s32 $0xFFFFFF38  }
0x4d8: {  	[spmem:s10] =	stream.indirect.scatter.add.f32 [tilespmem:s18], [sflag:$0x1], $0x80, s20, s6, $0xb8;
	[tilespmem:$0x1B700] =	vst v63  }
0x4d9: {  	_ =	swait.ge [sflag:s31], $0x6400  }
0x4da: {  	[sflag:s31] =	ssyncset.done $0x0  }
0x4db: {  	[sflag:s31] =	ssyncadd.s32 $0xFFFF9C00  }
0x4dc: {  	[bflag:$0x0] =	sbarrier.arrive $0xFFFF  }
0x4dd: {  	s24 =	rddreg [dreg:$0x19]  }
0x4de: {  	[hbm:s24], [sflag:s22] =	dma.local [spmem:s23], $0x2800  }
0x4df: {  	_ =	swait.ge [sflag:s31], $0x2800  }
0x4e0: {  	[sflag:s31] =	ssyncset.done $0x0  }
0x4e1: {  	[sflag:s31] =	ssyncadd.s32 $0xFFFFD800  }
0x4e2: {  	[spmem:s17] =	stream.linear.scatter [tilespmem:s30], [sflag:$0x1], $0x1000, $0x38;
	[tilespmem:$0x1B700] =	vst v63  }
0x4e3: {  	_ =	swait.ge [sflag:s31], $0x1000  }
0x4e4: {  	[sflag:s31] =	ssyncset.done $0x0  }
0x4e5: {  	s25 =	rddreg [dreg:$0x1b];
	[sflag:s31] =	ssyncadd.s32 $0xFFFFF000  }
0x4e6: {  	[spmem:s25] =	stream.linear.scatter [tilespmem:s30], [sflag:$0x1], $0x1000, $0x38;
	[tilespmem:$0x1B700] =	vst v63  }
0x4e7: {  	_ =	swait.ge [sflag:s31], $0x1000  }
0x4e8: {  	[sflag:s31] =	ssyncset.done $0x0  }
0x4e9: {  	s15 =	rddreg [dreg:$0x1c];
	[sflag:s31] =	ssyncadd.s32 $0xFFFFF000  }
0x4ea: {  	[spmem:s15] =	stream.linear.scatter [tilespmem:s30], [sflag:$0x1], $0x1000, $0x38;
	[tilespmem:$0x1B700] =	vst v63  }
0x4eb: {  	_ =	swait.ge [sflag:s31], $0x1000  }
0x4ec: {  	[sflag:s31] =	ssyncset.done $0x0  }
0x4ed: {  	s23 =	rddreg [dreg:$0x1d];
	[sflag:s31] =	ssyncadd.s32 $0xFFFFF000  }
0x4ee: {  	[spmem:s23] =	stream.linear.scatter [tilespmem:s30], [sflag:$0x1], $0x1000, $0x38;
	[tilespmem:$0x1B700] =	vst v63  }
0x4ef: {  	_ =	swait.ge [sflag:s31], $0x1000  }
0x4f0: {  	[sflag:s31] =	ssyncset.done $0x0  }
0x4f1: {  	s24 =	rddreg [dreg:$0x1e];
	[sflag:s31] =	ssyncadd.s32 $0xFFFFF000  }
0x4f2: {  	[spmem:s24] =	stream.linear.scatter [tilespmem:s30], [sflag:$0x1], $0x1000, $0x38;
	[tilespmem:$0x1B700] =	vst v63  }
0x4f3: {  	_ =	swait.ge [sflag:s31], $0x1000  }
0x4f4: {  	[sflag:s31] =	ssyncset.done $0x0  }
0x4f5: {  	s25 =	rddreg [dreg:$0x1f];
	[sflag:s31] =	ssyncadd.s32 $0xFFFFF000  }
0x4f6: {  	[spmem:s25] =	stream.linear.scatter [tilespmem:s30], [sflag:$0x1], $0x1000, $0x38;
	[tilespmem:$0x1B700] =	vst v63  }
0x4f7: {  	_ =	swait.ge [sflag:s31], $0x1000  }
0x4f8: {  	s15 =	sld [smem:$0x7F3]  }
0x4f9: {  	[sflag:s31] =	ssyncset.done $0x0  }
0x4fa: {  	[sflag:s31] =	ssyncadd.s32 $0xFFFFF000  }
0x4fb: {  	[spmem:s15] =	stream.linear.scatter [tilespmem:s30], [sflag:$0x1], $0x1000, $0x38;
	[tilespmem:$0x1B700] =	vst v63  }
0x4fc: {  	_ =	swait.ge [sflag:s31], $0x1000  }
0x4fd: {  	s23 =	sld [smem:$0x7F4]  }
0x4fe: {  	[sflag:s31] =	ssyncset.done $0x0  }
0x4ff: {  	[sflag:s31] =	ssyncadd.s32 $0xFFFFF000  }
0x500: {  	[spmem:s23] =	stream.linear.scatter [tilespmem:s30], [sflag:$0x1], $0x1000, $0x38;
	[tilespmem:$0x1B700] =	vst v63  }
0x501: {  	_ =	swait.ge [sflag:s31], $0x1000  }
0x502: {  	s24 =	sld [smem:$0x7F5]  }
0x503: {  	[sflag:s31] =	ssyncset.done $0x0  }
0x504: {  	[sflag:s31] =	ssyncadd.s32 $0xFFFFF000  }
0x505: {  	[spmem:s24] =	stream.linear.scatter [tilespmem:s30], [sflag:$0x1], $0x1000, $0x38;
	[tilespmem:$0x1B700] =	vst v63  }
0x506: {  	_ =	swait.ge [sflag:s31], $0x1000  }
0x507: {  	s25 =	sld [smem:$0x7F6]  }
0x508: {  	[sflag:s31] =	ssyncset.done $0x0  }
0x509: {  	[sflag:s31] =	ssyncadd.s32 $0xFFFFF000  }
0x50a: {  	[spmem:s25] =	stream.linear.scatter [tilespmem:s30], [sflag:$0x1], $0x1000, $0x38;
	[tilespmem:$0x1B700] =	vst v63  }
0x50b: {  	_ =	swait.ge [sflag:s31], $0x1000  }
0x50c: {  	s15 =	sld [smem:$0x7F7]  }
0x50d: {  	[sflag:s31] =	ssyncset.done $0x0  }
0x50e: {  	[sflag:s31] =	ssyncadd.s32 $0xFFFFF000  }
0x50f: {  	[spmem:s15] =	stream.linear.scatter [tilespmem:s30], [sflag:$0x1], $0x1000, $0x38;
	[tilespmem:$0x1B700] =	vst v63  }
0x510: {  	_ =	swait.ge [sflag:s31], $0x1000  }
0x511: {  	s23 =	sld [smem:$0x7F8]  }
0x512: {  	[sflag:s31] =	ssyncset.done $0x0  }
0x513: {  	[sflag:s31] =	ssyncadd.s32 $0xFFFFF000  }
0x514: {  	[spmem:s23] =	stream.linear.scatter [tilespmem:s30], [sflag:$0x1], $0x1000, $0x38;
	[tilespmem:$0x1B700] =	vst v63  }
0x515: {  	_ =	swait.ge [sflag:s31], $0x1000  }
0x516: {  	s24 =	sld [smem:$0x7F9]  }
0x517: {  	[sflag:s31] =	ssyncset.done $0x0  }
0x518: {  	[sflag:s31] =	ssyncadd.s32 $0xFFFFF000  }
0x519: {  	[spmem:s24] =	stream.linear.scatter [tilespmem:s30], [sflag:$0x1], $0x1000, $0x38;
	[tilespmem:$0x1B700] =	vst v63  }
0x51a: {  	_ =	swait.ge [sflag:s31], $0x1000  }
0x51b: {  	s25 =	sld [smem:$0x7FA]  }
0x51c: {  	[sflag:s31] =	ssyncset.done $0x0  }
0x51d: {  	[sflag:s31] =	ssyncadd.s32 $0xFFFFF000  }
0x51e: {  	[spmem:s25] =	stream.linear.scatter [tilespmem:s30], [sflag:$0x1], $0x1000, $0x38;
	[tilespmem:$0x1B700] =	vst v63  }
0x51f: {  	_ =	swait.ge [sflag:s31], $0x1000  }
0x520: {  	s15 =	sld [smem:$0x7FB]  }
0x521: {  	[sflag:s31] =	ssyncset.done $0x0  }
0x522: {  	[sflag:s31] =	ssyncadd.s32 $0xFFFFF000  }
0x523: {  	[spmem:s15] =	stream.linear.scatter [tilespmem:s30], [sflag:$0x1], $0x1000, $0x38;
	[tilespmem:$0x1B700] =	vst v63  }
0x524: {  	_ =	swait.ge [sflag:s31], $0x1000  }
0x525: {  	s23 =	sld [smem:$0x7FC]  }
0x526: {  	[sflag:s31] =	ssyncset.done $0x0  }
0x527: {  	[sflag:s31] =	ssyncadd.s32 $0xFFFFF000  }
0x528: {  	[spmem:s23] =	stream.linear.scatter [tilespmem:s30], [sflag:$0x1], $0x1000, $0x38;
	[tilespmem:$0x1B700] =	vst v63  }
0x529: {  	_ =	swait.ge [sflag:s31], $0x1000  }
0x52a: {  	s24 =	sld [smem:$0x7FD]  }
0x52b: {  	[sflag:s31] =	ssyncset.done $0x0  }
0x52c: {  	[sflag:s31] =	ssyncadd.s32 $0xFFFFF000  }
0x52d: {  	[spmem:s24] =	stream.linear.scatter [tilespmem:s30], [sflag:$0x1], $0x1000, $0x38;
	[tilespmem:$0x1B700] =	vst v63  }
0x52e: {  	_ =	swait.ge [sflag:s31], $0x1000  }
0x52f: {  	[sflag:s31] =	ssyncset.done $0x0  }
0x530: {  	[sflag:s31] =	ssyncadd.s32 $0xFFFFF000  }
0x531: {  	[spmem:s26] =	stream.linear.scatter [tilespmem:s30], [sflag:$0x1], $0x1000, $0x38;
	[tilespmem:$0x1B700] =	vst v63  }
0x532: {  	_ =	swait.ge [sflag:s31], $0x1000  }
0x533: {  	[sflag:s31] =	ssyncset.done $0x0  }
0x534: {  	[sflag:s31] =	ssyncadd.s32 $0xFFFFF000  }
0x535: {  	[spmem:s16] =	stream.linear.scatter [tilespmem:s30], [sflag:$0x1], $0x1000, $0x38;
	[tilespmem:$0x1B700] =	vst v63  }
0x536: {  	_ =	swait.ge [sflag:s31], $0x1000  }
0x537: {  	[sflag:s31] =	ssyncset.done $0x0  }
0x538: {  	[sflag:s31] =	ssyncadd.s32 $0xFFFFF000  }
0x539: {  	[spmem:s28] =	stream.linear.scatter [tilespmem:s30], [sflag:$0x1], $0x1000, $0x38;
	[tilespmem:$0x1B700] =	vst v63  }
0x53a: {  	_ =	swait.ge [sflag:s31], $0x1000  }
0x53b: {  	[sflag:s31] =	ssyncset.done $0x0  }
0x53c: {  	[sflag:s31] =	ssyncadd.s32 $0xFFFFF000  }
0x53d: {  	s25 =	sadd.s32 $0x0, s13;
	[bflag:$0x0] =	sbarrier.arrive $0xFFFF  }
0x53e: {  	[tilespmem:s12], [sflag:$0x1] =	stream.linear.gather [hbm4b:s25+s4], $0x190, $0x38;
	[tilespmem:$0x1B700] =	vst v63  }
0x53f: {  	_ =	swait.ge [sflag:s31], $0x190  }
0x540: {  	[sflag:s31] =	ssyncset.done $0x0  }
0x541: {  	[sflag:s31] =	ssyncadd.s32 $0xFFFFFE70  }
0x542: {  	[spmem:s10] =	stream.indirect.scatter.add.f32 [tilespmem:s18], [sflag:$0x1], $0x80, s12, s6, $0xb8;
	[tilespmem:$0x1B700] =	vst v63  }
0x543: {  	_ =	swait.ge [sflag:s31], $0x6400  }
0x544: {  	[sflag:s31] =	ssyncset.done $0x0  }
0x545: {  	[sflag:s31] =	ssyncadd.s32 $0xFFFF9C00  }
0x546: {  	[spmem:s10] =	stream.indirect.scatter.add.f32 [tilespmem:s18], [sflag:$0x1], $0x80, s19, s6, $0xb8;
	[tilespmem:$0x1B700] =	vst v63  }
0x547: {  	_ =	swait.ge [sflag:s31], $0x6400  }
0x548: {  	s23 =	simm.s32 $0x32;
	s24 =	simm.s32 $0x64;
	[sflag:s31] =	ssyncset.done $0x0  }
.LBB3_28:
0x549: {  	s5 =	sadd.s32 s23, s13  }
0x54a: {  	[sflag:s31] =	ssyncadd.s32 $0xFFFF9C00;
	s23 =	smov.u32 s24;
	s15 =	sadd.s32 $0x32, s24  }
0x54b: {  	[tilespmem:s12], [sflag:$0x1] =	stream.linear.gather [hbm4b:s5+s4], $0x190, $0x38;
	[tilespmem:$0x1B700] =	vst v63  }
0x54c: {  	p1 =	sne.s32 s24, $0x4B0;
	_ =	swait.ge [sflag:s31], $0x190  }
0x54d: {  	[sflag:s31] =	ssyncset.done $0x0  }
0x54e: {  	[sflag:s31] =	ssyncadd.s32 $0xFFFFFE70  }
0x54f: {  	[spmem:s10] =	stream.indirect.scatter.add.f32 [tilespmem:s18], [sflag:$0x1], $0x80, s12, s6, $0xb8;
	[tilespmem:$0x1B700] =	vst v63  }
0x550: {  	_ =	swait.ge [sflag:s31], $0x6400  }
.Ltmp16:
0x551: {  	[sflag:s31] =	ssyncset.done $0x0;
	(pc) =	sbr.rel @p1 .LBB3_28-.Ltmp16, $4  }
0x552: {  	[sflag:s31] =	ssyncadd.s32 $0xFFFF9C00  }
0x553: {  	[spmem:s10] =	stream.indirect.scatter.add.f32 [tilespmem:s18], [sflag:$0x1], $0x80, s19, s6, $0xb8;
	[tilespmem:$0x1B700] =	vst v63  }
0x554: {  	_ =	swait.ge [sflag:s31], $0x6400  }
0x555: {  	s24 =	smov.u32 s15;
	[sflag:s31] =	ssyncset.done $0x0  }
.Ltmp17:
0x556: {  	_ = 	snop;
	(pc) =	sbr.rel .LBB3_29-.Ltmp17, $1  }
0x557: {  	_ =	sdelay $0x3  }
.LBB3_31:
0x558: {  	_ =	sfence.sel $0x180000  }
0x559: {  	[bflag:$0x0] =	sbarrier.arrive $0xFFFF  }
0x55a: {  	_ =	strace $0x90000047  }
0x55b: {  	s0 =	stileid.u32;
	[bflag:$0x2] =	sbarrier.arrive $0xFFFF  }
0x55c: {  	p0 =	sne.s32 s0, $0x0;
	s0 =	rddreg [dreg:$0xf]  }
0x55d: {  	s0 =	sadd.s32 @!p0 $0x100000, s0  }
0x55e: {  	[sflag:s0] =	ssyncadd.tile.s32 @!p0 $0x1;
	_ =	shalt  }
.Lfunc_end3:
_tile_overlayer_lowered:
.L_overlay_start_3:
0x55f: {  	(tag) =	ssettag $0x3  }
0x560: {  	s0 =	rddreg [dreg:$0x0];
	s2 =	stileid.u32  }
0x561: {  	s1 =	rddreg [dreg:$0x1];
	p0 =	sne.s32 s2, $0x0  }
0x562: {  	s3 =	rddreg [dreg:$0x2];
	[bflag:$0x3] =	sbarrier.arrive $0xFFFF;
	s2 =	simm.s32 @!p0 $0x1C01  }
0x563: {  	[timem:s3], [sflag:s2] =	dma.local @!p0 [hbm:s0], s1  }
0x564: {  	s0 =	simm.s32 @!p0 $0x1  }
0x565: {  	_ =	swait.ge @!p0 [sflag:s0], s1  }
0x566: {  	s1 =	ssub.s32 @!p0 $0x0, s1;
	[sflag:s0] =	ssyncset.done @!p0 $0x0  }
0x567: {  	[sflag:s0] =	ssyncadd.s32 @!p0 s1  }
0x568: {  	[bflag:$0x3] =	sbarrier.arrive $0xFFFF  }
0x569: {  	_ =	shalt  }

</sc_bundles>
